<compile_context>
chip_gen: v7x
topology: tpu7x:2x2x1
jax: 0.10.2.dev20260603
libtpu: 0.0.44.dev20260713+nightly
codegen_flags: <defaults>
</compile_context>

<pallas_src>
import functools

import jax
import jax.numpy as jnp
from jax import lax
from jax.experimental import pallas as pl
from jax.experimental.pallas import tpu as pltpu
from jax.experimental.pallas import tpu_sc as plsc

N = 100000
G = 16
E = 3200000

NC = 2
NS = 16
NW = NC * NS

EDGES_PER_W = E // NW
CHUNK = 400
PAIR = 2 * CHUNK
NPAIR = EDGES_PER_W // PAIR
GATHER_OFFS = (0, 128, 256, 384)
GATHER_SIZES = (128, 128, 128, 16)
ROWS_PER_W = N // NW
RB = 125
NRCHUNK = ROWS_PER_W // RB


def _sc_body(y_hbm, idx_hbm, vals_hbm, p1_hbm, pg_hbm, pc_hbm,
             idx_a, idx_b,
             rows_src_a, rows_dst_a, rows_src_b, rows_dst_b,
             vals_v, stage, y_sp, sem_a, sem_b, sem_ia, sem_ib):
    wid = lax.axis_index("s") * NC + lax.axis_index("c")
    ebase = wid * EDGES_PER_W

    sid = lax.axis_index("s")
    fill = N // NS
    pltpu.async_copy(y_hbm.at[pl.ds(sid * fill, fill)],
                     y_sp.at[pl.ds(sid * fill, fill)], sem_ia)

    acc_c = jnp.zeros((16,), jnp.float32)
    row_base = wid * ROWS_PER_W
    for rc in range(NRCHUNK):
        pltpu.sync_copy(y_hbm.at[pl.ds(row_base + rc * RB, RB)],
                        rows_src_a.at[pl.ds(0, RB)])

        def _crow(i, a):
            return a + rows_src_a[i, :]

        acc_c = lax.fori_loop(0, RB, _crow, acc_c)

    pltpu.make_async_copy(y_hbm.at[pl.ds(sid * fill, fill)],
                          y_sp.at[pl.ds(sid * fill, fill)], sem_ia).wait()
    plsc.subcore_barrier()

    def _fire(idx_ref, row, rows_ref, sem):
        for o, s in zip(GATHER_OFFS, GATHER_SIZES):
            pltpu.async_copy(y_sp.at[idx_ref.at[row, pl.ds(o, s)]],
                             rows_ref.at[pl.ds(o, s)], sem)

    def _drain_rows(rows_ref, sem):
        pltpu.make_async_copy(y_hbm.at[pl.ds(0, CHUNK)], rows_ref, sem).wait()

    def _drain_idx(idx_ref, sem):
        pltpu.make_async_copy(idx_hbm.at[:, pl.ds(0, CHUNK)], idx_ref,
                              sem).wait()

    def _stage_idx(c, idx_ref, sem):
        eb = ebase + c * CHUNK
        pltpu.async_copy(idx_hbm.at[:, pl.ds(eb, CHUNK)], idx_ref, sem)

    def _edges(rows_s, rows_d, a):
        def _edge8(i, acc):
            b = i * 8
            for k in range(8):
                s = rows_s[b + k, :]
                t = rows_d[b + k, :]
                acc = acc + s * (1.0 - t)
            return acc

        return lax.fori_loop(0, CHUNK // 8, _edge8, a)

    def _pair_body(i, carry, fire):
        a1, ag = carry
        _drain_rows(rows_src_a, sem_a)
        _drain_rows(rows_dst_a, sem_a)
        _drain_idx(idx_b, sem_ib)
        pltpu.make_async_copy(vals_hbm.at[pl.ds(0, PAIR)], vals_v,
                              sem_ib).wait()
        _fire(idx_b, 0, rows_src_b, sem_b)
        _fire(idx_b, 1, rows_dst_b, sem_b)

        def _gval(k, acc):
            return acc + vals_v[pl.ds(k * 16, 16)]

        ag = lax.fori_loop(0, PAIR // 16, _gval, ag)
        if fire:
            _stage_idx(2 * i + 2, idx_a, sem_ia)
        a1 = _edges(rows_src_a, rows_dst_a, a1)
        _drain_rows(rows_src_b, sem_b)
        _drain_rows(rows_dst_b, sem_b)
        if fire:
            _drain_idx(idx_a, sem_ia)
            _fire(idx_a, 0, rows_src_a, sem_a)
            _fire(idx_a, 1, rows_dst_a, sem_a)
            _stage_idx(2 * i + 3, idx_b, sem_ib)
            pltpu.async_copy(vals_hbm.at[pl.ds(ebase + (i + 1) * PAIR, PAIR)],
                             vals_v, sem_ib)
        a1 = _edges(rows_src_b, rows_dst_b, a1)
        return (a1, ag)

    pltpu.sync_copy(idx_hbm.at[:, pl.ds(ebase, CHUNK)], idx_a)
    _fire(idx_a, 0, rows_src_a, sem_a)
    _fire(idx_a, 1, rows_dst_a, sem_a)
    _stage_idx(1, idx_b, sem_ib)
    pltpu.async_copy(vals_hbm.at[pl.ds(ebase, PAIR)], vals_v, sem_ib)

    acc_1 = jnp.zeros((16,), jnp.float32)
    acc_g = jnp.zeros((16,), jnp.float32)
    acc_1, acc_g = lax.fori_loop(
        0, NPAIR - 1,
        lambda i, cy: _pair_body(i, cy, True), (acc_1, acc_g))
    acc_1, acc_g = _pair_body(NPAIR - 1, (acc_1, acc_g), False)

    stage[...] = acc_1
    pltpu.sync_copy(stage, p1_hbm.at[wid])
    stage[...] = acc_g
    pltpu.sync_copy(stage, pg_hbm.at[wid])
    stage[...] = acc_c
    pltpu.sync_copy(stage, pc_hbm.at[wid])


def _finish_body(p1_ref, pg_ref, pc_ref, l_ref, l1_ref, l2_ref):
    gamma = jnp.sum(pg_ref[...])
    l1 = jnp.sum(p1_ref[...]) / gamma
    col = jnp.sum(pc_ref[...], axis=0)
    l2 = jnp.sum(jnp.square(col - jnp.float32(N) / jnp.float32(G)))
    l_ref[...] = jnp.reshape(l1 + l2, (1, 1))
    l1_ref[...] = jnp.reshape(l1, (1, 1))
    l2_ref[...] = jnp.reshape(l2, (1, 1))


@jax.jit
def kernel(Y, edge_index, edge_values):
    sc = pl.kernel(
        _sc_body,
        out_type=(
            jax.ShapeDtypeStruct((NW, 16), jnp.float32),
            jax.ShapeDtypeStruct((NW, 16), jnp.float32),
            jax.ShapeDtypeStruct((NW, 16), jnp.float32),
        ),
        mesh=plsc.VectorSubcoreMesh(core_axis_name="c", subcore_axis_name="s"),
        compiler_params=pltpu.CompilerParams(use_tc_tiling_on_sc=False),
        scratch_types=[
            pltpu.VMEM((2, CHUNK), jnp.int32),
            pltpu.VMEM((2, CHUNK), jnp.int32),
            pltpu.VMEM((CHUNK, 16), jnp.float32),
            pltpu.VMEM((CHUNK, 16), jnp.float32),
            pltpu.VMEM((CHUNK, 16), jnp.float32),
            pltpu.VMEM((CHUNK, 16), jnp.float32),
            pltpu.VMEM((PAIR,), jnp.float32),
            pltpu.VMEM((16,), jnp.float32),
            pltpu.VMEM_SHARED((N, 16), jnp.float32),
            pltpu.SemaphoreType.DMA,
            pltpu.SemaphoreType.DMA,
            pltpu.SemaphoreType.DMA,
            pltpu.SemaphoreType.DMA,
        ],
    )
    p1, pg, pc = sc(Y, edge_index, edge_values)
    loss, l1, l2 = pl.pallas_call(
        _finish_body,
        out_shape=(
            jax.ShapeDtypeStruct((1, 1), jnp.float32),
            jax.ShapeDtypeStruct((1, 1), jnp.float32),
            jax.ShapeDtypeStruct((1, 1), jnp.float32),
        ),
    )(p1, pg, pc)
    return (jnp.reshape(loss, (1,)), jnp.reshape(l1, (1,)),
            jnp.reshape(l2, (1,)), Y)

# --- scband reference (transcript-rebuilt; emitter-appended) ---
"""Pipeline reference for scband-cut-balance-loss-28578712388223 (READ-ONLY COPY).

The authoritative reference and input builder live on the scoring server;
editing this copy changes nothing except your own understanding.
"""

import jax, jax.numpy as jnp
import numpy as np

N = 100000
G = 16
E = 3200000


def setup_inputs(seed: int = 0) -> dict:
    key = jax.random.key(seed)
    k1, k2, k3 = jax.random.split(key, 3)
    Y = jax.random.uniform(k1, (N, G), dtype=jnp.float32)
    edge_index = jax.random.randint(k2, (2, E), 0, N, dtype=jnp.int32)
    edge_values = jax.random.uniform(k3, (E,), dtype=jnp.float32)
    return {"Y": Y, "edge_index": edge_index, "edge_values": edge_values}


def reference(Y, edge_index, edge_values):
    # Gamma = torch.sparse.sum(A) -> sum of the sparse values
    Gamma = jnp.sum(edge_values)
    YbyGamma = Y / Gamma
    one_minus_Y = 1.0 - Y
    src = edge_index[0]
    dst = edge_index[1]
    # loss_1 = sum over edges (i,j) of dot(YbyGamma[i,:], (1-Y)[j,:])
    # (the torch loop ignores edge values in the dot product; values only enter via Gamma)
    gathered_src = jnp.take(YbyGamma, src, axis=0)
    gathered_dst = jnp.take(one_minus_Y, dst, axis=0)
    loss_1 = jnp.reshape(jnp.sum(gathered_src * gathered_dst), (1,))
    # loss_2 = sum_j (sum_i Y[i,j] - N/g)^2
    e = jnp.float32(N) / jnp.float32(G)
    col_sums = jnp.sum(Y, axis=0)
    loss_2 = jnp.reshape(jnp.sum(jnp.square(col_sums - e)), (1,))
    loss = loss_1 + loss_2
    return (loss, loss_1, loss_2, Y)

if __name__ == "__main__":
    import jax
    _d = setup_inputs()
    print(jax.jit(kernel)(*tuple(_d.values())))

</pallas_src>

<mosaic_0001>
#map = affine_map<(d0, d1) -> (0, 0)>
#map1 = affine_map<(d0, d1) -> (0)>
module attributes {stable_mosaic.version = 14 : i64} {
  func.func @_sc_body(%arg0: i32, %arg1: i32, %arg2: memref<100000x16xf32, #tpu.memory_space<hbm>>, %arg3: memref<2x3200000xi32, #tpu.memory_space<hbm>>, %arg4: memref<3200000xf32, #tpu.memory_space<hbm>>, %arg5: memref<32x16xf32, #tpu.memory_space<hbm>>, %arg6: memref<32x16xf32, #tpu.memory_space<hbm>>, %arg7: memref<32x16xf32, #tpu.memory_space<hbm>>, %arg8: memref<2x400xi32, #tpu.memory_space<vmem>>, %arg9: memref<2x400xi32, #tpu.memory_space<vmem>>, %arg10: memref<400x16xf32, #tpu.memory_space<vmem>>, %arg11: memref<400x16xf32, #tpu.memory_space<vmem>>, %arg12: memref<400x16xf32, #tpu.memory_space<vmem>>, %arg13: memref<400x16xf32, #tpu.memory_space<vmem>>, %arg14: memref<800xf32, #tpu.memory_space<vmem>>, %arg15: memref<16xf32, #tpu.memory_space<vmem>>, %arg16: memref<100000x16xf32, #tpu.memory_space<vmem_shared>>, %arg17: memref<!tpu.dma_semaphore, #tpu.memory_space<semaphore_mem>>, %arg18: memref<!tpu.dma_semaphore, #tpu.memory_space<semaphore_mem>>, %arg19: memref<!tpu.dma_semaphore, #tpu.memory_space<semaphore_mem>>, %arg20: memref<!tpu.dma_semaphore, #tpu.memory_space<semaphore_mem>>) attributes {dimension_semantics = [#tpu.dimension_semantics<core_parallel>, #tpu.dimension_semantics<subcore_parallel>], iteration_bounds = array<i64: 2, 16>, scalar_prefetch = 0 : i64, scratch_operands = 13 : i64, tpu.core_type = #tpu.core_type<sc_vector_subcore>, window_params = [{transform_indices = #map}, {transform_indices = #map}, {transform_indices = #map1}, {transform_indices = #map}, {transform_indices = #map}, {transform_indices = #map}]} {
    %mul3A = arith.constant 2 : i32
    %mul3A_0 = arith.muli %arg1, %mul3A : i32
    %add3A = arith.addi %mul3A_0, %arg0 : i32
    %mul3A_1 = arith.constant 100000 : i32
    %mul3A_2 = arith.muli %add3A, %mul3A_1 : i32
    %mul3A_3 = arith.constant 6250 : i32
    %mul3A_4 = arith.muli %arg1, %mul3A_3 : i32
    %mul3A_5 = arith.constant 6250 : i32
    %mul3A_6 = arith.muli %arg1, %mul3A_5 : i32
    %dma_start3A = arith.constant 0 : i32
    %dma_start3A_7 = tpu.memref_slice %arg16[%mul3A_6, %dma_start3A] : memref<100000x16xf32, #tpu.memory_space<vmem_shared>> -> memref<6250x16xf32, #tpu.memory_space<vmem_shared>>
    %dma_start3A_8 = arith.constant 0 : i32
    %dma_start3A_9 = tpu.memref_slice %arg2[%mul3A_4, %dma_start3A_8] : memref<100000x16xf32, #tpu.memory_space<hbm>> -> memref<6250x16xf32, #tpu.memory_space<hbm>>
    tpu.enqueue_dma source(%dma_start3A_9 : memref<6250x16xf32, #tpu.memory_space<hbm>>) target(%dma_start3A_7 : memref<6250x16xf32, #tpu.memory_space<vmem_shared>>) target_semaphore(%arg19 : memref<!tpu.dma_semaphore, #tpu.memory_space<semaphore_mem>>)
    %broadcast_in_dim3A = arith.constant 0.000000e+00 : f32
    %broadcast_in_dim3A_10 = vector.broadcast %broadcast_in_dim3A : f32 to vector<16xf32>
    %mul3A_11 = arith.constant 3125 : i32
    %mul3A_12 = arith.muli %add3A, %mul3A_11 : i32
    %add3A_13 = arith.constant 0 : i32
    %add3A_14 = arith.addi %mul3A_12, %add3A_13 : i32
    "tpu.region"() ({
      %run_scoped3A = tpu.sem_alloc : memref<!tpu.dma_semaphore, #tpu.memory_space<semaphore_mem>>
      %dma_start3A_460 = arith.constant 0 : i32
      %dma_start3A_461 = arith.constant 0 : i32
      %dma_start3A_462 = tpu.memref_slice %arg10[%dma_start3A_460, %dma_start3A_461] : memref<400x16xf32, #tpu.memory_space<vmem>> -> memref<125x16xf32, #tpu.memory_space<vmem>>
      %dma_start3A_463 = arith.constant 0 : i32
      %dma_start3A_464 = tpu.memref_slice %arg2[%add3A_14, %dma_start3A_463] : memref<100000x16xf32, #tpu.memory_space<hbm>> -> memref<125x16xf32, #tpu.memory_space<hbm>>
      %dma_start3A_465 = arith.constant 0 : i32
      %dma_start3A_466 = arith.constant 0 : i32
      %dma_start3A_467 = tpu.memref_slice %arg10[%dma_start3A_465, %dma_start3A_466] : memref<400x16xf32, #tpu.memory_space<vmem>> -> memref<125x16xf32, #tpu.memory_space<vmem>>
      %dma_start3A_468 = arith.constant 0 : i32
      %dma_start3A_469 = tpu.memref_slice %arg2[%add3A_14, %dma_start3A_468] : memref<100000x16xf32, #tpu.memory_space<hbm>> -> memref<125x16xf32, #tpu.memory_space<hbm>>
      tpu.enqueue_dma source(%dma_start3A_469 : memref<125x16xf32, #tpu.memory_space<hbm>>) target(%dma_start3A_467 : memref<125x16xf32, #tpu.memory_space<vmem>>) target_semaphore(%run_scoped3A : memref<!tpu.dma_semaphore, #tpu.memory_space<semaphore_mem>>)
      %dma_wait3A_470 = arith.constant 0 : i32
      %dma_wait3A_471 = arith.constant 0 : i32
      %dma_wait3A_472 = tpu.memref_slice %arg10[%dma_wait3A_470, %dma_wait3A_471] : memref<400x16xf32, #tpu.memory_space<vmem>> -> memref<125x16xf32, #tpu.memory_space<vmem>>
      %dma_wait3A_473 = arith.constant 0 : i32
      %dma_wait3A_474 = tpu.memref_slice %arg2[%add3A_14, %dma_wait3A_473] : memref<100000x16xf32, #tpu.memory_space<hbm>> -> memref<125x16xf32, #tpu.memory_space<hbm>>
      %dma_wait3A_475 = arith.constant 0 : i32
      %dma_wait3A_476 = arith.constant 0 : i32
      %dma_wait3A_477 = tpu.memref_slice %arg10[%dma_wait3A_475, %dma_wait3A_476] : memref<400x16xf32, #tpu.memory_space<vmem>> -> memref<125x16xf32, #tpu.memory_space<vmem>>
      %dma_wait3A_478 = arith.constant 0 : i32
      %dma_wait3A_479 = tpu.memref_slice %arg2[%add3A_14, %dma_wait3A_478] : memref<100000x16xf32, #tpu.memory_space<hbm>> -> memref<125x16xf32, #tpu.memory_space<hbm>>
      tpu.wait_dma2 semaphore(%run_scoped3A : memref<!tpu.dma_semaphore, #tpu.memory_space<semaphore_mem>>) src(%dma_wait3A_479 : memref<125x16xf32, #tpu.memory_space<hbm>>) dst(%dma_wait3A_477 : memref<125x16xf32, #tpu.memory_space<vmem>>)
      tpu.yield
    }) : () -> ()
    %scan3A = arith.constant 0 : i32
    %scan3A_15 = arith.constant 125 : i32
    %scan3A_16 = arith.addi %scan3A, %scan3A_15 : i32
    %scan3A_17 = arith.constant 1 : i32
    %scan3A_18 = scf.for %scan3A_460 = %scan3A to %scan3A_16 step %scan3A_17 iter_args(%scan3A_461 = %broadcast_in_dim3A_10) -> (vector<16xf32>)  : i32 {
      %get3A = arith.index_cast %scan3A_460 : i32 to index
      %get3A_462 = arith.constant 0 : index
      %get3A_463 = tpu.vector_load %arg10[%get3A, %get3A_462] {strides = array<i32>} : memref<400x16xf32, #tpu.memory_space<vmem>>, vector<1x16xf32>,
      %get3A_464 = vector.shape_cast %get3A_463 : vector<1x16xf32> to vector<16xf32>
      %add3A_465 = arith.addf %scan3A_461, %get3A_464 : vector<16xf32>
      scf.yield %add3A_465 : vector<16xf32>
    }
    %scan3A_19 = arith.constant 125 : i32
    %add3A_20 = arith.constant 125 : i32
    %add3A_21 = arith.addi %mul3A_12, %add3A_20 : i32
    "tpu.region"() ({
      %run_scoped3A = tpu.sem_alloc : memref<!tpu.dma_semaphore, #tpu.memory_space<semaphore_mem>>
      %dma_start3A_460 = arith.constant 0 : i32
      %dma_start3A_461 = arith.constant 0 : i32
      %dma_start3A_462 = tpu.memref_slice %arg10[%dma_start3A_460, %dma_start3A_461] : memref<400x16xf32, #tpu.memory_space<vmem>> -> memref<125x16xf32, #tpu.memory_space<vmem>>
      %dma_start3A_463 = arith.constant 0 : i32
      %dma_start3A_464 = tpu.memref_slice %arg2[%add3A_21, %dma_start3A_463] : memref<100000x16xf32, #tpu.memory_space<hbm>> -> memref<125x16xf32, #tpu.memory_space<hbm>>
      %dma_start3A_465 = arith.constant 0 : i32
      %dma_start3A_466 = arith.constant 0 : i32
      %dma_start3A_467 = tpu.memref_slice %arg10[%dma_start3A_465, %dma_start3A_466] : memref<400x16xf32, #tpu.memory_space<vmem>> -> memref<125x16xf32, #tpu.memory_space<vmem>>
      %dma_start3A_468 = arith.constant 0 : i32
      %dma_start3A_469 = tpu.memref_slice %arg2[%add3A_21, %dma_start3A_468] : memref<100000x16xf32, #tpu.memory_space<hbm>> -> memref<125x16xf32, #tpu.memory_space<hbm>>
      tpu.enqueue_dma source(%dma_start3A_469 : memref<125x16xf32, #tpu.memory_space<hbm>>) target(%dma_start3A_467 : memref<125x16xf32, #tpu.memory_space<vmem>>) target_semaphore(%run_scoped3A : memref<!tpu.dma_semaphore, #tpu.memory_space<semaphore_mem>>)
      %dma_wait3A_470 = arith.constant 0 : i32
      %dma_wait3A_471 = arith.constant 0 : i32
      %dma_wait3A_472 = tpu.memref_slice %arg10[%dma_wait3A_470, %dma_wait3A_471] : memref<400x16xf32, #tpu.memory_space<vmem>> -> memref<125x16xf32, #tpu.memory_space<vmem>>
      %dma_wait3A_473 = arith.constant 0 : i32
      %dma_wait3A_474 = tpu.memref_slice %arg2[%add3A_21, %dma_wait3A_473] : memref<100000x16xf32, #tpu.memory_space<hbm>> -> memref<125x16xf32, #tpu.memory_space<hbm>>
      %dma_wait3A_475 = arith.constant 0 : i32
      %dma_wait3A_476 = arith.constant 0 : i32
      %dma_wait3A_477 = tpu.memref_slice %arg10[%dma_wait3A_475, %dma_wait3A_476] : memref<400x16xf32, #tpu.memory_space<vmem>> -> memref<125x16xf32, #tpu.memory_space<vmem>>
      %dma_wait3A_478 = arith.constant 0 : i32
      %dma_wait3A_479 = tpu.memref_slice %arg2[%add3A_21, %dma_wait3A_478] : memref<100000x16xf32, #tpu.memory_space<hbm>> -> memref<125x16xf32, #tpu.memory_space<hbm>>
      tpu.wait_dma2 semaphore(%run_scoped3A : memref<!tpu.dma_semaphore, #tpu.memory_space<semaphore_mem>>) src(%dma_wait3A_479 : memref<125x16xf32, #tpu.memory_space<hbm>>) dst(%dma_wait3A_477 : memref<125x16xf32, #tpu.memory_space<vmem>>)
      tpu.yield
    }) : () -> ()
    %scan3A_22 = arith.constant 0 : i32
    %scan3A_23 = arith.constant 125 : i32
    %scan3A_24 = arith.addi %scan3A_22, %scan3A_23 : i32
    %scan3A_25 = arith.constant 1 : i32
    %scan3A_26 = scf.for %scan3A_460 = %scan3A_22 to %scan3A_24 step %scan3A_25 iter_args(%scan3A_461 = %scan3A_18) -> (vector<16xf32>)  : i32 {
      %get3A = arith.index_cast %scan3A_460 : i32 to index
      %get3A_462 = arith.constant 0 : index
      %get3A_463 = tpu.vector_load %arg10[%get3A, %get3A_462] {strides = array<i32>} : memref<400x16xf32, #tpu.memory_space<vmem>>, vector<1x16xf32>,
      %get3A_464 = vector.shape_cast %get3A_463 : vector<1x16xf32> to vector<16xf32>
      %add3A_465 = arith.addf %scan3A_461, %get3A_464 : vector<16xf32>
      scf.yield %add3A_465 : vector<16xf32>
    }
    %scan3A_27 = arith.constant 125 : i32
    %add3A_28 = arith.constant 250 : i32
    %add3A_29 = arith.addi %mul3A_12, %add3A_28 : i32
    "tpu.region"() ({
      %run_scoped3A = tpu.sem_alloc : memref<!tpu.dma_semaphore, #tpu.memory_space<semaphore_mem>>
      %dma_start3A_460 = arith.constant 0 : i32
      %dma_start3A_461 = arith.constant 0 : i32
      %dma_start3A_462 = tpu.memref_slice %arg10[%dma_start3A_460, %dma_start3A_461] : memref<400x16xf32, #tpu.memory_space<vmem>> -> memref<125x16xf32, #tpu.memory_space<vmem>>
      %dma_start3A_463 = arith.constant 0 : i32
      %dma_start3A_464 = tpu.memref_slice %arg2[%add3A_29, %dma_start3A_463] : memref<100000x16xf32, #tpu.memory_space<hbm>> -> memref<125x16xf32, #tpu.memory_space<hbm>>
      %dma_start3A_465 = arith.constant 0 : i32
      %dma_start3A_466 = arith.constant 0 : i32
      %dma_start3A_467 = tpu.memref_slice %arg10[%dma_start3A_465, %dma_start3A_466] : memref<400x16xf32, #tpu.memory_space<vmem>> -> memref<125x16xf32, #tpu.memory_space<vmem>>
      %dma_start3A_468 = arith.constant 0 : i32
      %dma_start3A_469 = tpu.memref_slice %arg2[%add3A_29, %dma_start3A_468] : memref<100000x16xf32, #tpu.memory_space<hbm>> -> memref<125x16xf32, #tpu.memory_space<hbm>>
      tpu.enqueue_dma source(%dma_start3A_469 : memref<125x16xf32, #tpu.memory_space<hbm>>) target(%dma_start3A_467 : memref<125x16xf32, #tpu.memory_space<vmem>>) target_semaphore(%run_scoped3A : memref<!tpu.dma_semaphore, #tpu.memory_space<semaphore_mem>>)
      %dma_wait3A_470 = arith.constant 0 : i32
      %dma_wait3A_471 = arith.constant 0 : i32
      %dma_wait3A_472 = tpu.memref_slice %arg10[%dma_wait3A_470, %dma_wait3A_471] : memref<400x16xf32, #tpu.memory_space<vmem>> -> memref<125x16xf32, #tpu.memory_space<vmem>>
      %dma_wait3A_473 = arith.constant 0 : i32
      %dma_wait3A_474 = tpu.memref_slice %arg2[%add3A_29, %dma_wait3A_473] : memref<100000x16xf32, #tpu.memory_space<hbm>> -> memref<125x16xf32, #tpu.memory_space<hbm>>
      %dma_wait3A_475 = arith.constant 0 : i32
      %dma_wait3A_476 = arith.constant 0 : i32
      %dma_wait3A_477 = tpu.memref_slice %arg10[%dma_wait3A_475, %dma_wait3A_476] : memref<400x16xf32, #tpu.memory_space<vmem>> -> memref<125x16xf32, #tpu.memory_space<vmem>>
      %dma_wait3A_478 = arith.constant 0 : i32
      %dma_wait3A_479 = tpu.memref_slice %arg2[%add3A_29, %dma_wait3A_478] : memref<100000x16xf32, #tpu.memory_space<hbm>> -> memref<125x16xf32, #tpu.memory_space<hbm>>
      tpu.wait_dma2 semaphore(%run_scoped3A : memref<!tpu.dma_semaphore, #tpu.memory_space<semaphore_mem>>) src(%dma_wait3A_479 : memref<125x16xf32, #tpu.memory_space<hbm>>) dst(%dma_wait3A_477 : memref<125x16xf32, #tpu.memory_space<vmem>>)
      tpu.yield
    }) : () -> ()
    %scan3A_30 = arith.constant 0 : i32
    %scan3A_31 = arith.constant 125 : i32
    %scan3A_32 = arith.addi %scan3A_30, %scan3A_31 : i32
    %scan3A_33 = arith.constant 1 : i32
    %scan3A_34 = scf.for %scan3A_460 = %scan3A_30 to %scan3A_32 step %scan3A_33 iter_args(%scan3A_461 = %scan3A_26) -> (vector<16xf32>)  : i32 {
      %get3A = arith.index_cast %scan3A_460 : i32 to index
      %get3A_462 = arith.constant 0 : index
      %get3A_463 = tpu.vector_load %arg10[%get3A, %get3A_462] {strides = array<i32>} : memref<400x16xf32, #tpu.memory_space<vmem>>, vector<1x16xf32>,
      %get3A_464 = vector.shape_cast %get3A_463 : vector<1x16xf32> to vector<16xf32>
      %add3A_465 = arith.addf %scan3A_461, %get3A_464 : vector<16xf32>
      scf.yield %add3A_465 : vector<16xf32>
    }
    %scan3A_35 = arith.constant 125 : i32
    %add3A_36 = arith.constant 375 : i32
    %add3A_37 = arith.addi %mul3A_12, %add3A_36 : i32
    "tpu.region"() ({
      %run_scoped3A = tpu.sem_alloc : memref<!tpu.dma_semaphore, #tpu.memory_space<semaphore_mem>>
      %dma_start3A_460 = arith.constant 0 : i32
      %dma_start3A_461 = arith.constant 0 : i32
      %dma_start3A_462 = tpu.memref_slice %arg10[%dma_start3A_460, %dma_start3A_461] : memref<400x16xf32, #tpu.memory_space<vmem>> -> memref<125x16xf32, #tpu.memory_space<vmem>>
      %dma_start3A_463 = arith.constant 0 : i32
      %dma_start3A_464 = tpu.memref_slice %arg2[%add3A_37, %dma_start3A_463] : memref<100000x16xf32, #tpu.memory_space<hbm>> -> memref<125x16xf32, #tpu.memory_space<hbm>>
      %dma_start3A_465 = arith.constant 0 : i32
      %dma_start3A_466 = arith.constant 0 : i32
      %dma_start3A_467 = tpu.memref_slice %arg10[%dma_start3A_465, %dma_start3A_466] : memref<400x16xf32, #tpu.memory_space<vmem>> -> memref<125x16xf32, #tpu.memory_space<vmem>>
      %dma_start3A_468 = arith.constant 0 : i32
      %dma_start3A_469 = tpu.memref_slice %arg2[%add3A_37, %dma_start3A_468] : memref<100000x16xf32, #tpu.memory_space<hbm>> -> memref<125x16xf32, #tpu.memory_space<hbm>>
      tpu.enqueue_dma source(%dma_start3A_469 : memref<125x16xf32, #tpu.memory_space<hbm>>) target(%dma_start3A_467 : memref<125x16xf32, #tpu.memory_space<vmem>>) target_semaphore(%run_scoped3A : memref<!tpu.dma_semaphore, #tpu.memory_space<semaphore_mem>>)
      %dma_wait3A_470 = arith.constant 0 : i32
      %dma_wait3A_471 = arith.constant 0 : i32
      %dma_wait3A_472 = tpu.memref_slice %arg10[%dma_wait3A_470, %dma_wait3A_471] : memref<400x16xf32, #tpu.memory_space<vmem>> -> memref<125x16xf32, #tpu.memory_space<vmem>>
      %dma_wait3A_473 = arith.constant 0 : i32
      %dma_wait3A_474 = tpu.memref_slice %arg2[%add3A_37, %dma_wait3A_473] : memref<100000x16xf32, #tpu.memory_space<hbm>> -> memref<125x16xf32, #tpu.memory_space<hbm>>
      %dma_wait3A_475 = arith.constant 0 : i32
      %dma_wait3A_476 = arith.constant 0 : i32
      %dma_wait3A_477 = tpu.memref_slice %arg10[%dma_wait3A_475, %dma_wait3A_476] : memref<400x16xf32, #tpu.memory_space<vmem>> -> memref<125x16xf32, #tpu.memory_space<vmem>>
      %dma_wait3A_478 = arith.constant 0 : i32
      %dma_wait3A_479 = tpu.memref_slice %arg2[%add3A_37, %dma_wait3A_478] : memref<100000x16xf32, #tpu.memory_space<hbm>> -> memref<125x16xf32, #tpu.memory_space<hbm>>
      tpu.wait_dma2 semaphore(%run_scoped3A : memref<!tpu.dma_semaphore, #tpu.memory_space<semaphore_mem>>) src(%dma_wait3A_479 : memref<125x16xf32, #tpu.memory_space<hbm>>) dst(%dma_wait3A_477 : memref<125x16xf32, #tpu.memory_space<vmem>>)
      tpu.yield
    }) : () -> ()
    %scan3A_38 = arith.constant 0 : i32
    %scan3A_39 = arith.constant 125 : i32
    %scan3A_40 = arith.addi %scan3A_38, %scan3A_39 : i32
    %scan3A_41 = arith.constant 1 : i32
    %scan3A_42 = scf.for %scan3A_460 = %scan3A_38 to %scan3A_40 step %scan3A_41 iter_args(%scan3A_461 = %scan3A_34) -> (vector<16xf32>)  : i32 {
      %get3A = arith.index_cast %scan3A_460 : i32 to index
      %get3A_462 = arith.constant 0 : index
      %get3A_463 = tpu.vector_load %arg10[%get3A, %get3A_462] {strides = array<i32>} : memref<400x16xf32, #tpu.memory_space<vmem>>, vector<1x16xf32>,
      %get3A_464 = vector.shape_cast %get3A_463 : vector<1x16xf32> to vector<16xf32>
      %add3A_465 = arith.addf %scan3A_461, %get3A_464 : vector<16xf32>
      scf.yield %add3A_465 : vector<16xf32>
    }
    %scan3A_43 = arith.constant 125 : i32
    %add3A_44 = arith.constant 500 : i32
    %add3A_45 = arith.addi %mul3A_12, %add3A_44 : i32
    "tpu.region"() ({
      %run_scoped3A = tpu.sem_alloc : memref<!tpu.dma_semaphore, #tpu.memory_space<semaphore_mem>>
      %dma_start3A_460 = arith.constant 0 : i32
      %dma_start3A_461 = arith.constant 0 : i32
      %dma_start3A_462 = tpu.memref_slice %arg10[%dma_start3A_460, %dma_start3A_461] : memref<400x16xf32, #tpu.memory_space<vmem>> -> memref<125x16xf32, #tpu.memory_space<vmem>>
      %dma_start3A_463 = arith.constant 0 : i32
      %dma_start3A_464 = tpu.memref_slice %arg2[%add3A_45, %dma_start3A_463] : memref<100000x16xf32, #tpu.memory_space<hbm>> -> memref<125x16xf32, #tpu.memory_space<hbm>>
      %dma_start3A_465 = arith.constant 0 : i32
      %dma_start3A_466 = arith.constant 0 : i32
      %dma_start3A_467 = tpu.memref_slice %arg10[%dma_start3A_465, %dma_start3A_466] : memref<400x16xf32, #tpu.memory_space<vmem>> -> memref<125x16xf32, #tpu.memory_space<vmem>>
      %dma_start3A_468 = arith.constant 0 : i32
      %dma_start3A_469 = tpu.memref_slice %arg2[%add3A_45, %dma_start3A_468] : memref<100000x16xf32, #tpu.memory_space<hbm>> -> memref<125x16xf32, #tpu.memory_space<hbm>>
      tpu.enqueue_dma source(%dma_start3A_469 : memref<125x16xf32, #tpu.memory_space<hbm>>) target(%dma_start3A_467 : memref<125x16xf32, #tpu.memory_space<vmem>>) target_semaphore(%run_scoped3A : memref<!tpu.dma_semaphore, #tpu.memory_space<semaphore_mem>>)
      %dma_wait3A_470 = arith.constant 0 : i32
      %dma_wait3A_471 = arith.constant 0 : i32
      %dma_wait3A_472 = tpu.memref_slice %arg10[%dma_wait3A_470, %dma_wait3A_471] : memref<400x16xf32, #tpu.memory_space<vmem>> -> memref<125x16xf32, #tpu.memory_space<vmem>>
      %dma_wait3A_473 = arith.constant 0 : i32
      %dma_wait3A_474 = tpu.memref_slice %arg2[%add3A_45, %dma_wait3A_473] : memref<100000x16xf32, #tpu.memory_space<hbm>> -> memref<125x16xf32, #tpu.memory_space<hbm>>
      %dma_wait3A_475 = arith.constant 0 : i32
      %dma_wait3A_476 = arith.constant 0 : i32
      %dma_wait3A_477 = tpu.memref_slice %arg10[%dma_wait3A_475, %dma_wait3A_476] : memref<400x16xf32, #tpu.memory_space<vmem>> -> memref<125x16xf32, #tpu.memory_space<vmem>>
      %dma_wait3A_478 = arith.constant 0 : i32
      %dma_wait3A_479 = tpu.memref_slice %arg2[%add3A_45, %dma_wait3A_478] : memref<100000x16xf32, #tpu.memory_space<hbm>> -> memref<125x16xf32, #tpu.memory_space<hbm>>
      tpu.wait_dma2 semaphore(%run_scoped3A : memref<!tpu.dma_semaphore, #tpu.memory_space<semaphore_mem>>) src(%dma_wait3A_479 : memref<125x16xf32, #tpu.memory_space<hbm>>) dst(%dma_wait3A_477 : memref<125x16xf32, #tpu.memory_space<vmem>>)
      tpu.yield
    }) : () -> ()
    %scan3A_46 = arith.constant 0 : i32
    %scan3A_47 = arith.constant 125 : i32
    %scan3A_48 = arith.addi %scan3A_46, %scan3A_47 : i32
    %scan3A_49 = arith.constant 1 : i32
    %scan3A_50 = scf.for %scan3A_460 = %scan3A_46 to %scan3A_48 step %scan3A_49 iter_args(%scan3A_461 = %scan3A_42) -> (vector<16xf32>)  : i32 {
      %get3A = arith.index_cast %scan3A_460 : i32 to index
      %get3A_462 = arith.constant 0 : index
      %get3A_463 = tpu.vector_load %arg10[%get3A, %get3A_462] {strides = array<i32>} : memref<400x16xf32, #tpu.memory_space<vmem>>, vector<1x16xf32>,
      %get3A_464 = vector.shape_cast %get3A_463 : vector<1x16xf32> to vector<16xf32>
      %add3A_465 = arith.addf %scan3A_461, %get3A_464 : vector<16xf32>
      scf.yield %add3A_465 : vector<16xf32>
    }
    %scan3A_51 = arith.constant 125 : i32
    %add3A_52 = arith.constant 625 : i32
    %add3A_53 = arith.addi %mul3A_12, %add3A_52 : i32
    "tpu.region"() ({
      %run_scoped3A = tpu.sem_alloc : memref<!tpu.dma_semaphore, #tpu.memory_space<semaphore_mem>>
      %dma_start3A_460 = arith.constant 0 : i32
      %dma_start3A_461 = arith.constant 0 : i32
      %dma_start3A_462 = tpu.memref_slice %arg10[%dma_start3A_460, %dma_start3A_461] : memref<400x16xf32, #tpu.memory_space<vmem>> -> memref<125x16xf32, #tpu.memory_space<vmem>>
      %dma_start3A_463 = arith.constant 0 : i32
      %dma_start3A_464 = tpu.memref_slice %arg2[%add3A_53, %dma_start3A_463] : memref<100000x16xf32, #tpu.memory_space<hbm>> -> memref<125x16xf32, #tpu.memory_space<hbm>>
      %dma_start3A_465 = arith.constant 0 : i32
      %dma_start3A_466 = arith.constant 0 : i32
      %dma_start3A_467 = tpu.memref_slice %arg10[%dma_start3A_465, %dma_start3A_466] : memref<400x16xf32, #tpu.memory_space<vmem>> -> memref<125x16xf32, #tpu.memory_space<vmem>>
      %dma_start3A_468 = arith.constant 0 : i32
      %dma_start3A_469 = tpu.memref_slice %arg2[%add3A_53, %dma_start3A_468] : memref<100000x16xf32, #tpu.memory_space<hbm>> -> memref<125x16xf32, #tpu.memory_space<hbm>>
      tpu.enqueue_dma source(%dma_start3A_469 : memref<125x16xf32, #tpu.memory_space<hbm>>) target(%dma_start3A_467 : memref<125x16xf32, #tpu.memory_space<vmem>>) target_semaphore(%run_scoped3A : memref<!tpu.dma_semaphore, #tpu.memory_space<semaphore_mem>>)
      %dma_wait3A_470 = arith.constant 0 : i32
      %dma_wait3A_471 = arith.constant 0 : i32
      %dma_wait3A_472 = tpu.memref_slice %arg10[%dma_wait3A_470, %dma_wait3A_471] : memref<400x16xf32, #tpu.memory_space<vmem>> -> memref<125x16xf32, #tpu.memory_space<vmem>>
      %dma_wait3A_473 = arith.constant 0 : i32
      %dma_wait3A_474 = tpu.memref_slice %arg2[%add3A_53, %dma_wait3A_473] : memref<100000x16xf32, #tpu.memory_space<hbm>> -> memref<125x16xf32, #tpu.memory_space<hbm>>
      %dma_wait3A_475 = arith.constant 0 : i32
      %dma_wait3A_476 = arith.constant 0 : i32
      %dma_wait3A_477 = tpu.memref_slice %arg10[%dma_wait3A_475, %dma_wait3A_476] : memref<400x16xf32, #tpu.memory_space<vmem>> -> memref<125x16xf32, #tpu.memory_space<vmem>>
      %dma_wait3A_478 = arith.constant 0 : i32
      %dma_wait3A_479 = tpu.memref_slice %arg2[%add3A_53, %dma_wait3A_478] : memref<100000x16xf32, #tpu.memory_space<hbm>> -> memref<125x16xf32, #tpu.memory_space<hbm>>
      tpu.wait_dma2 semaphore(%run_scoped3A : memref<!tpu.dma_semaphore, #tpu.memory_space<semaphore_mem>>) src(%dma_wait3A_479 : memref<125x16xf32, #tpu.memory_space<hbm>>) dst(%dma_wait3A_477 : memref<125x16xf32, #tpu.memory_space<vmem>>)
      tpu.yield
    }) : () -> ()
    %scan3A_54 = arith.constant 0 : i32
    %scan3A_55 = arith.constant 125 : i32
    %scan3A_56 = arith.addi %scan3A_54, %scan3A_55 : i32
    %scan3A_57 = arith.constant 1 : i32
    %scan3A_58 = scf.for %scan3A_460 = %scan3A_54 to %scan3A_56 step %scan3A_57 iter_args(%scan3A_461 = %scan3A_50) -> (vector<16xf32>)  : i32 {
      %get3A = arith.index_cast %scan3A_460 : i32 to index
      %get3A_462 = arith.constant 0 : index
      %get3A_463 = tpu.vector_load %arg10[%get3A, %get3A_462] {strides = array<i32>} : memref<400x16xf32, #tpu.memory_space<vmem>>, vector<1x16xf32>,
      %get3A_464 = vector.shape_cast %get3A_463 : vector<1x16xf32> to vector<16xf32>
      %add3A_465 = arith.addf %scan3A_461, %get3A_464 : vector<16xf32>
      scf.yield %add3A_465 : vector<16xf32>
    }
    %scan3A_59 = arith.constant 125 : i32
    %add3A_60 = arith.constant 750 : i32
    %add3A_61 = arith.addi %mul3A_12, %add3A_60 : i32
    "tpu.region"() ({
      %run_scoped3A = tpu.sem_alloc : memref<!tpu.dma_semaphore, #tpu.memory_space<semaphore_mem>>
      %dma_start3A_460 = arith.constant 0 : i32
      %dma_start3A_461 = arith.constant 0 : i32
      %dma_start3A_462 = tpu.memref_slice %arg10[%dma_start3A_460, %dma_start3A_461] : memref<400x16xf32, #tpu.memory_space<vmem>> -> memref<125x16xf32, #tpu.memory_space<vmem>>
      %dma_start3A_463 = arith.constant 0 : i32
      %dma_start3A_464 = tpu.memref_slice %arg2[%add3A_61, %dma_start3A_463] : memref<100000x16xf32, #tpu.memory_space<hbm>> -> memref<125x16xf32, #tpu.memory_space<hbm>>
      %dma_start3A_465 = arith.constant 0 : i32
      %dma_start3A_466 = arith.constant 0 : i32
      %dma_start3A_467 = tpu.memref_slice %arg10[%dma_start3A_465, %dma_start3A_466] : memref<400x16xf32, #tpu.memory_space<vmem>> -> memref<125x16xf32, #tpu.memory_space<vmem>>
      %dma_start3A_468 = arith.constant 0 : i32
      %dma_start3A_469 = tpu.memref_slice %arg2[%add3A_61, %dma_start3A_468] : memref<100000x16xf32, #tpu.memory_space<hbm>> -> memref<125x16xf32, #tpu.memory_space<hbm>>
      tpu.enqueue_dma source(%dma_start3A_469 : memref<125x16xf32, #tpu.memory_space<hbm>>) target(%dma_start3A_467 : memref<125x16xf32, #tpu.memory_space<vmem>>) target_semaphore(%run_scoped3A : memref<!tpu.dma_semaphore, #tpu.memory_space<semaphore_mem>>)
      %dma_wait3A_470 = arith.constant 0 : i32
      %dma_wait3A_471 = arith.constant 0 : i32
      %dma_wait3A_472 = tpu.memref_slice %arg10[%dma_wait3A_470, %dma_wait3A_471] : memref<400x16xf32, #tpu.memory_space<vmem>> -> memref<125x16xf32, #tpu.memory_space<vmem>>
      %dma_wait3A_473 = arith.constant 0 : i32
      %dma_wait3A_474 = tpu.memref_slice %arg2[%add3A_61, %dma_wait3A_473] : memref<100000x16xf32, #tpu.memory_space<hbm>> -> memref<125x16xf32, #tpu.memory_space<hbm>>
      %dma_wait3A_475 = arith.constant 0 : i32
      %dma_wait3A_476 = arith.constant 0 : i32
      %dma_wait3A_477 = tpu.memref_slice %arg10[%dma_wait3A_475, %dma_wait3A_476] : memref<400x16xf32, #tpu.memory_space<vmem>> -> memref<125x16xf32, #tpu.memory_space<vmem>>
      %dma_wait3A_478 = arith.constant 0 : i32
      %dma_wait3A_479 = tpu.memref_slice %arg2[%add3A_61, %dma_wait3A_478] : memref<100000x16xf32, #tpu.memory_space<hbm>> -> memref<125x16xf32, #tpu.memory_space<hbm>>
      tpu.wait_dma2 semaphore(%run_scoped3A : memref<!tpu.dma_semaphore, #tpu.memory_space<semaphore_mem>>) src(%dma_wait3A_479 : memref<125x16xf32, #tpu.memory_space<hbm>>) dst(%dma_wait3A_477 : memref<125x16xf32, #tpu.memory_space<vmem>>)
      tpu.yield
    }) : () -> ()
    %scan3A_62 = arith.constant 0 : i32
    %scan3A_63 = arith.constant 125 : i32
    %scan3A_64 = arith.addi %scan3A_62, %scan3A_63 : i32
    %scan3A_65 = arith.constant 1 : i32
    %scan3A_66 = scf.for %scan3A_460 = %scan3A_62 to %scan3A_64 step %scan3A_65 iter_args(%scan3A_461 = %scan3A_58) -> (vector<16xf32>)  : i32 {
      %get3A = arith.index_cast %scan3A_460 : i32 to index
      %get3A_462 = arith.constant 0 : index
      %get3A_463 = tpu.vector_load %arg10[%get3A, %get3A_462] {strides = array<i32>} : memref<400x16xf32, #tpu.memory_space<vmem>>, vector<1x16xf32>,
      %get3A_464 = vector.shape_cast %get3A_463 : vector<1x16xf32> to vector<16xf32>
      %add3A_465 = arith.addf %scan3A_461, %get3A_464 : vector<16xf32>
      scf.yield %add3A_465 : vector<16xf32>
    }
    %scan3A_67 = arith.constant 125 : i32
    %add3A_68 = arith.constant 875 : i32
    %add3A_69 = arith.addi %mul3A_12, %add3A_68 : i32
    "tpu.region"() ({
      %run_scoped3A = tpu.sem_alloc : memref<!tpu.dma_semaphore, #tpu.memory_space<semaphore_mem>>
      %dma_start3A_460 = arith.constant 0 : i32
      %dma_start3A_461 = arith.constant 0 : i32
      %dma_start3A_462 = tpu.memref_slice %arg10[%dma_start3A_460, %dma_start3A_461] : memref<400x16xf32, #tpu.memory_space<vmem>> -> memref<125x16xf32, #tpu.memory_space<vmem>>
      %dma_start3A_463 = arith.constant 0 : i32
      %dma_start3A_464 = tpu.memref_slice %arg2[%add3A_69, %dma_start3A_463] : memref<100000x16xf32, #tpu.memory_space<hbm>> -> memref<125x16xf32, #tpu.memory_space<hbm>>
      %dma_start3A_465 = arith.constant 0 : i32
      %dma_start3A_466 = arith.constant 0 : i32
      %dma_start3A_467 = tpu.memref_slice %arg10[%dma_start3A_465, %dma_start3A_466] : memref<400x16xf32, #tpu.memory_space<vmem>> -> memref<125x16xf32, #tpu.memory_space<vmem>>
      %dma_start3A_468 = arith.constant 0 : i32
      %dma_start3A_469 = tpu.memref_slice %arg2[%add3A_69, %dma_start3A_468] : memref<100000x16xf32, #tpu.memory_space<hbm>> -> memref<125x16xf32, #tpu.memory_space<hbm>>
      tpu.enqueue_dma source(%dma_start3A_469 : memref<125x16xf32, #tpu.memory_space<hbm>>) target(%dma_start3A_467 : memref<125x16xf32, #tpu.memory_space<vmem>>) target_semaphore(%run_scoped3A : memref<!tpu.dma_semaphore, #tpu.memory_space<semaphore_mem>>)
      %dma_wait3A_470 = arith.constant 0 : i32
      %dma_wait3A_471 = arith.constant 0 : i32
      %dma_wait3A_472 = tpu.memref_slice %arg10[%dma_wait3A_470, %dma_wait3A_471] : memref<400x16xf32, #tpu.memory_space<vmem>> -> memref<125x16xf32, #tpu.memory_space<vmem>>
      %dma_wait3A_473 = arith.constant 0 : i32
      %dma_wait3A_474 = tpu.memref_slice %arg2[%add3A_69, %dma_wait3A_473] : memref<100000x16xf32, #tpu.memory_space<hbm>> -> memref<125x16xf32, #tpu.memory_space<hbm>>
      %dma_wait3A_475 = arith.constant 0 : i32
      %dma_wait3A_476 = arith.constant 0 : i32
      %dma_wait3A_477 = tpu.memref_slice %arg10[%dma_wait3A_475, %dma_wait3A_476] : memref<400x16xf32, #tpu.memory_space<vmem>> -> memref<125x16xf32, #tpu.memory_space<vmem>>
      %dma_wait3A_478 = arith.constant 0 : i32
      %dma_wait3A_479 = tpu.memref_slice %arg2[%add3A_69, %dma_wait3A_478] : memref<100000x16xf32, #tpu.memory_space<hbm>> -> memref<125x16xf32, #tpu.memory_space<hbm>>
      tpu.wait_dma2 semaphore(%run_scoped3A : memref<!tpu.dma_semaphore, #tpu.memory_space<semaphore_mem>>) src(%dma_wait3A_479 : memref<125x16xf32, #tpu.memory_space<hbm>>) dst(%dma_wait3A_477 : memref<125x16xf32, #tpu.memory_space<vmem>>)
      tpu.yield
    }) : () -> ()
    %scan3A_70 = arith.constant 0 : i32
    %scan3A_71 = arith.constant 125 : i32
    %scan3A_72 = arith.addi %scan3A_70, %scan3A_71 : i32
    %scan3A_73 = arith.constant 1 : i32
    %scan3A_74 = scf.for %scan3A_460 = %scan3A_70 to %scan3A_72 step %scan3A_73 iter_args(%scan3A_461 = %scan3A_66) -> (vector<16xf32>)  : i32 {
      %get3A = arith.index_cast %scan3A_460 : i32 to index
      %get3A_462 = arith.constant 0 : index
      %get3A_463 = tpu.vector_load %arg10[%get3A, %get3A_462] {strides = array<i32>} : memref<400x16xf32, #tpu.memory_space<vmem>>, vector<1x16xf32>,
      %get3A_464 = vector.shape_cast %get3A_463 : vector<1x16xf32> to vector<16xf32>
      %add3A_465 = arith.addf %scan3A_461, %get3A_464 : vector<16xf32>
      scf.yield %add3A_465 : vector<16xf32>
    }
    %scan3A_75 = arith.constant 125 : i32
    %add3A_76 = arith.constant 1000 : i32
    %add3A_77 = arith.addi %mul3A_12, %add3A_76 : i32
    "tpu.region"() ({
      %run_scoped3A = tpu.sem_alloc : memref<!tpu.dma_semaphore, #tpu.memory_space<semaphore_mem>>
      %dma_start3A_460 = arith.constant 0 : i32
      %dma_start3A_461 = arith.constant 0 : i32
      %dma_start3A_462 = tpu.memref_slice %arg10[%dma_start3A_460, %dma_start3A_461] : memref<400x16xf32, #tpu.memory_space<vmem>> -> memref<125x16xf32, #tpu.memory_space<vmem>>
      %dma_start3A_463 = arith.constant 0 : i32
      %dma_start3A_464 = tpu.memref_slice %arg2[%add3A_77, %dma_start3A_463] : memref<100000x16xf32, #tpu.memory_space<hbm>> -> memref<125x16xf32, #tpu.memory_space<hbm>>
      %dma_start3A_465 = arith.constant 0 : i32
      %dma_start3A_466 = arith.constant 0 : i32
      %dma_start3A_467 = tpu.memref_slice %arg10[%dma_start3A_465, %dma_start3A_466] : memref<400x16xf32, #tpu.memory_space<vmem>> -> memref<125x16xf32, #tpu.memory_space<vmem>>
      %dma_start3A_468 = arith.constant 0 : i32
      %dma_start3A_469 = tpu.memref_slice %arg2[%add3A_77, %dma_start3A_468] : memref<100000x16xf32, #tpu.memory_space<hbm>> -> memref<125x16xf32, #tpu.memory_space<hbm>>
      tpu.enqueue_dma source(%dma_start3A_469 : memref<125x16xf32, #tpu.memory_space<hbm>>) target(%dma_start3A_467 : memref<125x16xf32, #tpu.memory_space<vmem>>) target_semaphore(%run_scoped3A : memref<!tpu.dma_semaphore, #tpu.memory_space<semaphore_mem>>)
      %dma_wait3A_470 = arith.constant 0 : i32
      %dma_wait3A_471 = arith.constant 0 : i32
      %dma_wait3A_472 = tpu.memref_slice %arg10[%dma_wait3A_470, %dma_wait3A_471] : memref<400x16xf32, #tpu.memory_space<vmem>> -> memref<125x16xf32, #tpu.memory_space<vmem>>
      %dma_wait3A_473 = arith.constant 0 : i32
      %dma_wait3A_474 = tpu.memref_slice %arg2[%add3A_77, %dma_wait3A_473] : memref<100000x16xf32, #tpu.memory_space<hbm>> -> memref<125x16xf32, #tpu.memory_space<hbm>>
      %dma_wait3A_475 = arith.constant 0 : i32
      %dma_wait3A_476 = arith.constant 0 : i32
      %dma_wait3A_477 = tpu.memref_slice %arg10[%dma_wait3A_475, %dma_wait3A_476] : memref<400x16xf32, #tpu.memory_space<vmem>> -> memref<125x16xf32, #tpu.memory_space<vmem>>
      %dma_wait3A_478 = arith.constant 0 : i32
      %dma_wait3A_479 = tpu.memref_slice %arg2[%add3A_77, %dma_wait3A_478] : memref<100000x16xf32, #tpu.memory_space<hbm>> -> memref<125x16xf32, #tpu.memory_space<hbm>>
      tpu.wait_dma2 semaphore(%run_scoped3A : memref<!tpu.dma_semaphore, #tpu.memory_space<semaphore_mem>>) src(%dma_wait3A_479 : memref<125x16xf32, #tpu.memory_space<hbm>>) dst(%dma_wait3A_477 : memref<125x16xf32, #tpu.memory_space<vmem>>)
      tpu.yield
    }) : () -> ()
    %scan3A_78 = arith.constant 0 : i32
    %scan3A_79 = arith.constant 125 : i32
    %scan3A_80 = arith.addi %scan3A_78, %scan3A_79 : i32
    %scan3A_81 = arith.constant 1 : i32
    %scan3A_82 = scf.for %scan3A_460 = %scan3A_78 to %scan3A_80 step %scan3A_81 iter_args(%scan3A_461 = %scan3A_74) -> (vector<16xf32>)  : i32 {
      %get3A = arith.index_cast %scan3A_460 : i32 to index
      %get3A_462 = arith.constant 0 : index
      %get3A_463 = tpu.vector_load %arg10[%get3A, %get3A_462] {strides = array<i32>} : memref<400x16xf32, #tpu.memory_space<vmem>>, vector<1x16xf32>,
      %get3A_464 = vector.shape_cast %get3A_463 : vector<1x16xf32> to vector<16xf32>
      %add3A_465 = arith.addf %scan3A_461, %get3A_464 : vector<16xf32>
      scf.yield %add3A_465 : vector<16xf32>
    }
    %scan3A_83 = arith.constant 125 : i32
    %add3A_84 = arith.constant 1125 : i32
    %add3A_85 = arith.addi %mul3A_12, %add3A_84 : i32
    "tpu.region"() ({
      %run_scoped3A = tpu.sem_alloc : memref<!tpu.dma_semaphore, #tpu.memory_space<semaphore_mem>>
      %dma_start3A_460 = arith.constant 0 : i32
      %dma_start3A_461 = arith.constant 0 : i32
      %dma_start3A_462 = tpu.memref_slice %arg10[%dma_start3A_460, %dma_start3A_461] : memref<400x16xf32, #tpu.memory_space<vmem>> -> memref<125x16xf32, #tpu.memory_space<vmem>>
      %dma_start3A_463 = arith.constant 0 : i32
      %dma_start3A_464 = tpu.memref_slice %arg2[%add3A_85, %dma_start3A_463] : memref<100000x16xf32, #tpu.memory_space<hbm>> -> memref<125x16xf32, #tpu.memory_space<hbm>>
      %dma_start3A_465 = arith.constant 0 : i32
      %dma_start3A_466 = arith.constant 0 : i32
      %dma_start3A_467 = tpu.memref_slice %arg10[%dma_start3A_465, %dma_start3A_466] : memref<400x16xf32, #tpu.memory_space<vmem>> -> memref<125x16xf32, #tpu.memory_space<vmem>>
      %dma_start3A_468 = arith.constant 0 : i32
      %dma_start3A_469 = tpu.memref_slice %arg2[%add3A_85, %dma_start3A_468] : memref<100000x16xf32, #tpu.memory_space<hbm>> -> memref<125x16xf32, #tpu.memory_space<hbm>>
      tpu.enqueue_dma source(%dma_start3A_469 : memref<125x16xf32, #tpu.memory_space<hbm>>) target(%dma_start3A_467 : memref<125x16xf32, #tpu.memory_space<vmem>>) target_semaphore(%run_scoped3A : memref<!tpu.dma_semaphore, #tpu.memory_space<semaphore_mem>>)
      %dma_wait3A_470 = arith.constant 0 : i32
      %dma_wait3A_471 = arith.constant 0 : i32
      %dma_wait3A_472 = tpu.memref_slice %arg10[%dma_wait3A_470, %dma_wait3A_471] : memref<400x16xf32, #tpu.memory_space<vmem>> -> memref<125x16xf32, #tpu.memory_space<vmem>>
      %dma_wait3A_473 = arith.constant 0 : i32
      %dma_wait3A_474 = tpu.memref_slice %arg2[%add3A_85, %dma_wait3A_473] : memref<100000x16xf32, #tpu.memory_space<hbm>> -> memref<125x16xf32, #tpu.memory_space<hbm>>
      %dma_wait3A_475 = arith.constant 0 : i32
      %dma_wait3A_476 = arith.constant 0 : i32
      %dma_wait3A_477 = tpu.memref_slice %arg10[%dma_wait3A_475, %dma_wait3A_476] : memref<400x16xf32, #tpu.memory_space<vmem>> -> memref<125x16xf32, #tpu.memory_space<vmem>>
      %dma_wait3A_478 = arith.constant 0 : i32
      %dma_wait3A_479 = tpu.memref_slice %arg2[%add3A_85, %dma_wait3A_478] : memref<100000x16xf32, #tpu.memory_space<hbm>> -> memref<125x16xf32, #tpu.memory_space<hbm>>
      tpu.wait_dma2 semaphore(%run_scoped3A : memref<!tpu.dma_semaphore, #tpu.memory_space<semaphore_mem>>) src(%dma_wait3A_479 : memref<125x16xf32, #tpu.memory_space<hbm>>) dst(%dma_wait3A_477 : memref<125x16xf32, #tpu.memory_space<vmem>>)
      tpu.yield
    }) : () -> ()
    %scan3A_86 = arith.constant 0 : i32
    %scan3A_87 = arith.constant 125 : i32
    %scan3A_88 = arith.addi %scan3A_86, %scan3A_87 : i32
    %scan3A_89 = arith.constant 1 : i32
    %scan3A_90 = scf.for %scan3A_460 = %scan3A_86 to %scan3A_88 step %scan3A_89 iter_args(%scan3A_461 = %scan3A_82) -> (vector<16xf32>)  : i32 {
      %get3A = arith.index_cast %scan3A_460 : i32 to index
      %get3A_462 = arith.constant 0 : index
      %get3A_463 = tpu.vector_load %arg10[%get3A, %get3A_462] {strides = array<i32>} : memref<400x16xf32, #tpu.memory_space<vmem>>, vector<1x16xf32>,
      %get3A_464 = vector.shape_cast %get3A_463 : vector<1x16xf32> to vector<16xf32>
      %add3A_465 = arith.addf %scan3A_461, %get3A_464 : vector<16xf32>
      scf.yield %add3A_465 : vector<16xf32>
    }
    %scan3A_91 = arith.constant 125 : i32
    %add3A_92 = arith.constant 1250 : i32
    %add3A_93 = arith.addi %mul3A_12, %add3A_92 : i32
    "tpu.region"() ({
      %run_scoped3A = tpu.sem_alloc : memref<!tpu.dma_semaphore, #tpu.memory_space<semaphore_mem>>
      %dma_start3A_460 = arith.constant 0 : i32
      %dma_start3A_461 = arith.constant 0 : i32
      %dma_start3A_462 = tpu.memref_slice %arg10[%dma_start3A_460, %dma_start3A_461] : memref<400x16xf32, #tpu.memory_space<vmem>> -> memref<125x16xf32, #tpu.memory_space<vmem>>
      %dma_start3A_463 = arith.constant 0 : i32
      %dma_start3A_464 = tpu.memref_slice %arg2[%add3A_93, %dma_start3A_463] : memref<100000x16xf32, #tpu.memory_space<hbm>> -> memref<125x16xf32, #tpu.memory_space<hbm>>
      %dma_start3A_465 = arith.constant 0 : i32
      %dma_start3A_466 = arith.constant 0 : i32
      %dma_start3A_467 = tpu.memref_slice %arg10[%dma_start3A_465, %dma_start3A_466] : memref<400x16xf32, #tpu.memory_space<vmem>> -> memref<125x16xf32, #tpu.memory_space<vmem>>
      %dma_start3A_468 = arith.constant 0 : i32
      %dma_start3A_469 = tpu.memref_slice %arg2[%add3A_93, %dma_start3A_468] : memref<100000x16xf32, #tpu.memory_space<hbm>> -> memref<125x16xf32, #tpu.memory_space<hbm>>
      tpu.enqueue_dma source(%dma_start3A_469 : memref<125x16xf32, #tpu.memory_space<hbm>>) target(%dma_start3A_467 : memref<125x16xf32, #tpu.memory_space<vmem>>) target_semaphore(%run_scoped3A : memref<!tpu.dma_semaphore, #tpu.memory_space<semaphore_mem>>)
      %dma_wait3A_470 = arith.constant 0 : i32
      %dma_wait3A_471 = arith.constant 0 : i32
      %dma_wait3A_472 = tpu.memref_slice %arg10[%dma_wait3A_470, %dma_wait3A_471] : memref<400x16xf32, #tpu.memory_space<vmem>> -> memref<125x16xf32, #tpu.memory_space<vmem>>
      %dma_wait3A_473 = arith.constant 0 : i32
      %dma_wait3A_474 = tpu.memref_slice %arg2[%add3A_93, %dma_wait3A_473] : memref<100000x16xf32, #tpu.memory_space<hbm>> -> memref<125x16xf32, #tpu.memory_space<hbm>>
      %dma_wait3A_475 = arith.constant 0 : i32
      %dma_wait3A_476 = arith.constant 0 : i32
      %dma_wait3A_477 = tpu.memref_slice %arg10[%dma_wait3A_475, %dma_wait3A_476] : memref<400x16xf32, #tpu.memory_space<vmem>> -> memref<125x16xf32, #tpu.memory_space<vmem>>
      %dma_wait3A_478 = arith.constant 0 : i32
      %dma_wait3A_479 = tpu.memref_slice %arg2[%add3A_93, %dma_wait3A_478] : memref<100000x16xf32, #tpu.memory_space<hbm>> -> memref<125x16xf32, #tpu.memory_space<hbm>>
      tpu.wait_dma2 semaphore(%run_scoped3A : memref<!tpu.dma_semaphore, #tpu.memory_space<semaphore_mem>>) src(%dma_wait3A_479 : memref<125x16xf32, #tpu.memory_space<hbm>>) dst(%dma_wait3A_477 : memref<125x16xf32, #tpu.memory_space<vmem>>)
      tpu.yield
    }) : () -> ()
    %scan3A_94 = arith.constant 0 : i32
    %scan3A_95 = arith.constant 125 : i32
    %scan3A_96 = arith.addi %scan3A_94, %scan3A_95 : i32
    %scan3A_97 = arith.constant 1 : i32
    %scan3A_98 = scf.for %scan3A_460 = %scan3A_94 to %scan3A_96 step %scan3A_97 iter_args(%scan3A_461 = %scan3A_90) -> (vector<16xf32>)  : i32 {
      %get3A = arith.index_cast %scan3A_460 : i32 to index
      %get3A_462 = arith.constant 0 : index
      %get3A_463 = tpu.vector_load %arg10[%get3A, %get3A_462] {strides = array<i32>} : memref<400x16xf32, #tpu.memory_space<vmem>>, vector<1x16xf32>,
      %get3A_464 = vector.shape_cast %get3A_463 : vector<1x16xf32> to vector<16xf32>
      %add3A_465 = arith.addf %scan3A_461, %get3A_464 : vector<16xf32>
      scf.yield %add3A_465 : vector<16xf32>
    }
    %scan3A_99 = arith.constant 125 : i32
    %add3A_100 = arith.constant 1375 : i32
    %add3A_101 = arith.addi %mul3A_12, %add3A_100 : i32
    "tpu.region"() ({
      %run_scoped3A = tpu.sem_alloc : memref<!tpu.dma_semaphore, #tpu.memory_space<semaphore_mem>>
      %dma_start3A_460 = arith.constant 0 : i32
      %dma_start3A_461 = arith.constant 0 : i32
      %dma_start3A_462 = tpu.memref_slice %arg10[%dma_start3A_460, %dma_start3A_461] : memref<400x16xf32, #tpu.memory_space<vmem>> -> memref<125x16xf32, #tpu.memory_space<vmem>>
      %dma_start3A_463 = arith.constant 0 : i32
      %dma_start3A_464 = tpu.memref_slice %arg2[%add3A_101, %dma_start3A_463] : memref<100000x16xf32, #tpu.memory_space<hbm>> -> memref<125x16xf32, #tpu.memory_space<hbm>>
      %dma_start3A_465 = arith.constant 0 : i32
      %dma_start3A_466 = arith.constant 0 : i32
      %dma_start3A_467 = tpu.memref_slice %arg10[%dma_start3A_465, %dma_start3A_466] : memref<400x16xf32, #tpu.memory_space<vmem>> -> memref<125x16xf32, #tpu.memory_space<vmem>>
      %dma_start3A_468 = arith.constant 0 : i32
      %dma_start3A_469 = tpu.memref_slice %arg2[%add3A_101, %dma_start3A_468] : memref<100000x16xf32, #tpu.memory_space<hbm>> -> memref<125x16xf32, #tpu.memory_space<hbm>>
      tpu.enqueue_dma source(%dma_start3A_469 : memref<125x16xf32, #tpu.memory_space<hbm>>) target(%dma_start3A_467 : memref<125x16xf32, #tpu.memory_space<vmem>>) target_semaphore(%run_scoped3A : memref<!tpu.dma_semaphore, #tpu.memory_space<semaphore_mem>>)
      %dma_wait3A_470 = arith.constant 0 : i32
      %dma_wait3A_471 = arith.constant 0 : i32
      %dma_wait3A_472 = tpu.memref_slice %arg10[%dma_wait3A_470, %dma_wait3A_471] : memref<400x16xf32, #tpu.memory_space<vmem>> -> memref<125x16xf32, #tpu.memory_space<vmem>>
      %dma_wait3A_473 = arith.constant 0 : i32
      %dma_wait3A_474 = tpu.memref_slice %arg2[%add3A_101, %dma_wait3A_473] : memref<100000x16xf32, #tpu.memory_space<hbm>> -> memref<125x16xf32, #tpu.memory_space<hbm>>
      %dma_wait3A_475 = arith.constant 0 : i32
      %dma_wait3A_476 = arith.constant 0 : i32
      %dma_wait3A_477 = tpu.memref_slice %arg10[%dma_wait3A_475, %dma_wait3A_476] : memref<400x16xf32, #tpu.memory_space<vmem>> -> memref<125x16xf32, #tpu.memory_space<vmem>>
      %dma_wait3A_478 = arith.constant 0 : i32
      %dma_wait3A_479 = tpu.memref_slice %arg2[%add3A_101, %dma_wait3A_478] : memref<100000x16xf32, #tpu.memory_space<hbm>> -> memref<125x16xf32, #tpu.memory_space<hbm>>
      tpu.wait_dma2 semaphore(%run_scoped3A : memref<!tpu.dma_semaphore, #tpu.memory_space<semaphore_mem>>) src(%dma_wait3A_479 : memref<125x16xf32, #tpu.memory_space<hbm>>) dst(%dma_wait3A_477 : memref<125x16xf32, #tpu.memory_space<vmem>>)
      tpu.yield
    }) : () -> ()
    %scan3A_102 = arith.constant 0 : i32
    %scan3A_103 = arith.constant 125 : i32
    %scan3A_104 = arith.addi %scan3A_102, %scan3A_103 : i32
    %scan3A_105 = arith.constant 1 : i32
    %scan3A_106 = scf.for %scan3A_460 = %scan3A_102 to %scan3A_104 step %scan3A_105 iter_args(%scan3A_461 = %scan3A_98) -> (vector<16xf32>)  : i32 {
      %get3A = arith.index_cast %scan3A_460 : i32 to index
      %get3A_462 = arith.constant 0 : index
      %get3A_463 = tpu.vector_load %arg10[%get3A, %get3A_462] {strides = array<i32>} : memref<400x16xf32, #tpu.memory_space<vmem>>, vector<1x16xf32>,
      %get3A_464 = vector.shape_cast %get3A_463 : vector<1x16xf32> to vector<16xf32>
      %add3A_465 = arith.addf %scan3A_461, %get3A_464 : vector<16xf32>
      scf.yield %add3A_465 : vector<16xf32>
    }
    %scan3A_107 = arith.constant 125 : i32
    %add3A_108 = arith.constant 1500 : i32
    %add3A_109 = arith.addi %mul3A_12, %add3A_108 : i32
    "tpu.region"() ({
      %run_scoped3A = tpu.sem_alloc : memref<!tpu.dma_semaphore, #tpu.memory_space<semaphore_mem>>
      %dma_start3A_460 = arith.constant 0 : i32
      %dma_start3A_461 = arith.constant 0 : i32
      %dma_start3A_462 = tpu.memref_slice %arg10[%dma_start3A_460, %dma_start3A_461] : memref<400x16xf32, #tpu.memory_space<vmem>> -> memref<125x16xf32, #tpu.memory_space<vmem>>
      %dma_start3A_463 = arith.constant 0 : i32
      %dma_start3A_464 = tpu.memref_slice %arg2[%add3A_109, %dma_start3A_463] : memref<100000x16xf32, #tpu.memory_space<hbm>> -> memref<125x16xf32, #tpu.memory_space<hbm>>
      %dma_start3A_465 = arith.constant 0 : i32
      %dma_start3A_466 = arith.constant 0 : i32
      %dma_start3A_467 = tpu.memref_slice %arg10[%dma_start3A_465, %dma_start3A_466] : memref<400x16xf32, #tpu.memory_space<vmem>> -> memref<125x16xf32, #tpu.memory_space<vmem>>
      %dma_start3A_468 = arith.constant 0 : i32
      %dma_start3A_469 = tpu.memref_slice %arg2[%add3A_109, %dma_start3A_468] : memref<100000x16xf32, #tpu.memory_space<hbm>> -> memref<125x16xf32, #tpu.memory_space<hbm>>
      tpu.enqueue_dma source(%dma_start3A_469 : memref<125x16xf32, #tpu.memory_space<hbm>>) target(%dma_start3A_467 : memref<125x16xf32, #tpu.memory_space<vmem>>) target_semaphore(%run_scoped3A : memref<!tpu.dma_semaphore, #tpu.memory_space<semaphore_mem>>)
      %dma_wait3A_470 = arith.constant 0 : i32
      %dma_wait3A_471 = arith.constant 0 : i32
      %dma_wait3A_472 = tpu.memref_slice %arg10[%dma_wait3A_470, %dma_wait3A_471] : memref<400x16xf32, #tpu.memory_space<vmem>> -> memref<125x16xf32, #tpu.memory_space<vmem>>
      %dma_wait3A_473 = arith.constant 0 : i32
      %dma_wait3A_474 = tpu.memref_slice %arg2[%add3A_109, %dma_wait3A_473] : memref<100000x16xf32, #tpu.memory_space<hbm>> -> memref<125x16xf32, #tpu.memory_space<hbm>>
      %dma_wait3A_475 = arith.constant 0 : i32
      %dma_wait3A_476 = arith.constant 0 : i32
      %dma_wait3A_477 = tpu.memref_slice %arg10[%dma_wait3A_475, %dma_wait3A_476] : memref<400x16xf32, #tpu.memory_space<vmem>> -> memref<125x16xf32, #tpu.memory_space<vmem>>
      %dma_wait3A_478 = arith.constant 0 : i32
      %dma_wait3A_479 = tpu.memref_slice %arg2[%add3A_109, %dma_wait3A_478] : memref<100000x16xf32, #tpu.memory_space<hbm>> -> memref<125x16xf32, #tpu.memory_space<hbm>>
      tpu.wait_dma2 semaphore(%run_scoped3A : memref<!tpu.dma_semaphore, #tpu.memory_space<semaphore_mem>>) src(%dma_wait3A_479 : memref<125x16xf32, #tpu.memory_space<hbm>>) dst(%dma_wait3A_477 : memref<125x16xf32, #tpu.memory_space<vmem>>)
      tpu.yield
    }) : () -> ()
    %scan3A_110 = arith.constant 0 : i32
    %scan3A_111 = arith.constant 125 : i32
    %scan3A_112 = arith.addi %scan3A_110, %scan3A_111 : i32
    %scan3A_113 = arith.constant 1 : i32
    %scan3A_114 = scf.for %scan3A_460 = %scan3A_110 to %scan3A_112 step %scan3A_113 iter_args(%scan3A_461 = %scan3A_106) -> (vector<16xf32>)  : i32 {
      %get3A = arith.index_cast %scan3A_460 : i32 to index
      %get3A_462 = arith.constant 0 : index
      %get3A_463 = tpu.vector_load %arg10[%get3A, %get3A_462] {strides = array<i32>} : memref<400x16xf32, #tpu.memory_space<vmem>>, vector<1x16xf32>,
      %get3A_464 = vector.shape_cast %get3A_463 : vector<1x16xf32> to vector<16xf32>
      %add3A_465 = arith.addf %scan3A_461, %get3A_464 : vector<16xf32>
      scf.yield %add3A_465 : vector<16xf32>
    }
    %scan3A_115 = arith.constant 125 : i32
    %add3A_116 = arith.constant 1625 : i32
    %add3A_117 = arith.addi %mul3A_12, %add3A_116 : i32
    "tpu.region"() ({
      %run_scoped3A = tpu.sem_alloc : memref<!tpu.dma_semaphore, #tpu.memory_space<semaphore_mem>>
      %dma_start3A_460 = arith.constant 0 : i32
      %dma_start3A_461 = arith.constant 0 : i32
      %dma_start3A_462 = tpu.memref_slice %arg10[%dma_start3A_460, %dma_start3A_461] : memref<400x16xf32, #tpu.memory_space<vmem>> -> memref<125x16xf32, #tpu.memory_space<vmem>>
      %dma_start3A_463 = arith.constant 0 : i32
      %dma_start3A_464 = tpu.memref_slice %arg2[%add3A_117, %dma_start3A_463] : memref<100000x16xf32, #tpu.memory_space<hbm>> -> memref<125x16xf32, #tpu.memory_space<hbm>>
      %dma_start3A_465 = arith.constant 0 : i32
      %dma_start3A_466 = arith.constant 0 : i32
      %dma_start3A_467 = tpu.memref_slice %arg10[%dma_start3A_465, %dma_start3A_466] : memref<400x16xf32, #tpu.memory_space<vmem>> -> memref<125x16xf32, #tpu.memory_space<vmem>>
      %dma_start3A_468 = arith.constant 0 : i32
      %dma_start3A_469 = tpu.memref_slice %arg2[%add3A_117, %dma_start3A_468] : memref<100000x16xf32, #tpu.memory_space<hbm>> -> memref<125x16xf32, #tpu.memory_space<hbm>>
      tpu.enqueue_dma source(%dma_start3A_469 : memref<125x16xf32, #tpu.memory_space<hbm>>) target(%dma_start3A_467 : memref<125x16xf32, #tpu.memory_space<vmem>>) target_semaphore(%run_scoped3A : memref<!tpu.dma_semaphore, #tpu.memory_space<semaphore_mem>>)
      %dma_wait3A_470 = arith.constant 0 : i32
      %dma_wait3A_471 = arith.constant 0 : i32
      %dma_wait3A_472 = tpu.memref_slice %arg10[%dma_wait3A_470, %dma_wait3A_471] : memref<400x16xf32, #tpu.memory_space<vmem>> -> memref<125x16xf32, #tpu.memory_space<vmem>>
      %dma_wait3A_473 = arith.constant 0 : i32
      %dma_wait3A_474 = tpu.memref_slice %arg2[%add3A_117, %dma_wait3A_473] : memref<100000x16xf32, #tpu.memory_space<hbm>> -> memref<125x16xf32, #tpu.memory_space<hbm>>
      %dma_wait3A_475 = arith.constant 0 : i32
      %dma_wait3A_476 = arith.constant 0 : i32
      %dma_wait3A_477 = tpu.memref_slice %arg10[%dma_wait3A_475, %dma_wait3A_476] : memref<400x16xf32, #tpu.memory_space<vmem>> -> memref<125x16xf32, #tpu.memory_space<vmem>>
      %dma_wait3A_478 = arith.constant 0 : i32
      %dma_wait3A_479 = tpu.memref_slice %arg2[%add3A_117, %dma_wait3A_478] : memref<100000x16xf32, #tpu.memory_space<hbm>> -> memref<125x16xf32, #tpu.memory_space<hbm>>
      tpu.wait_dma2 semaphore(%run_scoped3A : memref<!tpu.dma_semaphore, #tpu.memory_space<semaphore_mem>>) src(%dma_wait3A_479 : memref<125x16xf32, #tpu.memory_space<hbm>>) dst(%dma_wait3A_477 : memref<125x16xf32, #tpu.memory_space<vmem>>)
      tpu.yield
    }) : () -> ()
    %scan3A_118 = arith.constant 0 : i32
    %scan3A_119 = arith.constant 125 : i32
    %scan3A_120 = arith.addi %scan3A_118, %scan3A_119 : i32
    %scan3A_121 = arith.constant 1 : i32
    %scan3A_122 = scf.for %scan3A_460 = %scan3A_118 to %scan3A_120 step %scan3A_121 iter_args(%scan3A_461 = %scan3A_114) -> (vector<16xf32>)  : i32 {
      %get3A = arith.index_cast %scan3A_460 : i32 to index
      %get3A_462 = arith.constant 0 : index
      %get3A_463 = tpu.vector_load %arg10[%get3A, %get3A_462] {strides = array<i32>} : memref<400x16xf32, #tpu.memory_space<vmem>>, vector<1x16xf32>,
      %get3A_464 = vector.shape_cast %get3A_463 : vector<1x16xf32> to vector<16xf32>
      %add3A_465 = arith.addf %scan3A_461, %get3A_464 : vector<16xf32>
      scf.yield %add3A_465 : vector<16xf32>
    }
    %scan3A_123 = arith.constant 125 : i32
    %add3A_124 = arith.constant 1750 : i32
    %add3A_125 = arith.addi %mul3A_12, %add3A_124 : i32
    "tpu.region"() ({
      %run_scoped3A = tpu.sem_alloc : memref<!tpu.dma_semaphore, #tpu.memory_space<semaphore_mem>>
      %dma_start3A_460 = arith.constant 0 : i32
      %dma_start3A_461 = arith.constant 0 : i32
      %dma_start3A_462 = tpu.memref_slice %arg10[%dma_start3A_460, %dma_start3A_461] : memref<400x16xf32, #tpu.memory_space<vmem>> -> memref<125x16xf32, #tpu.memory_space<vmem>>
      %dma_start3A_463 = arith.constant 0 : i32
      %dma_start3A_464 = tpu.memref_slice %arg2[%add3A_125, %dma_start3A_463] : memref<100000x16xf32, #tpu.memory_space<hbm>> -> memref<125x16xf32, #tpu.memory_space<hbm>>
      %dma_start3A_465 = arith.constant 0 : i32
      %dma_start3A_466 = arith.constant 0 : i32
      %dma_start3A_467 = tpu.memref_slice %arg10[%dma_start3A_465, %dma_start3A_466] : memref<400x16xf32, #tpu.memory_space<vmem>> -> memref<125x16xf32, #tpu.memory_space<vmem>>
      %dma_start3A_468 = arith.constant 0 : i32
      %dma_start3A_469 = tpu.memref_slice %arg2[%add3A_125, %dma_start3A_468] : memref<100000x16xf32, #tpu.memory_space<hbm>> -> memref<125x16xf32, #tpu.memory_space<hbm>>
      tpu.enqueue_dma source(%dma_start3A_469 : memref<125x16xf32, #tpu.memory_space<hbm>>) target(%dma_start3A_467 : memref<125x16xf32, #tpu.memory_space<vmem>>) target_semaphore(%run_scoped3A : memref<!tpu.dma_semaphore, #tpu.memory_space<semaphore_mem>>)
      %dma_wait3A_470 = arith.constant 0 : i32
      %dma_wait3A_471 = arith.constant 0 : i32
      %dma_wait3A_472 = tpu.memref_slice %arg10[%dma_wait3A_470, %dma_wait3A_471] : memref<400x16xf32, #tpu.memory_space<vmem>> -> memref<125x16xf32, #tpu.memory_space<vmem>>
      %dma_wait3A_473 = arith.constant 0 : i32
      %dma_wait3A_474 = tpu.memref_slice %arg2[%add3A_125, %dma_wait3A_473] : memref<100000x16xf32, #tpu.memory_space<hbm>> -> memref<125x16xf32, #tpu.memory_space<hbm>>
      %dma_wait3A_475 = arith.constant 0 : i32
      %dma_wait3A_476 = arith.constant 0 : i32
      %dma_wait3A_477 = tpu.memref_slice %arg10[%dma_wait3A_475, %dma_wait3A_476] : memref<400x16xf32, #tpu.memory_space<vmem>> -> memref<125x16xf32, #tpu.memory_space<vmem>>
      %dma_wait3A_478 = arith.constant 0 : i32
      %dma_wait3A_479 = tpu.memref_slice %arg2[%add3A_125, %dma_wait3A_478] : memref<100000x16xf32, #tpu.memory_space<hbm>> -> memref<125x16xf32, #tpu.memory_space<hbm>>
      tpu.wait_dma2 semaphore(%run_scoped3A : memref<!tpu.dma_semaphore, #tpu.memory_space<semaphore_mem>>) src(%dma_wait3A_479 : memref<125x16xf32, #tpu.memory_space<hbm>>) dst(%dma_wait3A_477 : memref<125x16xf32, #tpu.memory_space<vmem>>)
      tpu.yield
    }) : () -> ()
    %scan3A_126 = arith.constant 0 : i32
    %scan3A_127 = arith.constant 125 : i32
    %scan3A_128 = arith.addi %scan3A_126, %scan3A_127 : i32
    %scan3A_129 = arith.constant 1 : i32
    %scan3A_130 = scf.for %scan3A_460 = %scan3A_126 to %scan3A_128 step %scan3A_129 iter_args(%scan3A_461 = %scan3A_122) -> (vector<16xf32>)  : i32 {
      %get3A = arith.index_cast %scan3A_460 : i32 to index
      %get3A_462 = arith.constant 0 : index
      %get3A_463 = tpu.vector_load %arg10[%get3A, %get3A_462] {strides = array<i32>} : memref<400x16xf32, #tpu.memory_space<vmem>>, vector<1x16xf32>,
      %get3A_464 = vector.shape_cast %get3A_463 : vector<1x16xf32> to vector<16xf32>
      %add3A_465 = arith.addf %scan3A_461, %get3A_464 : vector<16xf32>
      scf.yield %add3A_465 : vector<16xf32>
    }
    %scan3A_131 = arith.constant 125 : i32
    %add3A_132 = arith.constant 1875 : i32
    %add3A_133 = arith.addi %mul3A_12, %add3A_132 : i32
    "tpu.region"() ({
      %run_scoped3A = tpu.sem_alloc : memref<!tpu.dma_semaphore, #tpu.memory_space<semaphore_mem>>
      %dma_start3A_460 = arith.constant 0 : i32
      %dma_start3A_461 = arith.constant 0 : i32
      %dma_start3A_462 = tpu.memref_slice %arg10[%dma_start3A_460, %dma_start3A_461] : memref<400x16xf32, #tpu.memory_space<vmem>> -> memref<125x16xf32, #tpu.memory_space<vmem>>
      %dma_start3A_463 = arith.constant 0 : i32
      %dma_start3A_464 = tpu.memref_slice %arg2[%add3A_133, %dma_start3A_463] : memref<100000x16xf32, #tpu.memory_space<hbm>> -> memref<125x16xf32, #tpu.memory_space<hbm>>
      %dma_start3A_465 = arith.constant 0 : i32
      %dma_start3A_466 = arith.constant 0 : i32
      %dma_start3A_467 = tpu.memref_slice %arg10[%dma_start3A_465, %dma_start3A_466] : memref<400x16xf32, #tpu.memory_space<vmem>> -> memref<125x16xf32, #tpu.memory_space<vmem>>
      %dma_start3A_468 = arith.constant 0 : i32
      %dma_start3A_469 = tpu.memref_slice %arg2[%add3A_133, %dma_start3A_468] : memref<100000x16xf32, #tpu.memory_space<hbm>> -> memref<125x16xf32, #tpu.memory_space<hbm>>
      tpu.enqueue_dma source(%dma_start3A_469 : memref<125x16xf32, #tpu.memory_space<hbm>>) target(%dma_start3A_467 : memref<125x16xf32, #tpu.memory_space<vmem>>) target_semaphore(%run_scoped3A : memref<!tpu.dma_semaphore, #tpu.memory_space<semaphore_mem>>)
      %dma_wait3A_470 = arith.constant 0 : i32
      %dma_wait3A_471 = arith.constant 0 : i32
      %dma_wait3A_472 = tpu.memref_slice %arg10[%dma_wait3A_470, %dma_wait3A_471] : memref<400x16xf32, #tpu.memory_space<vmem>> -> memref<125x16xf32, #tpu.memory_space<vmem>>
      %dma_wait3A_473 = arith.constant 0 : i32
      %dma_wait3A_474 = tpu.memref_slice %arg2[%add3A_133, %dma_wait3A_473] : memref<100000x16xf32, #tpu.memory_space<hbm>> -> memref<125x16xf32, #tpu.memory_space<hbm>>
      %dma_wait3A_475 = arith.constant 0 : i32
      %dma_wait3A_476 = arith.constant 0 : i32
      %dma_wait3A_477 = tpu.memref_slice %arg10[%dma_wait3A_475, %dma_wait3A_476] : memref<400x16xf32, #tpu.memory_space<vmem>> -> memref<125x16xf32, #tpu.memory_space<vmem>>
      %dma_wait3A_478 = arith.constant 0 : i32
      %dma_wait3A_479 = tpu.memref_slice %arg2[%add3A_133, %dma_wait3A_478] : memref<100000x16xf32, #tpu.memory_space<hbm>> -> memref<125x16xf32, #tpu.memory_space<hbm>>
      tpu.wait_dma2 semaphore(%run_scoped3A : memref<!tpu.dma_semaphore, #tpu.memory_space<semaphore_mem>>) src(%dma_wait3A_479 : memref<125x16xf32, #tpu.memory_space<hbm>>) dst(%dma_wait3A_477 : memref<125x16xf32, #tpu.memory_space<vmem>>)
      tpu.yield
    }) : () -> ()
    %scan3A_134 = arith.constant 0 : i32
    %scan3A_135 = arith.constant 125 : i32
    %scan3A_136 = arith.addi %scan3A_134, %scan3A_135 : i32
    %scan3A_137 = arith.constant 1 : i32
    %scan3A_138 = scf.for %scan3A_460 = %scan3A_134 to %scan3A_136 step %scan3A_137 iter_args(%scan3A_461 = %scan3A_130) -> (vector<16xf32>)  : i32 {
      %get3A = arith.index_cast %scan3A_460 : i32 to index
      %get3A_462 = arith.constant 0 : index
      %get3A_463 = tpu.vector_load %arg10[%get3A, %get3A_462] {strides = array<i32>} : memref<400x16xf32, #tpu.memory_space<vmem>>, vector<1x16xf32>,
      %get3A_464 = vector.shape_cast %get3A_463 : vector<1x16xf32> to vector<16xf32>
      %add3A_465 = arith.addf %scan3A_461, %get3A_464 : vector<16xf32>
      scf.yield %add3A_465 : vector<16xf32>
    }
    %scan3A_139 = arith.constant 125 : i32
    %add3A_140 = arith.constant 2000 : i32
    %add3A_141 = arith.addi %mul3A_12, %add3A_140 : i32
    "tpu.region"() ({
      %run_scoped3A = tpu.sem_alloc : memref<!tpu.dma_semaphore, #tpu.memory_space<semaphore_mem>>
      %dma_start3A_460 = arith.constant 0 : i32
      %dma_start3A_461 = arith.constant 0 : i32
      %dma_start3A_462 = tpu.memref_slice %arg10[%dma_start3A_460, %dma_start3A_461] : memref<400x16xf32, #tpu.memory_space<vmem>> -> memref<125x16xf32, #tpu.memory_space<vmem>>
      %dma_start3A_463 = arith.constant 0 : i32
      %dma_start3A_464 = tpu.memref_slice %arg2[%add3A_141, %dma_start3A_463] : memref<100000x16xf32, #tpu.memory_space<hbm>> -> memref<125x16xf32, #tpu.memory_space<hbm>>
      %dma_start3A_465 = arith.constant 0 : i32
      %dma_start3A_466 = arith.constant 0 : i32
      %dma_start3A_467 = tpu.memref_slice %arg10[%dma_start3A_465, %dma_start3A_466] : memref<400x16xf32, #tpu.memory_space<vmem>> -> memref<125x16xf32, #tpu.memory_space<vmem>>
      %dma_start3A_468 = arith.constant 0 : i32
      %dma_start3A_469 = tpu.memref_slice %arg2[%add3A_141, %dma_start3A_468] : memref<100000x16xf32, #tpu.memory_space<hbm>> -> memref<125x16xf32, #tpu.memory_space<hbm>>
      tpu.enqueue_dma source(%dma_start3A_469 : memref<125x16xf32, #tpu.memory_space<hbm>>) target(%dma_start3A_467 : memref<125x16xf32, #tpu.memory_space<vmem>>) target_semaphore(%run_scoped3A : memref<!tpu.dma_semaphore, #tpu.memory_space<semaphore_mem>>)
      %dma_wait3A_470 = arith.constant 0 : i32
      %dma_wait3A_471 = arith.constant 0 : i32
      %dma_wait3A_472 = tpu.memref_slice %arg10[%dma_wait3A_470, %dma_wait3A_471] : memref<400x16xf32, #tpu.memory_space<vmem>> -> memref<125x16xf32, #tpu.memory_space<vmem>>
      %dma_wait3A_473 = arith.constant 0 : i32
      %dma_wait3A_474 = tpu.memref_slice %arg2[%add3A_141, %dma_wait3A_473] : memref<100000x16xf32, #tpu.memory_space<hbm>> -> memref<125x16xf32, #tpu.memory_space<hbm>>
      %dma_wait3A_475 = arith.constant 0 : i32
      %dma_wait3A_476 = arith.constant 0 : i32
      %dma_wait3A_477 = tpu.memref_slice %arg10[%dma_wait3A_475, %dma_wait3A_476] : memref<400x16xf32, #tpu.memory_space<vmem>> -> memref<125x16xf32, #tpu.memory_space<vmem>>
      %dma_wait3A_478 = arith.constant 0 : i32
      %dma_wait3A_479 = tpu.memref_slice %arg2[%add3A_141, %dma_wait3A_478] : memref<100000x16xf32, #tpu.memory_space<hbm>> -> memref<125x16xf32, #tpu.memory_space<hbm>>
      tpu.wait_dma2 semaphore(%run_scoped3A : memref<!tpu.dma_semaphore, #tpu.memory_space<semaphore_mem>>) src(%dma_wait3A_479 : memref<125x16xf32, #tpu.memory_space<hbm>>) dst(%dma_wait3A_477 : memref<125x16xf32, #tpu.memory_space<vmem>>)
      tpu.yield
    }) : () -> ()
    %scan3A_142 = arith.constant 0 : i32
    %scan3A_143 = arith.constant 125 : i32
    %scan3A_144 = arith.addi %scan3A_142, %scan3A_143 : i32
    %scan3A_145 = arith.constant 1 : i32
    %scan3A_146 = scf.for %scan3A_460 = %scan3A_142 to %scan3A_144 step %scan3A_145 iter_args(%scan3A_461 = %scan3A_138) -> (vector<16xf32>)  : i32 {
      %get3A = arith.index_cast %scan3A_460 : i32 to index
      %get3A_462 = arith.constant 0 : index
      %get3A_463 = tpu.vector_load %arg10[%get3A, %get3A_462] {strides = array<i32>} : memref<400x16xf32, #tpu.memory_space<vmem>>, vector<1x16xf32>,
      %get3A_464 = vector.shape_cast %get3A_463 : vector<1x16xf32> to vector<16xf32>
      %add3A_465 = arith.addf %scan3A_461, %get3A_464 : vector<16xf32>
      scf.yield %add3A_465 : vector<16xf32>
    }
    %scan3A_147 = arith.constant 125 : i32
    %add3A_148 = arith.constant 2125 : i32
    %add3A_149 = arith.addi %mul3A_12, %add3A_148 : i32
    "tpu.region"() ({
      %run_scoped3A = tpu.sem_alloc : memref<!tpu.dma_semaphore, #tpu.memory_space<semaphore_mem>>
      %dma_start3A_460 = arith.constant 0 : i32
      %dma_start3A_461 = arith.constant 0 : i32
      %dma_start3A_462 = tpu.memref_slice %arg10[%dma_start3A_460, %dma_start3A_461] : memref<400x16xf32, #tpu.memory_space<vmem>> -> memref<125x16xf32, #tpu.memory_space<vmem>>
      %dma_start3A_463 = arith.constant 0 : i32
      %dma_start3A_464 = tpu.memref_slice %arg2[%add3A_149, %dma_start3A_463] : memref<100000x16xf32, #tpu.memory_space<hbm>> -> memref<125x16xf32, #tpu.memory_space<hbm>>
      %dma_start3A_465 = arith.constant 0 : i32
      %dma_start3A_466 = arith.constant 0 : i32
      %dma_start3A_467 = tpu.memref_slice %arg10[%dma_start3A_465, %dma_start3A_466] : memref<400x16xf32, #tpu.memory_space<vmem>> -> memref<125x16xf32, #tpu.memory_space<vmem>>
      %dma_start3A_468 = arith.constant 0 : i32
      %dma_start3A_469 = tpu.memref_slice %arg2[%add3A_149, %dma_start3A_468] : memref<100000x16xf32, #tpu.memory_space<hbm>> -> memref<125x16xf32, #tpu.memory_space<hbm>>
      tpu.enqueue_dma source(%dma_start3A_469 : memref<125x16xf32, #tpu.memory_space<hbm>>) target(%dma_start3A_467 : memref<125x16xf32, #tpu.memory_space<vmem>>) target_semaphore(%run_scoped3A : memref<!tpu.dma_semaphore, #tpu.memory_space<semaphore_mem>>)
      %dma_wait3A_470 = arith.constant 0 : i32
      %dma_wait3A_471 = arith.constant 0 : i32
      %dma_wait3A_472 = tpu.memref_slice %arg10[%dma_wait3A_470, %dma_wait3A_471] : memref<400x16xf32, #tpu.memory_space<vmem>> -> memref<125x16xf32, #tpu.memory_space<vmem>>
      %dma_wait3A_473 = arith.constant 0 : i32
      %dma_wait3A_474 = tpu.memref_slice %arg2[%add3A_149, %dma_wait3A_473] : memref<100000x16xf32, #tpu.memory_space<hbm>> -> memref<125x16xf32, #tpu.memory_space<hbm>>
      %dma_wait3A_475 = arith.constant 0 : i32
      %dma_wait3A_476 = arith.constant 0 : i32
      %dma_wait3A_477 = tpu.memref_slice %arg10[%dma_wait3A_475, %dma_wait3A_476] : memref<400x16xf32, #tpu.memory_space<vmem>> -> memref<125x16xf32, #tpu.memory_space<vmem>>
      %dma_wait3A_478 = arith.constant 0 : i32
      %dma_wait3A_479 = tpu.memref_slice %arg2[%add3A_149, %dma_wait3A_478] : memref<100000x16xf32, #tpu.memory_space<hbm>> -> memref<125x16xf32, #tpu.memory_space<hbm>>
      tpu.wait_dma2 semaphore(%run_scoped3A : memref<!tpu.dma_semaphore, #tpu.memory_space<semaphore_mem>>) src(%dma_wait3A_479 : memref<125x16xf32, #tpu.memory_space<hbm>>) dst(%dma_wait3A_477 : memref<125x16xf32, #tpu.memory_space<vmem>>)
      tpu.yield
    }) : () -> ()
    %scan3A_150 = arith.constant 0 : i32
    %scan3A_151 = arith.constant 125 : i32
    %scan3A_152 = arith.addi %scan3A_150, %scan3A_151 : i32
    %scan3A_153 = arith.constant 1 : i32
    %scan3A_154 = scf.for %scan3A_460 = %scan3A_150 to %scan3A_152 step %scan3A_153 iter_args(%scan3A_461 = %scan3A_146) -> (vector<16xf32>)  : i32 {
      %get3A = arith.index_cast %scan3A_460 : i32 to index
      %get3A_462 = arith.constant 0 : index
      %get3A_463 = tpu.vector_load %arg10[%get3A, %get3A_462] {strides = array<i32>} : memref<400x16xf32, #tpu.memory_space<vmem>>, vector<1x16xf32>,
      %get3A_464 = vector.shape_cast %get3A_463 : vector<1x16xf32> to vector<16xf32>
      %add3A_465 = arith.addf %scan3A_461, %get3A_464 : vector<16xf32>
      scf.yield %add3A_465 : vector<16xf32>
    }
    %scan3A_155 = arith.constant 125 : i32
    %add3A_156 = arith.constant 2250 : i32
    %add3A_157 = arith.addi %mul3A_12, %add3A_156 : i32
    "tpu.region"() ({
      %run_scoped3A = tpu.sem_alloc : memref<!tpu.dma_semaphore, #tpu.memory_space<semaphore_mem>>
      %dma_start3A_460 = arith.constant 0 : i32
      %dma_start3A_461 = arith.constant 0 : i32
      %dma_start3A_462 = tpu.memref_slice %arg10[%dma_start3A_460, %dma_start3A_461] : memref<400x16xf32, #tpu.memory_space<vmem>> -> memref<125x16xf32, #tpu.memory_space<vmem>>
      %dma_start3A_463 = arith.constant 0 : i32
      %dma_start3A_464 = tpu.memref_slice %arg2[%add3A_157, %dma_start3A_463] : memref<100000x16xf32, #tpu.memory_space<hbm>> -> memref<125x16xf32, #tpu.memory_space<hbm>>
      %dma_start3A_465 = arith.constant 0 : i32
      %dma_start3A_466 = arith.constant 0 : i32
      %dma_start3A_467 = tpu.memref_slice %arg10[%dma_start3A_465, %dma_start3A_466] : memref<400x16xf32, #tpu.memory_space<vmem>> -> memref<125x16xf32, #tpu.memory_space<vmem>>
      %dma_start3A_468 = arith.constant 0 : i32
      %dma_start3A_469 = tpu.memref_slice %arg2[%add3A_157, %dma_start3A_468] : memref<100000x16xf32, #tpu.memory_space<hbm>> -> memref<125x16xf32, #tpu.memory_space<hbm>>
      tpu.enqueue_dma source(%dma_start3A_469 : memref<125x16xf32, #tpu.memory_space<hbm>>) target(%dma_start3A_467 : memref<125x16xf32, #tpu.memory_space<vmem>>) target_semaphore(%run_scoped3A : memref<!tpu.dma_semaphore, #tpu.memory_space<semaphore_mem>>)
      %dma_wait3A_470 = arith.constant 0 : i32
      %dma_wait3A_471 = arith.constant 0 : i32
      %dma_wait3A_472 = tpu.memref_slice %arg10[%dma_wait3A_470, %dma_wait3A_471] : memref<400x16xf32, #tpu.memory_space<vmem>> -> memref<125x16xf32, #tpu.memory_space<vmem>>
      %dma_wait3A_473 = arith.constant 0 : i32
      %dma_wait3A_474 = tpu.memref_slice %arg2[%add3A_157, %dma_wait3A_473] : memref<100000x16xf32, #tpu.memory_space<hbm>> -> memref<125x16xf32, #tpu.memory_space<hbm>>
      %dma_wait3A_475 = arith.constant 0 : i32
      %dma_wait3A_476 = arith.constant 0 : i32
      %dma_wait3A_477 = tpu.memref_slice %arg10[%dma_wait3A_475, %dma_wait3A_476] : memref<400x16xf32, #tpu.memory_space<vmem>> -> memref<125x16xf32, #tpu.memory_space<vmem>>
      %dma_wait3A_478 = arith.constant 0 : i32
      %dma_wait3A_479 = tpu.memref_slice %arg2[%add3A_157, %dma_wait3A_478] : memref<100000x16xf32, #tpu.memory_space<hbm>> -> memref<125x16xf32, #tpu.memory_space<hbm>>
      tpu.wait_dma2 semaphore(%run_scoped3A : memref<!tpu.dma_semaphore, #tpu.memory_space<semaphore_mem>>) src(%dma_wait3A_479 : memref<125x16xf32, #tpu.memory_space<hbm>>) dst(%dma_wait3A_477 : memref<125x16xf32, #tpu.memory_space<vmem>>)
      tpu.yield
    }) : () -> ()
    %scan3A_158 = arith.constant 0 : i32
    %scan3A_159 = arith.constant 125 : i32
    %scan3A_160 = arith.addi %scan3A_158, %scan3A_159 : i32
    %scan3A_161 = arith.constant 1 : i32
    %scan3A_162 = scf.for %scan3A_460 = %scan3A_158 to %scan3A_160 step %scan3A_161 iter_args(%scan3A_461 = %scan3A_154) -> (vector<16xf32>)  : i32 {
      %get3A = arith.index_cast %scan3A_460 : i32 to index
      %get3A_462 = arith.constant 0 : index
      %get3A_463 = tpu.vector_load %arg10[%get3A, %get3A_462] {strides = array<i32>} : memref<400x16xf32, #tpu.memory_space<vmem>>, vector<1x16xf32>,
      %get3A_464 = vector.shape_cast %get3A_463 : vector<1x16xf32> to vector<16xf32>
      %add3A_465 = arith.addf %scan3A_461, %get3A_464 : vector<16xf32>
      scf.yield %add3A_465 : vector<16xf32>
    }
    %scan3A_163 = arith.constant 125 : i32
    %add3A_164 = arith.constant 2375 : i32
    %add3A_165 = arith.addi %mul3A_12, %add3A_164 : i32
    "tpu.region"() ({
      %run_scoped3A = tpu.sem_alloc : memref<!tpu.dma_semaphore, #tpu.memory_space<semaphore_mem>>
      %dma_start3A_460 = arith.constant 0 : i32
      %dma_start3A_461 = arith.constant 0 : i32
      %dma_start3A_462 = tpu.memref_slice %arg10[%dma_start3A_460, %dma_start3A_461] : memref<400x16xf32, #tpu.memory_space<vmem>> -> memref<125x16xf32, #tpu.memory_space<vmem>>
      %dma_start3A_463 = arith.constant 0 : i32
      %dma_start3A_464 = tpu.memref_slice %arg2[%add3A_165, %dma_start3A_463] : memref<100000x16xf32, #tpu.memory_space<hbm>> -> memref<125x16xf32, #tpu.memory_space<hbm>>
      %dma_start3A_465 = arith.constant 0 : i32
      %dma_start3A_466 = arith.constant 0 : i32
      %dma_start3A_467 = tpu.memref_slice %arg10[%dma_start3A_465, %dma_start3A_466] : memref<400x16xf32, #tpu.memory_space<vmem>> -> memref<125x16xf32, #tpu.memory_space<vmem>>
      %dma_start3A_468 = arith.constant 0 : i32
      %dma_start3A_469 = tpu.memref_slice %arg2[%add3A_165, %dma_start3A_468] : memref<100000x16xf32, #tpu.memory_space<hbm>> -> memref<125x16xf32, #tpu.memory_space<hbm>>
      tpu.enqueue_dma source(%dma_start3A_469 : memref<125x16xf32, #tpu.memory_space<hbm>>) target(%dma_start3A_467 : memref<125x16xf32, #tpu.memory_space<vmem>>) target_semaphore(%run_scoped3A : memref<!tpu.dma_semaphore, #tpu.memory_space<semaphore_mem>>)
      %dma_wait3A_470 = arith.constant 0 : i32
      %dma_wait3A_471 = arith.constant 0 : i32
      %dma_wait3A_472 = tpu.memref_slice %arg10[%dma_wait3A_470, %dma_wait3A_471] : memref<400x16xf32, #tpu.memory_space<vmem>> -> memref<125x16xf32, #tpu.memory_space<vmem>>
      %dma_wait3A_473 = arith.constant 0 : i32
      %dma_wait3A_474 = tpu.memref_slice %arg2[%add3A_165, %dma_wait3A_473] : memref<100000x16xf32, #tpu.memory_space<hbm>> -> memref<125x16xf32, #tpu.memory_space<hbm>>
      %dma_wait3A_475 = arith.constant 0 : i32
      %dma_wait3A_476 = arith.constant 0 : i32
      %dma_wait3A_477 = tpu.memref_slice %arg10[%dma_wait3A_475, %dma_wait3A_476] : memref<400x16xf32, #tpu.memory_space<vmem>> -> memref<125x16xf32, #tpu.memory_space<vmem>>
      %dma_wait3A_478 = arith.constant 0 : i32
      %dma_wait3A_479 = tpu.memref_slice %arg2[%add3A_165, %dma_wait3A_478] : memref<100000x16xf32, #tpu.memory_space<hbm>> -> memref<125x16xf32, #tpu.memory_space<hbm>>
      tpu.wait_dma2 semaphore(%run_scoped3A : memref<!tpu.dma_semaphore, #tpu.memory_space<semaphore_mem>>) src(%dma_wait3A_479 : memref<125x16xf32, #tpu.memory_space<hbm>>) dst(%dma_wait3A_477 : memref<125x16xf32, #tpu.memory_space<vmem>>)
      tpu.yield
    }) : () -> ()
    %scan3A_166 = arith.constant 0 : i32
    %scan3A_167 = arith.constant 125 : i32
    %scan3A_168 = arith.addi %scan3A_166, %scan3A_167 : i32
    %scan3A_169 = arith.constant 1 : i32
    %scan3A_170 = scf.for %scan3A_460 = %scan3A_166 to %scan3A_168 step %scan3A_169 iter_args(%scan3A_461 = %scan3A_162) -> (vector<16xf32>)  : i32 {
      %get3A = arith.index_cast %scan3A_460 : i32 to index
      %get3A_462 = arith.constant 0 : index
      %get3A_463 = tpu.vector_load %arg10[%get3A, %get3A_462] {strides = array<i32>} : memref<400x16xf32, #tpu.memory_space<vmem>>, vector<1x16xf32>,
      %get3A_464 = vector.shape_cast %get3A_463 : vector<1x16xf32> to vector<16xf32>
      %add3A_465 = arith.addf %scan3A_461, %get3A_464 : vector<16xf32>
      scf.yield %add3A_465 : vector<16xf32>
    }
    %scan3A_171 = arith.constant 125 : i32
    %add3A_172 = arith.constant 2500 : i32
    %add3A_173 = arith.addi %mul3A_12, %add3A_172 : i32
    "tpu.region"() ({
      %run_scoped3A = tpu.sem_alloc : memref<!tpu.dma_semaphore, #tpu.memory_space<semaphore_mem>>
      %dma_start3A_460 = arith.constant 0 : i32
      %dma_start3A_461 = arith.constant 0 : i32
      %dma_start3A_462 = tpu.memref_slice %arg10[%dma_start3A_460, %dma_start3A_461] : memref<400x16xf32, #tpu.memory_space<vmem>> -> memref<125x16xf32, #tpu.memory_space<vmem>>
      %dma_start3A_463 = arith.constant 0 : i32
      %dma_start3A_464 = tpu.memref_slice %arg2[%add3A_173, %dma_start3A_463] : memref<100000x16xf32, #tpu.memory_space<hbm>> -> memref<125x16xf32, #tpu.memory_space<hbm>>
      %dma_start3A_465 = arith.constant 0 : i32
      %dma_start3A_466 = arith.constant 0 : i32
      %dma_start3A_467 = tpu.memref_slice %arg10[%dma_start3A_465, %dma_start3A_466] : memref<400x16xf32, #tpu.memory_space<vmem>> -> memref<125x16xf32, #tpu.memory_space<vmem>>
      %dma_start3A_468 = arith.constant 0 : i32
      %dma_start3A_469 = tpu.memref_slice %arg2[%add3A_173, %dma_start3A_468] : memref<100000x16xf32, #tpu.memory_space<hbm>> -> memref<125x16xf32, #tpu.memory_space<hbm>>
      tpu.enqueue_dma source(%dma_start3A_469 : memref<125x16xf32, #tpu.memory_space<hbm>>) target(%dma_start3A_467 : memref<125x16xf32, #tpu.memory_space<vmem>>) target_semaphore(%run_scoped3A : memref<!tpu.dma_semaphore, #tpu.memory_space<semaphore_mem>>)
      %dma_wait3A_470 = arith.constant 0 : i32
      %dma_wait3A_471 = arith.constant 0 : i32
      %dma_wait3A_472 = tpu.memref_slice %arg10[%dma_wait3A_470, %dma_wait3A_471] : memref<400x16xf32, #tpu.memory_space<vmem>> -> memref<125x16xf32, #tpu.memory_space<vmem>>
      %dma_wait3A_473 = arith.constant 0 : i32
      %dma_wait3A_474 = tpu.memref_slice %arg2[%add3A_173, %dma_wait3A_473] : memref<100000x16xf32, #tpu.memory_space<hbm>> -> memref<125x16xf32, #tpu.memory_space<hbm>>
      %dma_wait3A_475 = arith.constant 0 : i32
      %dma_wait3A_476 = arith.constant 0 : i32
      %dma_wait3A_477 = tpu.memref_slice %arg10[%dma_wait3A_475, %dma_wait3A_476] : memref<400x16xf32, #tpu.memory_space<vmem>> -> memref<125x16xf32, #tpu.memory_space<vmem>>
      %dma_wait3A_478 = arith.constant 0 : i32
      %dma_wait3A_479 = tpu.memref_slice %arg2[%add3A_173, %dma_wait3A_478] : memref<100000x16xf32, #tpu.memory_space<hbm>> -> memref<125x16xf32, #tpu.memory_space<hbm>>
      tpu.wait_dma2 semaphore(%run_scoped3A : memref<!tpu.dma_semaphore, #tpu.memory_space<semaphore_mem>>) src(%dma_wait3A_479 : memref<125x16xf32, #tpu.memory_space<hbm>>) dst(%dma_wait3A_477 : memref<125x16xf32, #tpu.memory_space<vmem>>)
      tpu.yield
    }) : () -> ()
    %scan3A_174 = arith.constant 0 : i32
    %scan3A_175 = arith.constant 125 : i32
    %scan3A_176 = arith.addi %scan3A_174, %scan3A_175 : i32
    %scan3A_177 = arith.constant 1 : i32
    %scan3A_178 = scf.for %scan3A_460 = %scan3A_174 to %scan3A_176 step %scan3A_177 iter_args(%scan3A_461 = %scan3A_170) -> (vector<16xf32>)  : i32 {
      %get3A = arith.index_cast %scan3A_460 : i32 to index
      %get3A_462 = arith.constant 0 : index
      %get3A_463 = tpu.vector_load %arg10[%get3A, %get3A_462] {strides = array<i32>} : memref<400x16xf32, #tpu.memory_space<vmem>>, vector<1x16xf32>,
      %get3A_464 = vector.shape_cast %get3A_463 : vector<1x16xf32> to vector<16xf32>
      %add3A_465 = arith.addf %scan3A_461, %get3A_464 : vector<16xf32>
      scf.yield %add3A_465 : vector<16xf32>
    }
    %scan3A_179 = arith.constant 125 : i32
    %add3A_180 = arith.constant 2625 : i32
    %add3A_181 = arith.addi %mul3A_12, %add3A_180 : i32
    "tpu.region"() ({
      %run_scoped3A = tpu.sem_alloc : memref<!tpu.dma_semaphore, #tpu.memory_space<semaphore_mem>>
      %dma_start3A_460 = arith.constant 0 : i32
      %dma_start3A_461 = arith.constant 0 : i32
      %dma_start3A_462 = tpu.memref_slice %arg10[%dma_start3A_460, %dma_start3A_461] : memref<400x16xf32, #tpu.memory_space<vmem>> -> memref<125x16xf32, #tpu.memory_space<vmem>>
      %dma_start3A_463 = arith.constant 0 : i32
      %dma_start3A_464 = tpu.memref_slice %arg2[%add3A_181, %dma_start3A_463] : memref<100000x16xf32, #tpu.memory_space<hbm>> -> memref<125x16xf32, #tpu.memory_space<hbm>>
      %dma_start3A_465 = arith.constant 0 : i32
      %dma_start3A_466 = arith.constant 0 : i32
      %dma_start3A_467 = tpu.memref_slice %arg10[%dma_start3A_465, %dma_start3A_466] : memref<400x16xf32, #tpu.memory_space<vmem>> -> memref<125x16xf32, #tpu.memory_space<vmem>>
      %dma_start3A_468 = arith.constant 0 : i32
      %dma_start3A_469 = tpu.memref_slice %arg2[%add3A_181, %dma_start3A_468] : memref<100000x16xf32, #tpu.memory_space<hbm>> -> memref<125x16xf32, #tpu.memory_space<hbm>>
      tpu.enqueue_dma source(%dma_start3A_469 : memref<125x16xf32, #tpu.memory_space<hbm>>) target(%dma_start3A_467 : memref<125x16xf32, #tpu.memory_space<vmem>>) target_semaphore(%run_scoped3A : memref<!tpu.dma_semaphore, #tpu.memory_space<semaphore_mem>>)
      %dma_wait3A_470 = arith.constant 0 : i32
      %dma_wait3A_471 = arith.constant 0 : i32
      %dma_wait3A_472 = tpu.memref_slice %arg10[%dma_wait3A_470, %dma_wait3A_471] : memref<400x16xf32, #tpu.memory_space<vmem>> -> memref<125x16xf32, #tpu.memory_space<vmem>>
      %dma_wait3A_473 = arith.constant 0 : i32
      %dma_wait3A_474 = tpu.memref_slice %arg2[%add3A_181, %dma_wait3A_473] : memref<100000x16xf32, #tpu.memory_space<hbm>> -> memref<125x16xf32, #tpu.memory_space<hbm>>
      %dma_wait3A_475 = arith.constant 0 : i32
      %dma_wait3A_476 = arith.constant 0 : i32
      %dma_wait3A_477 = tpu.memref_slice %arg10[%dma_wait3A_475, %dma_wait3A_476] : memref<400x16xf32, #tpu.memory_space<vmem>> -> memref<125x16xf32, #tpu.memory_space<vmem>>
      %dma_wait3A_478 = arith.constant 0 : i32
      %dma_wait3A_479 = tpu.memref_slice %arg2[%add3A_181, %dma_wait3A_478] : memref<100000x16xf32, #tpu.memory_space<hbm>> -> memref<125x16xf32, #tpu.memory_space<hbm>>
      tpu.wait_dma2 semaphore(%run_scoped3A : memref<!tpu.dma_semaphore, #tpu.memory_space<semaphore_mem>>) src(%dma_wait3A_479 : memref<125x16xf32, #tpu.memory_space<hbm>>) dst(%dma_wait3A_477 : memref<125x16xf32, #tpu.memory_space<vmem>>)
      tpu.yield
    }) : () -> ()
    %scan3A_182 = arith.constant 0 : i32
    %scan3A_183 = arith.constant 125 : i32
    %scan3A_184 = arith.addi %scan3A_182, %scan3A_183 : i32
    %scan3A_185 = arith.constant 1 : i32
    %scan3A_186 = scf.for %scan3A_460 = %scan3A_182 to %scan3A_184 step %scan3A_185 iter_args(%scan3A_461 = %scan3A_178) -> (vector<16xf32>)  : i32 {
      %get3A = arith.index_cast %scan3A_460 : i32 to index
      %get3A_462 = arith.constant 0 : index
      %get3A_463 = tpu.vector_load %arg10[%get3A, %get3A_462] {strides = array<i32>} : memref<400x16xf32, #tpu.memory_space<vmem>>, vector<1x16xf32>,
      %get3A_464 = vector.shape_cast %get3A_463 : vector<1x16xf32> to vector<16xf32>
      %add3A_465 = arith.addf %scan3A_461, %get3A_464 : vector<16xf32>
      scf.yield %add3A_465 : vector<16xf32>
    }
    %scan3A_187 = arith.constant 125 : i32
    %add3A_188 = arith.constant 2750 : i32
    %add3A_189 = arith.addi %mul3A_12, %add3A_188 : i32
    "tpu.region"() ({
      %run_scoped3A = tpu.sem_alloc : memref<!tpu.dma_semaphore, #tpu.memory_space<semaphore_mem>>
      %dma_start3A_460 = arith.constant 0 : i32
      %dma_start3A_461 = arith.constant 0 : i32
      %dma_start3A_462 = tpu.memref_slice %arg10[%dma_start3A_460, %dma_start3A_461] : memref<400x16xf32, #tpu.memory_space<vmem>> -> memref<125x16xf32, #tpu.memory_space<vmem>>
      %dma_start3A_463 = arith.constant 0 : i32
      %dma_start3A_464 = tpu.memref_slice %arg2[%add3A_189, %dma_start3A_463] : memref<100000x16xf32, #tpu.memory_space<hbm>> -> memref<125x16xf32, #tpu.memory_space<hbm>>
      %dma_start3A_465 = arith.constant 0 : i32
      %dma_start3A_466 = arith.constant 0 : i32
      %dma_start3A_467 = tpu.memref_slice %arg10[%dma_start3A_465, %dma_start3A_466] : memref<400x16xf32, #tpu.memory_space<vmem>> -> memref<125x16xf32, #tpu.memory_space<vmem>>
      %dma_start3A_468 = arith.constant 0 : i32
      %dma_start3A_469 = tpu.memref_slice %arg2[%add3A_189, %dma_start3A_468] : memref<100000x16xf32, #tpu.memory_space<hbm>> -> memref<125x16xf32, #tpu.memory_space<hbm>>
      tpu.enqueue_dma source(%dma_start3A_469 : memref<125x16xf32, #tpu.memory_space<hbm>>) target(%dma_start3A_467 : memref<125x16xf32, #tpu.memory_space<vmem>>) target_semaphore(%run_scoped3A : memref<!tpu.dma_semaphore, #tpu.memory_space<semaphore_mem>>)
      %dma_wait3A_470 = arith.constant 0 : i32
      %dma_wait3A_471 = arith.constant 0 : i32
      %dma_wait3A_472 = tpu.memref_slice %arg10[%dma_wait3A_470, %dma_wait3A_471] : memref<400x16xf32, #tpu.memory_space<vmem>> -> memref<125x16xf32, #tpu.memory_space<vmem>>
      %dma_wait3A_473 = arith.constant 0 : i32
      %dma_wait3A_474 = tpu.memref_slice %arg2[%add3A_189, %dma_wait3A_473] : memref<100000x16xf32, #tpu.memory_space<hbm>> -> memref<125x16xf32, #tpu.memory_space<hbm>>
      %dma_wait3A_475 = arith.constant 0 : i32
      %dma_wait3A_476 = arith.constant 0 : i32
      %dma_wait3A_477 = tpu.memref_slice %arg10[%dma_wait3A_475, %dma_wait3A_476] : memref<400x16xf32, #tpu.memory_space<vmem>> -> memref<125x16xf32, #tpu.memory_space<vmem>>
      %dma_wait3A_478 = arith.constant 0 : i32
      %dma_wait3A_479 = tpu.memref_slice %arg2[%add3A_189, %dma_wait3A_478] : memref<100000x16xf32, #tpu.memory_space<hbm>> -> memref<125x16xf32, #tpu.memory_space<hbm>>
      tpu.wait_dma2 semaphore(%run_scoped3A : memref<!tpu.dma_semaphore, #tpu.memory_space<semaphore_mem>>) src(%dma_wait3A_479 : memref<125x16xf32, #tpu.memory_space<hbm>>) dst(%dma_wait3A_477 : memref<125x16xf32, #tpu.memory_space<vmem>>)
      tpu.yield
    }) : () -> ()
    %scan3A_190 = arith.constant 0 : i32
    %scan3A_191 = arith.constant 125 : i32
    %scan3A_192 = arith.addi %scan3A_190, %scan3A_191 : i32
    %scan3A_193 = arith.constant 1 : i32
    %scan3A_194 = scf.for %scan3A_460 = %scan3A_190 to %scan3A_192 step %scan3A_193 iter_args(%scan3A_461 = %scan3A_186) -> (vector<16xf32>)  : i32 {
      %get3A = arith.index_cast %scan3A_460 : i32 to index
      %get3A_462 = arith.constant 0 : index
      %get3A_463 = tpu.vector_load %arg10[%get3A, %get3A_462] {strides = array<i32>} : memref<400x16xf32, #tpu.memory_space<vmem>>, vector<1x16xf32>,
      %get3A_464 = vector.shape_cast %get3A_463 : vector<1x16xf32> to vector<16xf32>
      %add3A_465 = arith.addf %scan3A_461, %get3A_464 : vector<16xf32>
      scf.yield %add3A_465 : vector<16xf32>
    }
    %scan3A_195 = arith.constant 125 : i32
    %add3A_196 = arith.constant 2875 : i32
    %add3A_197 = arith.addi %mul3A_12, %add3A_196 : i32
    "tpu.region"() ({
      %run_scoped3A = tpu.sem_alloc : memref<!tpu.dma_semaphore, #tpu.memory_space<semaphore_mem>>
      %dma_start3A_460 = arith.constant 0 : i32
      %dma_start3A_461 = arith.constant 0 : i32
      %dma_start3A_462 = tpu.memref_slice %arg10[%dma_start3A_460, %dma_start3A_461] : memref<400x16xf32, #tpu.memory_space<vmem>> -> memref<125x16xf32, #tpu.memory_space<vmem>>
      %dma_start3A_463 = arith.constant 0 : i32
      %dma_start3A_464 = tpu.memref_slice %arg2[%add3A_197, %dma_start3A_463] : memref<100000x16xf32, #tpu.memory_space<hbm>> -> memref<125x16xf32, #tpu.memory_space<hbm>>
      %dma_start3A_465 = arith.constant 0 : i32
      %dma_start3A_466 = arith.constant 0 : i32
      %dma_start3A_467 = tpu.memref_slice %arg10[%dma_start3A_465, %dma_start3A_466] : memref<400x16xf32, #tpu.memory_space<vmem>> -> memref<125x16xf32, #tpu.memory_space<vmem>>
      %dma_start3A_468 = arith.constant 0 : i32
      %dma_start3A_469 = tpu.memref_slice %arg2[%add3A_197, %dma_start3A_468] : memref<100000x16xf32, #tpu.memory_space<hbm>> -> memref<125x16xf32, #tpu.memory_space<hbm>>
      tpu.enqueue_dma source(%dma_start3A_469 : memref<125x16xf32, #tpu.memory_space<hbm>>) target(%dma_start3A_467 : memref<125x16xf32, #tpu.memory_space<vmem>>) target_semaphore(%run_scoped3A : memref<!tpu.dma_semaphore, #tpu.memory_space<semaphore_mem>>)
      %dma_wait3A_470 = arith.constant 0 : i32
      %dma_wait3A_471 = arith.constant 0 : i32
      %dma_wait3A_472 = tpu.memref_slice %arg10[%dma_wait3A_470, %dma_wait3A_471] : memref<400x16xf32, #tpu.memory_space<vmem>> -> memref<125x16xf32, #tpu.memory_space<vmem>>
      %dma_wait3A_473 = arith.constant 0 : i32
      %dma_wait3A_474 = tpu.memref_slice %arg2[%add3A_197, %dma_wait3A_473] : memref<100000x16xf32, #tpu.memory_space<hbm>> -> memref<125x16xf32, #tpu.memory_space<hbm>>
      %dma_wait3A_475 = arith.constant 0 : i32
      %dma_wait3A_476 = arith.constant 0 : i32
      %dma_wait3A_477 = tpu.memref_slice %arg10[%dma_wait3A_475, %dma_wait3A_476] : memref<400x16xf32, #tpu.memory_space<vmem>> -> memref<125x16xf32, #tpu.memory_space<vmem>>
      %dma_wait3A_478 = arith.constant 0 : i32
      %dma_wait3A_479 = tpu.memref_slice %arg2[%add3A_197, %dma_wait3A_478] : memref<100000x16xf32, #tpu.memory_space<hbm>> -> memref<125x16xf32, #tpu.memory_space<hbm>>
      tpu.wait_dma2 semaphore(%run_scoped3A : memref<!tpu.dma_semaphore, #tpu.memory_space<semaphore_mem>>) src(%dma_wait3A_479 : memref<125x16xf32, #tpu.memory_space<hbm>>) dst(%dma_wait3A_477 : memref<125x16xf32, #tpu.memory_space<vmem>>)
      tpu.yield
    }) : () -> ()
    %scan3A_198 = arith.constant 0 : i32
    %scan3A_199 = arith.constant 125 : i32
    %scan3A_200 = arith.addi %scan3A_198, %scan3A_199 : i32
    %scan3A_201 = arith.constant 1 : i32
    %scan3A_202 = scf.for %scan3A_460 = %scan3A_198 to %scan3A_200 step %scan3A_201 iter_args(%scan3A_461 = %scan3A_194) -> (vector<16xf32>)  : i32 {
      %get3A = arith.index_cast %scan3A_460 : i32 to index
      %get3A_462 = arith.constant 0 : index
      %get3A_463 = tpu.vector_load %arg10[%get3A, %get3A_462] {strides = array<i32>} : memref<400x16xf32, #tpu.memory_space<vmem>>, vector<1x16xf32>,
      %get3A_464 = vector.shape_cast %get3A_463 : vector<1x16xf32> to vector<16xf32>
      %add3A_465 = arith.addf %scan3A_461, %get3A_464 : vector<16xf32>
      scf.yield %add3A_465 : vector<16xf32>
    }
    %scan3A_203 = arith.constant 125 : i32
    %add3A_204 = arith.constant 3000 : i32
    %add3A_205 = arith.addi %mul3A_12, %add3A_204 : i32
    "tpu.region"() ({
      %run_scoped3A = tpu.sem_alloc : memref<!tpu.dma_semaphore, #tpu.memory_space<semaphore_mem>>
      %dma_start3A_460 = arith.constant 0 : i32
      %dma_start3A_461 = arith.constant 0 : i32
      %dma_start3A_462 = tpu.memref_slice %arg10[%dma_start3A_460, %dma_start3A_461] : memref<400x16xf32, #tpu.memory_space<vmem>> -> memref<125x16xf32, #tpu.memory_space<vmem>>
      %dma_start3A_463 = arith.constant 0 : i32
      %dma_start3A_464 = tpu.memref_slice %arg2[%add3A_205, %dma_start3A_463] : memref<100000x16xf32, #tpu.memory_space<hbm>> -> memref<125x16xf32, #tpu.memory_space<hbm>>
      %dma_start3A_465 = arith.constant 0 : i32
      %dma_start3A_466 = arith.constant 0 : i32
      %dma_start3A_467 = tpu.memref_slice %arg10[%dma_start3A_465, %dma_start3A_466] : memref<400x16xf32, #tpu.memory_space<vmem>> -> memref<125x16xf32, #tpu.memory_space<vmem>>
      %dma_start3A_468 = arith.constant 0 : i32
      %dma_start3A_469 = tpu.memref_slice %arg2[%add3A_205, %dma_start3A_468] : memref<100000x16xf32, #tpu.memory_space<hbm>> -> memref<125x16xf32, #tpu.memory_space<hbm>>
      tpu.enqueue_dma source(%dma_start3A_469 : memref<125x16xf32, #tpu.memory_space<hbm>>) target(%dma_start3A_467 : memref<125x16xf32, #tpu.memory_space<vmem>>) target_semaphore(%run_scoped3A : memref<!tpu.dma_semaphore, #tpu.memory_space<semaphore_mem>>)
      %dma_wait3A_470 = arith.constant 0 : i32
      %dma_wait3A_471 = arith.constant 0 : i32
      %dma_wait3A_472 = tpu.memref_slice %arg10[%dma_wait3A_470, %dma_wait3A_471] : memref<400x16xf32, #tpu.memory_space<vmem>> -> memref<125x16xf32, #tpu.memory_space<vmem>>
      %dma_wait3A_473 = arith.constant 0 : i32
      %dma_wait3A_474 = tpu.memref_slice %arg2[%add3A_205, %dma_wait3A_473] : memref<100000x16xf32, #tpu.memory_space<hbm>> -> memref<125x16xf32, #tpu.memory_space<hbm>>
      %dma_wait3A_475 = arith.constant 0 : i32
      %dma_wait3A_476 = arith.constant 0 : i32
      %dma_wait3A_477 = tpu.memref_slice %arg10[%dma_wait3A_475, %dma_wait3A_476] : memref<400x16xf32, #tpu.memory_space<vmem>> -> memref<125x16xf32, #tpu.memory_space<vmem>>
      %dma_wait3A_478 = arith.constant 0 : i32
      %dma_wait3A_479 = tpu.memref_slice %arg2[%add3A_205, %dma_wait3A_478] : memref<100000x16xf32, #tpu.memory_space<hbm>> -> memref<125x16xf32, #tpu.memory_space<hbm>>
      tpu.wait_dma2 semaphore(%run_scoped3A : memref<!tpu.dma_semaphore, #tpu.memory_space<semaphore_mem>>) src(%dma_wait3A_479 : memref<125x16xf32, #tpu.memory_space<hbm>>) dst(%dma_wait3A_477 : memref<125x16xf32, #tpu.memory_space<vmem>>)
      tpu.yield
    }) : () -> ()
    %scan3A_206 = arith.constant 0 : i32
    %scan3A_207 = arith.constant 125 : i32
    %scan3A_208 = arith.addi %scan3A_206, %scan3A_207 : i32
    %scan3A_209 = arith.constant 1 : i32
    %scan3A_210 = scf.for %scan3A_460 = %scan3A_206 to %scan3A_208 step %scan3A_209 iter_args(%scan3A_461 = %scan3A_202) -> (vector<16xf32>)  : i32 {
      %get3A = arith.index_cast %scan3A_460 : i32 to index
      %get3A_462 = arith.constant 0 : index
      %get3A_463 = tpu.vector_load %arg10[%get3A, %get3A_462] {strides = array<i32>} : memref<400x16xf32, #tpu.memory_space<vmem>>, vector<1x16xf32>,
      %get3A_464 = vector.shape_cast %get3A_463 : vector<1x16xf32> to vector<16xf32>
      %add3A_465 = arith.addf %scan3A_461, %get3A_464 : vector<16xf32>
      scf.yield %add3A_465 : vector<16xf32>
    }
    %scan3A_211 = arith.constant 125 : i32
    %mul3A_212 = arith.constant 6250 : i32
    %mul3A_213 = arith.muli %arg1, %mul3A_212 : i32
    %mul3A_214 = arith.constant 6250 : i32
    %mul3A_215 = arith.muli %arg1, %mul3A_214 : i32
    %dma_wait3A = arith.constant 0 : i32
    %dma_wait3A_216 = tpu.memref_slice %arg16[%mul3A_215, %dma_wait3A] : memref<100000x16xf32, #tpu.memory_space<vmem_shared>> -> memref<6250x16xf32, #tpu.memory_space<vmem_shared>>
    %dma_wait3A_217 = arith.constant 0 : i32
    %dma_wait3A_218 = tpu.memref_slice %arg2[%mul3A_213, %dma_wait3A_217] : memref<100000x16xf32, #tpu.memory_space<hbm>> -> memref<6250x16xf32, #tpu.memory_space<hbm>>
    tpu.wait_dma2 semaphore(%arg19 : memref<!tpu.dma_semaphore, #tpu.memory_space<semaphore_mem>>) src(%dma_wait3A_218 : memref<6250x16xf32, #tpu.memory_space<hbm>>) dst(%dma_wait3A_216 : memref<6250x16xf32, #tpu.memory_space<vmem_shared>>)
    %barrier3A = arith.constant 0 : index
    tpu.barrier barrier_id(%barrier3A)
    "tpu.region"() ({
      %run_scoped3A = tpu.sem_alloc : memref<!tpu.dma_semaphore, #tpu.memory_space<semaphore_mem>>
      %dma_start3A_460 = arith.constant 0 : i32
      %dma_start3A_461 = tpu.memref_slice %arg3[%dma_start3A_460, %mul3A_2] : memref<2x3200000xi32, #tpu.memory_space<hbm>> -> memref<2x400xi32, #tpu.memory_space<hbm>>
      %dma_start3A_462 = arith.constant 0 : i32
      %dma_start3A_463 = tpu.memref_slice %arg3[%dma_start3A_462, %mul3A_2] : memref<2x3200000xi32, #tpu.memory_space<hbm>> -> memref<2x400xi32, #tpu.memory_space<hbm>>
      tpu.enqueue_dma source(%dma_start3A_463 : memref<2x400xi32, #tpu.memory_space<hbm>>) target(%arg8 : memref<2x400xi32, #tpu.memory_space<vmem>>) target_semaphore(%run_scoped3A : memref<!tpu.dma_semaphore, #tpu.memory_space<semaphore_mem>>)
      %dma_wait3A_464 = arith.constant 0 : i32
      %dma_wait3A_465 = tpu.memref_slice %arg3[%dma_wait3A_464, %mul3A_2] : memref<2x3200000xi32, #tpu.memory_space<hbm>> -> memref<2x400xi32, #tpu.memory_space<hbm>>
      %dma_wait3A_466 = arith.constant 0 : i32
      %dma_wait3A_467 = tpu.memref_slice %arg3[%dma_wait3A_466, %mul3A_2] : memref<2x3200000xi32, #tpu.memory_space<hbm>> -> memref<2x400xi32, #tpu.memory_space<hbm>>
      tpu.wait_dma2 semaphore(%run_scoped3A : memref<!tpu.dma_semaphore, #tpu.memory_space<semaphore_mem>>) src(%dma_wait3A_467 : memref<2x400xi32, #tpu.memory_space<hbm>>) dst(%arg8 : memref<2x400xi32, #tpu.memory_space<vmem>>)
      tpu.yield
    }) : () -> ()
    %dma_start3A_219 = arith.constant 0 : i32
    %dma_start3A_220 = arith.constant 0 : i32
    %dma_start3A_221 = arith.constant 0 : i32
    %dma_start3A_222 = tpu.memref_slice %arg10[%dma_start3A_220, %dma_start3A_221] : memref<400x16xf32, #tpu.memory_space<vmem>> -> memref<128x16xf32, #tpu.memory_space<vmem>>
    %dma_start3A_223 = arith.constant 0 : i32
    %dma_start3A_224 = tpu.memref_slice %arg8[%dma_start3A_219, %dma_start3A_223] : memref<2x400xi32, #tpu.memory_space<vmem>> -> memref<1x128xi32, #tpu.memory_space<vmem>>
    %dma_start3A_225 = tpu.memref_squeeze %dma_start3A_224 : memref<1x128xi32, #tpu.memory_space<vmem>> -> memref<128xi32, #tpu.memory_space<vmem>>
    %dma_start3A_226 = arith.constant 0 : i32
    %dma_start3A_227 = arith.constant 0 : i32
    %dma_start3A_228 = tpu.memref_slice %arg16[%dma_start3A_226, %dma_start3A_227] : memref<100000x16xf32, #tpu.memory_space<vmem_shared>> -> memref<100000x16xf32, #tpu.memory_space<vmem_shared>>
    tpu.enqueue_indirect_dma source(%dma_start3A_228 : memref<100000x16xf32, #tpu.memory_space<vmem_shared>>) target(%dma_start3A_222 : memref<128x16xf32, #tpu.memory_space<vmem>>) offsets(%dma_start3A_225 : memref<128xi32, #tpu.memory_space<vmem>>) semaphore(%arg17 : memref<!tpu.dma_semaphore, #tpu.memory_space<semaphore_mem>>)
    %dma_start3A_229 = arith.constant 0 : i32
    %dma_start3A_230 = arith.constant 128 : i32
    %dma_start3A_231 = arith.constant 0 : i32
    %dma_start3A_232 = tpu.memref_slice %arg10[%dma_start3A_230, %dma_start3A_231] : memref<400x16xf32, #tpu.memory_space<vmem>> -> memref<128x16xf32, #tpu.memory_space<vmem>>
    %dma_start3A_233 = arith.constant 128 : i32
    %dma_start3A_234 = tpu.memref_slice %arg8[%dma_start3A_229, %dma_start3A_233] : memref<2x400xi32, #tpu.memory_space<vmem>> -> memref<1x128xi32, #tpu.memory_space<vmem>>
    %dma_start3A_235 = tpu.memref_squeeze %dma_start3A_234 : memref<1x128xi32, #tpu.memory_space<vmem>> -> memref<128xi32, #tpu.memory_space<vmem>>
    %dma_start3A_236 = arith.constant 0 : i32
    %dma_start3A_237 = arith.constant 0 : i32
    %dma_start3A_238 = tpu.memref_slice %arg16[%dma_start3A_236, %dma_start3A_237] : memref<100000x16xf32, #tpu.memory_space<vmem_shared>> -> memref<100000x16xf32, #tpu.memory_space<vmem_shared>>
    tpu.enqueue_indirect_dma source(%dma_start3A_238 : memref<100000x16xf32, #tpu.memory_space<vmem_shared>>) target(%dma_start3A_232 : memref<128x16xf32, #tpu.memory_space<vmem>>) offsets(%dma_start3A_235 : memref<128xi32, #tpu.memory_space<vmem>>) semaphore(%arg17 : memref<!tpu.dma_semaphore, #tpu.memory_space<semaphore_mem>>)
    %dma_start3A_239 = arith.constant 0 : i32
    %dma_start3A_240 = arith.constant 256 : i32
    %dma_start3A_241 = arith.constant 0 : i32
    %dma_start3A_242 = tpu.memref_slice %arg10[%dma_start3A_240, %dma_start3A_241] : memref<400x16xf32, #tpu.memory_space<vmem>> -> memref<128x16xf32, #tpu.memory_space<vmem>>
    %dma_start3A_243 = arith.constant 256 : i32
    %dma_start3A_244 = tpu.memref_slice %arg8[%dma_start3A_239, %dma_start3A_243] : memref<2x400xi32, #tpu.memory_space<vmem>> -> memref<1x128xi32, #tpu.memory_space<vmem>>
    %dma_start3A_245 = tpu.memref_squeeze %dma_start3A_244 : memref<1x128xi32, #tpu.memory_space<vmem>> -> memref<128xi32, #tpu.memory_space<vmem>>
    %dma_start3A_246 = arith.constant 0 : i32
    %dma_start3A_247 = arith.constant 0 : i32
    %dma_start3A_248 = tpu.memref_slice %arg16[%dma_start3A_246, %dma_start3A_247] : memref<100000x16xf32, #tpu.memory_space<vmem_shared>> -> memref<100000x16xf32, #tpu.memory_space<vmem_shared>>
    tpu.enqueue_indirect_dma source(%dma_start3A_248 : memref<100000x16xf32, #tpu.memory_space<vmem_shared>>) target(%dma_start3A_242 : memref<128x16xf32, #tpu.memory_space<vmem>>) offsets(%dma_start3A_245 : memref<128xi32, #tpu.memory_space<vmem>>) semaphore(%arg17 : memref<!tpu.dma_semaphore, #tpu.memory_space<semaphore_mem>>)
    %dma_start3A_249 = arith.constant 0 : i32
    %dma_start3A_250 = arith.constant 384 : i32
    %dma_start3A_251 = arith.constant 0 : i32
    %dma_start3A_252 = tpu.memref_slice %arg10[%dma_start3A_250, %dma_start3A_251] : memref<400x16xf32, #tpu.memory_space<vmem>> -> memref<16x16xf32, #tpu.memory_space<vmem>>
    %dma_start3A_253 = arith.constant 384 : i32
    %dma_start3A_254 = tpu.memref_slice %arg8[%dma_start3A_249, %dma_start3A_253] : memref<2x400xi32, #tpu.memory_space<vmem>> -> memref<1x16xi32, #tpu.memory_space<vmem>>
    %dma_start3A_255 = tpu.memref_squeeze %dma_start3A_254 : memref<1x16xi32, #tpu.memory_space<vmem>> -> memref<16xi32, #tpu.memory_space<vmem>>
    %dma_start3A_256 = arith.constant 0 : i32
    %dma_start3A_257 = arith.constant 0 : i32
    %dma_start3A_258 = tpu.memref_slice %arg16[%dma_start3A_256, %dma_start3A_257] : memref<100000x16xf32, #tpu.memory_space<vmem_shared>> -> memref<100000x16xf32, #tpu.memory_space<vmem_shared>>
    tpu.enqueue_indirect_dma source(%dma_start3A_258 : memref<100000x16xf32, #tpu.memory_space<vmem_shared>>) target(%dma_start3A_252 : memref<16x16xf32, #tpu.memory_space<vmem>>) offsets(%dma_start3A_255 : memref<16xi32, #tpu.memory_space<vmem>>) semaphore(%arg17 : memref<!tpu.dma_semaphore, #tpu.memory_space<semaphore_mem>>)
    %dma_start3A_259 = arith.constant 1 : i32
    %dma_start3A_260 = arith.constant 0 : i32
    %dma_start3A_261 = arith.constant 0 : i32
    %dma_start3A_262 = tpu.memref_slice %arg11[%dma_start3A_260, %dma_start3A_261] : memref<400x16xf32, #tpu.memory_space<vmem>> -> memref<128x16xf32, #tpu.memory_space<vmem>>
    %dma_start3A_263 = arith.constant 0 : i32
    %dma_start3A_264 = tpu.memref_slice %arg8[%dma_start3A_259, %dma_start3A_263] : memref<2x400xi32, #tpu.memory_space<vmem>> -> memref<1x128xi32, #tpu.memory_space<vmem>>
    %dma_start3A_265 = tpu.memref_squeeze %dma_start3A_264 : memref<1x128xi32, #tpu.memory_space<vmem>> -> memref<128xi32, #tpu.memory_space<vmem>>
    %dma_start3A_266 = arith.constant 0 : i32
    %dma_start3A_267 = arith.constant 0 : i32
    %dma_start3A_268 = tpu.memref_slice %arg16[%dma_start3A_266, %dma_start3A_267] : memref<100000x16xf32, #tpu.memory_space<vmem_shared>> -> memref<100000x16xf32, #tpu.memory_space<vmem_shared>>
    tpu.enqueue_indirect_dma source(%dma_start3A_268 : memref<100000x16xf32, #tpu.memory_space<vmem_shared>>) target(%dma_start3A_262 : memref<128x16xf32, #tpu.memory_space<vmem>>) offsets(%dma_start3A_265 : memref<128xi32, #tpu.memory_space<vmem>>) semaphore(%arg17 : memref<!tpu.dma_semaphore, #tpu.memory_space<semaphore_mem>>)
    %dma_start3A_269 = arith.constant 1 : i32
    %dma_start3A_270 = arith.constant 128 : i32
    %dma_start3A_271 = arith.constant 0 : i32
    %dma_start3A_272 = tpu.memref_slice %arg11[%dma_start3A_270, %dma_start3A_271] : memref<400x16xf32, #tpu.memory_space<vmem>> -> memref<128x16xf32, #tpu.memory_space<vmem>>
    %dma_start3A_273 = arith.constant 128 : i32
    %dma_start3A_274 = tpu.memref_slice %arg8[%dma_start3A_269, %dma_start3A_273] : memref<2x400xi32, #tpu.memory_space<vmem>> -> memref<1x128xi32, #tpu.memory_space<vmem>>
    %dma_start3A_275 = tpu.memref_squeeze %dma_start3A_274 : memref<1x128xi32, #tpu.memory_space<vmem>> -> memref<128xi32, #tpu.memory_space<vmem>>
    %dma_start3A_276 = arith.constant 0 : i32
    %dma_start3A_277 = arith.constant 0 : i32
    %dma_start3A_278 = tpu.memref_slice %arg16[%dma_start3A_276, %dma_start3A_277] : memref<100000x16xf32, #tpu.memory_space<vmem_shared>> -> memref<100000x16xf32, #tpu.memory_space<vmem_shared>>
    tpu.enqueue_indirect_dma source(%dma_start3A_278 : memref<100000x16xf32, #tpu.memory_space<vmem_shared>>) target(%dma_start3A_272 : memref<128x16xf32, #tpu.memory_space<vmem>>) offsets(%dma_start3A_275 : memref<128xi32, #tpu.memory_space<vmem>>) semaphore(%arg17 : memref<!tpu.dma_semaphore, #tpu.memory_space<semaphore_mem>>)
    %dma_start3A_279 = arith.constant 1 : i32
    %dma_start3A_280 = arith.constant 256 : i32
    %dma_start3A_281 = arith.constant 0 : i32
    %dma_start3A_282 = tpu.memref_slice %arg11[%dma_start3A_280, %dma_start3A_281] : memref<400x16xf32, #tpu.memory_space<vmem>> -> memref<128x16xf32, #tpu.memory_space<vmem>>
    %dma_start3A_283 = arith.constant 256 : i32
    %dma_start3A_284 = tpu.memref_slice %arg8[%dma_start3A_279, %dma_start3A_283] : memref<2x400xi32, #tpu.memory_space<vmem>> -> memref<1x128xi32, #tpu.memory_space<vmem>>
    %dma_start3A_285 = tpu.memref_squeeze %dma_start3A_284 : memref<1x128xi32, #tpu.memory_space<vmem>> -> memref<128xi32, #tpu.memory_space<vmem>>
    %dma_start3A_286 = arith.constant 0 : i32
    %dma_start3A_287 = arith.constant 0 : i32
    %dma_start3A_288 = tpu.memref_slice %arg16[%dma_start3A_286, %dma_start3A_287] : memref<100000x16xf32, #tpu.memory_space<vmem_shared>> -> memref<100000x16xf32, #tpu.memory_space<vmem_shared>>
    tpu.enqueue_indirect_dma source(%dma_start3A_288 : memref<100000x16xf32, #tpu.memory_space<vmem_shared>>) target(%dma_start3A_282 : memref<128x16xf32, #tpu.memory_space<vmem>>) offsets(%dma_start3A_285 : memref<128xi32, #tpu.memory_space<vmem>>) semaphore(%arg17 : memref<!tpu.dma_semaphore, #tpu.memory_space<semaphore_mem>>)
    %dma_start3A_289 = arith.constant 1 : i32
    %dma_start3A_290 = arith.constant 384 : i32
    %dma_start3A_291 = arith.constant 0 : i32
    %dma_start3A_292 = tpu.memref_slice %arg11[%dma_start3A_290, %dma_start3A_291] : memref<400x16xf32, #tpu.memory_space<vmem>> -> memref<16x16xf32, #tpu.memory_space<vmem>>
    %dma_start3A_293 = arith.constant 384 : i32
    %dma_start3A_294 = tpu.memref_slice %arg8[%dma_start3A_289, %dma_start3A_293] : memref<2x400xi32, #tpu.memory_space<vmem>> -> memref<1x16xi32, #tpu.memory_space<vmem>>
    %dma_start3A_295 = tpu.memref_squeeze %dma_start3A_294 : memref<1x16xi32, #tpu.memory_space<vmem>> -> memref<16xi32, #tpu.memory_space<vmem>>
    %dma_start3A_296 = arith.constant 0 : i32
    %dma_start3A_297 = arith.constant 0 : i32
    %dma_start3A_298 = tpu.memref_slice %arg16[%dma_start3A_296, %dma_start3A_297] : memref<100000x16xf32, #tpu.memory_space<vmem_shared>> -> memref<100000x16xf32, #tpu.memory_space<vmem_shared>>
    tpu.enqueue_indirect_dma source(%dma_start3A_298 : memref<100000x16xf32, #tpu.memory_space<vmem_shared>>) target(%dma_start3A_292 : memref<16x16xf32, #tpu.memory_space<vmem>>) offsets(%dma_start3A_295 : memref<16xi32, #tpu.memory_space<vmem>>) semaphore(%arg17 : memref<!tpu.dma_semaphore, #tpu.memory_space<semaphore_mem>>)
    %add3A_299 = arith.constant 400 : i32
    %add3A_300 = arith.addi %mul3A_2, %add3A_299 : i32
    %dma_start3A_301 = arith.constant 0 : i32
    %dma_start3A_302 = tpu.memref_slice %arg3[%dma_start3A_301, %add3A_300] : memref<2x3200000xi32, #tpu.memory_space<hbm>> -> memref<2x400xi32, #tpu.memory_space<hbm>>
    %dma_start3A_303 = arith.constant 0 : i32
    %dma_start3A_304 = tpu.memref_slice %arg3[%dma_start3A_303, %add3A_300] : memref<2x3200000xi32, #tpu.memory_space<hbm>> -> memref<2x400xi32, #tpu.memory_space<hbm>>
    tpu.enqueue_dma source(%dma_start3A_304 : memref<2x400xi32, #tpu.memory_space<hbm>>) target(%arg9 : memref<2x400xi32, #tpu.memory_space<vmem>>) target_semaphore(%arg20 : memref<!tpu.dma_semaphore, #tpu.memory_space<semaphore_mem>>)
    %dma_start3A_305 = tpu.memref_slice %arg4[%mul3A_2] : memref<3200000xf32, #tpu.memory_space<hbm>> -> memref<800xf32, #tpu.memory_space<hbm>>
    %dma_start3A_306 = tpu.memref_slice %arg4[%mul3A_2] : memref<3200000xf32, #tpu.memory_space<hbm>> -> memref<800xf32, #tpu.memory_space<hbm>>
    tpu.enqueue_dma source(%dma_start3A_306 : memref<800xf32, #tpu.memory_space<hbm>>) target(%arg14 : memref<800xf32, #tpu.memory_space<vmem>>) target_semaphore(%arg20 : memref<!tpu.dma_semaphore, #tpu.memory_space<semaphore_mem>>)
    %broadcast_in_dim3A_307 = arith.constant 0.000000e+00 : f32
    %broadcast_in_dim3A_308 = vector.broadcast %broadcast_in_dim3A_307 : f32 to vector<16xf32>
    %broadcast_in_dim3A_309 = arith.constant 0.000000e+00 : f32
    %broadcast_in_dim3A_310 = vector.broadcast %broadcast_in_dim3A_309 : f32 to vector<16xf32>
    %scan3A_311 = arith.constant 0 : i32
    %scan3A_312 = arith.constant 124 : i32
    %scan3A_313 = arith.addi %scan3A_311, %scan3A_312 : i32
    %scan3A_314 = arith.constant 1 : i32
    %scan3A_315:2 = scf.for %scan3A_460 = %scan3A_311 to %scan3A_313 step %scan3A_314 iter_args(%scan3A_461 = %broadcast_in_dim3A_308, %scan3A_462 = %broadcast_in_dim3A_310) -> (vector<16xf32>, vector<16xf32>)  : i32 {
      %dma_wait3A_463 = arith.constant 0 : i32
      %dma_wait3A_464 = arith.constant 0 : i32
      %dma_wait3A_465 = tpu.memref_slice %arg2[%dma_wait3A_463, %dma_wait3A_464] : memref<100000x16xf32, #tpu.memory_space<hbm>> -> memref<400x16xf32, #tpu.memory_space<hbm>>
      %dma_wait3A_466 = arith.constant 0 : i32
      %dma_wait3A_467 = arith.constant 0 : i32
      %dma_wait3A_468 = tpu.memref_slice %arg2[%dma_wait3A_466, %dma_wait3A_467] : memref<100000x16xf32, #tpu.memory_space<hbm>> -> memref<400x16xf32, #tpu.memory_space<hbm>>
      tpu.wait_dma2 semaphore(%arg17 : memref<!tpu.dma_semaphore, #tpu.memory_space<semaphore_mem>>) src(%dma_wait3A_468 : memref<400x16xf32, #tpu.memory_space<hbm>>) dst(%arg10 : memref<400x16xf32, #tpu.memory_space<vmem>>)
      %dma_wait3A_469 = arith.constant 0 : i32
      %dma_wait3A_470 = arith.constant 0 : i32
      %dma_wait3A_471 = tpu.memref_slice %arg2[%dma_wait3A_469, %dma_wait3A_470] : memref<100000x16xf32, #tpu.memory_space<hbm>> -> memref<400x16xf32, #tpu.memory_space<hbm>>
      %dma_wait3A_472 = arith.constant 0 : i32
      %dma_wait3A_473 = arith.constant 0 : i32
      %dma_wait3A_474 = tpu.memref_slice %arg2[%dma_wait3A_472, %dma_wait3A_473] : memref<100000x16xf32, #tpu.memory_space<hbm>> -> memref<400x16xf32, #tpu.memory_space<hbm>>
      tpu.wait_dma2 semaphore(%arg17 : memref<!tpu.dma_semaphore, #tpu.memory_space<semaphore_mem>>) src(%dma_wait3A_474 : memref<400x16xf32, #tpu.memory_space<hbm>>) dst(%arg11 : memref<400x16xf32, #tpu.memory_space<vmem>>)
      %dma_wait3A_475 = arith.constant 0 : i32
      %dma_wait3A_476 = arith.constant 0 : i32
      %dma_wait3A_477 = tpu.memref_slice %arg3[%dma_wait3A_475, %dma_wait3A_476] : memref<2x3200000xi32, #tpu.memory_space<hbm>> -> memref<2x400xi32, #tpu.memory_space<hbm>>
      %dma_wait3A_478 = arith.constant 0 : i32
      %dma_wait3A_479 = arith.constant 0 : i32
      %dma_wait3A_480 = tpu.memref_slice %arg3[%dma_wait3A_478, %dma_wait3A_479] : memref<2x3200000xi32, #tpu.memory_space<hbm>> -> memref<2x400xi32, #tpu.memory_space<hbm>>
      tpu.wait_dma2 semaphore(%arg20 : memref<!tpu.dma_semaphore, #tpu.memory_space<semaphore_mem>>) src(%dma_wait3A_480 : memref<2x400xi32, #tpu.memory_space<hbm>>) dst(%arg9 : memref<2x400xi32, #tpu.memory_space<vmem>>)
      %dma_wait3A_481 = arith.constant 0 : i32
      %dma_wait3A_482 = tpu.memref_slice %arg4[%dma_wait3A_481] : memref<3200000xf32, #tpu.memory_space<hbm>> -> memref<800xf32, #tpu.memory_space<hbm>>
      %dma_wait3A_483 = arith.constant 0 : i32
      %dma_wait3A_484 = tpu.memref_slice %arg4[%dma_wait3A_483] : memref<3200000xf32, #tpu.memory_space<hbm>> -> memref<800xf32, #tpu.memory_space<hbm>>
      tpu.wait_dma2 semaphore(%arg20 : memref<!tpu.dma_semaphore, #tpu.memory_space<semaphore_mem>>) src(%dma_wait3A_484 : memref<800xf32, #tpu.memory_space<hbm>>) dst(%arg14 : memref<800xf32, #tpu.memory_space<vmem>>)
      %dma_start3A_485 = arith.constant 0 : i32
      %dma_start3A_486 = arith.constant 0 : i32
      %dma_start3A_487 = arith.constant 0 : i32
      %dma_start3A_488 = tpu.memref_slice %arg12[%dma_start3A_486, %dma_start3A_487] : memref<400x16xf32, #tpu.memory_space<vmem>> -> memref<128x16xf32, #tpu.memory_space<vmem>>
      %dma_start3A_489 = arith.constant 0 : i32
      %dma_start3A_490 = tpu.memref_slice %arg9[%dma_start3A_485, %dma_start3A_489] : memref<2x400xi32, #tpu.memory_space<vmem>> -> memref<1x128xi32, #tpu.memory_space<vmem>>
      %dma_start3A_491 = tpu.memref_squeeze %dma_start3A_490 : memref<1x128xi32, #tpu.memory_space<vmem>> -> memref<128xi32, #tpu.memory_space<vmem>>
      %dma_start3A_492 = arith.constant 0 : i32
      %dma_start3A_493 = arith.constant 0 : i32
      %dma_start3A_494 = tpu.memref_slice %arg16[%dma_start3A_492, %dma_start3A_493] : memref<100000x16xf32, #tpu.memory_space<vmem_shared>> -> memref<100000x16xf32, #tpu.memory_space<vmem_shared>>
      tpu.enqueue_indirect_dma source(%dma_start3A_494 : memref<100000x16xf32, #tpu.memory_space<vmem_shared>>) target(%dma_start3A_488 : memref<128x16xf32, #tpu.memory_space<vmem>>) offsets(%dma_start3A_491 : memref<128xi32, #tpu.memory_space<vmem>>) semaphore(%arg18 : memref<!tpu.dma_semaphore, #tpu.memory_space<semaphore_mem>>)
      %dma_start3A_495 = arith.constant 0 : i32
      %dma_start3A_496 = arith.constant 128 : i32
      %dma_start3A_497 = arith.constant 0 : i32
      %dma_start3A_498 = tpu.memref_slice %arg12[%dma_start3A_496, %dma_start3A_497] : memref<400x16xf32, #tpu.memory_space<vmem>> -> memref<128x16xf32, #tpu.memory_space<vmem>>
      %dma_start3A_499 = arith.constant 128 : i32
      %dma_start3A_500 = tpu.memref_slice %arg9[%dma_start3A_495, %dma_start3A_499] : memref<2x400xi32, #tpu.memory_space<vmem>> -> memref<1x128xi32, #tpu.memory_space<vmem>>
      %dma_start3A_501 = tpu.memref_squeeze %dma_start3A_500 : memref<1x128xi32, #tpu.memory_space<vmem>> -> memref<128xi32, #tpu.memory_space<vmem>>
      %dma_start3A_502 = arith.constant 0 : i32
      %dma_start3A_503 = arith.constant 0 : i32
      %dma_start3A_504 = tpu.memref_slice %arg16[%dma_start3A_502, %dma_start3A_503] : memref<100000x16xf32, #tpu.memory_space<vmem_shared>> -> memref<100000x16xf32, #tpu.memory_space<vmem_shared>>
      tpu.enqueue_indirect_dma source(%dma_start3A_504 : memref<100000x16xf32, #tpu.memory_space<vmem_shared>>) target(%dma_start3A_498 : memref<128x16xf32, #tpu.memory_space<vmem>>) offsets(%dma_start3A_501 : memref<128xi32, #tpu.memory_space<vmem>>) semaphore(%arg18 : memref<!tpu.dma_semaphore, #tpu.memory_space<semaphore_mem>>)
      %dma_start3A_505 = arith.constant 0 : i32
      %dma_start3A_506 = arith.constant 256 : i32
      %dma_start3A_507 = arith.constant 0 : i32
      %dma_start3A_508 = tpu.memref_slice %arg12[%dma_start3A_506, %dma_start3A_507] : memref<400x16xf32, #tpu.memory_space<vmem>> -> memref<128x16xf32, #tpu.memory_space<vmem>>
      %dma_start3A_509 = arith.constant 256 : i32
      %dma_start3A_510 = tpu.memref_slice %arg9[%dma_start3A_505, %dma_start3A_509] : memref<2x400xi32, #tpu.memory_space<vmem>> -> memref<1x128xi32, #tpu.memory_space<vmem>>
      %dma_start3A_511 = tpu.memref_squeeze %dma_start3A_510 : memref<1x128xi32, #tpu.memory_space<vmem>> -> memref<128xi32, #tpu.memory_space<vmem>>
      %dma_start3A_512 = arith.constant 0 : i32
      %dma_start3A_513 = arith.constant 0 : i32
      %dma_start3A_514 = tpu.memref_slice %arg16[%dma_start3A_512, %dma_start3A_513] : memref<100000x16xf32, #tpu.memory_space<vmem_shared>> -> memref<100000x16xf32, #tpu.memory_space<vmem_shared>>
      tpu.enqueue_indirect_dma source(%dma_start3A_514 : memref<100000x16xf32, #tpu.memory_space<vmem_shared>>) target(%dma_start3A_508 : memref<128x16xf32, #tpu.memory_space<vmem>>) offsets(%dma_start3A_511 : memref<128xi32, #tpu.memory_space<vmem>>) semaphore(%arg18 : memref<!tpu.dma_semaphore, #tpu.memory_space<semaphore_mem>>)
      %dma_start3A_515 = arith.constant 0 : i32
      %dma_start3A_516 = arith.constant 384 : i32
      %dma_start3A_517 = arith.constant 0 : i32
      %dma_start3A_518 = tpu.memref_slice %arg12[%dma_start3A_516, %dma_start3A_517] : memref<400x16xf32, #tpu.memory_space<vmem>> -> memref<16x16xf32, #tpu.memory_space<vmem>>
      %dma_start3A_519 = arith.constant 384 : i32
      %dma_start3A_520 = tpu.memref_slice %arg9[%dma_start3A_515, %dma_start3A_519] : memref<2x400xi32, #tpu.memory_space<vmem>> -> memref<1x16xi32, #tpu.memory_space<vmem>>
      %dma_start3A_521 = tpu.memref_squeeze %dma_start3A_520 : memref<1x16xi32, #tpu.memory_space<vmem>> -> memref<16xi32, #tpu.memory_space<vmem>>
      %dma_start3A_522 = arith.constant 0 : i32
      %dma_start3A_523 = arith.constant 0 : i32
      %dma_start3A_524 = tpu.memref_slice %arg16[%dma_start3A_522, %dma_start3A_523] : memref<100000x16xf32, #tpu.memory_space<vmem_shared>> -> memref<100000x16xf32, #tpu.memory_space<vmem_shared>>
      tpu.enqueue_indirect_dma source(%dma_start3A_524 : memref<100000x16xf32, #tpu.memory_space<vmem_shared>>) target(%dma_start3A_518 : memref<16x16xf32, #tpu.memory_space<vmem>>) offsets(%dma_start3A_521 : memref<16xi32, #tpu.memory_space<vmem>>) semaphore(%arg18 : memref<!tpu.dma_semaphore, #tpu.memory_space<semaphore_mem>>)
      %dma_start3A_525 = arith.constant 1 : i32
      %dma_start3A_526 = arith.constant 0 : i32
      %dma_start3A_527 = arith.constant 0 : i32
      %dma_start3A_528 = tpu.memref_slice %arg13[%dma_start3A_526, %dma_start3A_527] : memref<400x16xf32, #tpu.memory_space<vmem>> -> memref<128x16xf32, #tpu.memory_space<vmem>>
      %dma_start3A_529 = arith.constant 0 : i32
      %dma_start3A_530 = tpu.memref_slice %arg9[%dma_start3A_525, %dma_start3A_529] : memref<2x400xi32, #tpu.memory_space<vmem>> -> memref<1x128xi32, #tpu.memory_space<vmem>>
      %dma_start3A_531 = tpu.memref_squeeze %dma_start3A_530 : memref<1x128xi32, #tpu.memory_space<vmem>> -> memref<128xi32, #tpu.memory_space<vmem>>
      %dma_start3A_532 = arith.constant 0 : i32
      %dma_start3A_533 = arith.constant 0 : i32
      %dma_start3A_534 = tpu.memref_slice %arg16[%dma_start3A_532, %dma_start3A_533] : memref<100000x16xf32, #tpu.memory_space<vmem_shared>> -> memref<100000x16xf32, #tpu.memory_space<vmem_shared>>
      tpu.enqueue_indirect_dma source(%dma_start3A_534 : memref<100000x16xf32, #tpu.memory_space<vmem_shared>>) target(%dma_start3A_528 : memref<128x16xf32, #tpu.memory_space<vmem>>) offsets(%dma_start3A_531 : memref<128xi32, #tpu.memory_space<vmem>>) semaphore(%arg18 : memref<!tpu.dma_semaphore, #tpu.memory_space<semaphore_mem>>)
      %dma_start3A_535 = arith.constant 1 : i32
      %dma_start3A_536 = arith.constant 128 : i32
      %dma_start3A_537 = arith.constant 0 : i32
      %dma_start3A_538 = tpu.memref_slice %arg13[%dma_start3A_536, %dma_start3A_537] : memref<400x16xf32, #tpu.memory_space<vmem>> -> memref<128x16xf32, #tpu.memory_space<vmem>>
      %dma_start3A_539 = arith.constant 128 : i32
      %dma_start3A_540 = tpu.memref_slice %arg9[%dma_start3A_535, %dma_start3A_539] : memref<2x400xi32, #tpu.memory_space<vmem>> -> memref<1x128xi32, #tpu.memory_space<vmem>>
      %dma_start3A_541 = tpu.memref_squeeze %dma_start3A_540 : memref<1x128xi32, #tpu.memory_space<vmem>> -> memref<128xi32, #tpu.memory_space<vmem>>
      %dma_start3A_542 = arith.constant 0 : i32
      %dma_start3A_543 = arith.constant 0 : i32
      %dma_start3A_544 = tpu.memref_slice %arg16[%dma_start3A_542, %dma_start3A_543] : memref<100000x16xf32, #tpu.memory_space<vmem_shared>> -> memref<100000x16xf32, #tpu.memory_space<vmem_shared>>
      tpu.enqueue_indirect_dma source(%dma_start3A_544 : memref<100000x16xf32, #tpu.memory_space<vmem_shared>>) target(%dma_start3A_538 : memref<128x16xf32, #tpu.memory_space<vmem>>) offsets(%dma_start3A_541 : memref<128xi32, #tpu.memory_space<vmem>>) semaphore(%arg18 : memref<!tpu.dma_semaphore, #tpu.memory_space<semaphore_mem>>)
      %dma_start3A_545 = arith.constant 1 : i32
      %dma_start3A_546 = arith.constant 256 : i32
      %dma_start3A_547 = arith.constant 0 : i32
      %dma_start3A_548 = tpu.memref_slice %arg13[%dma_start3A_546, %dma_start3A_547] : memref<400x16xf32, #tpu.memory_space<vmem>> -> memref<128x16xf32, #tpu.memory_space<vmem>>
      %dma_start3A_549 = arith.constant 256 : i32
      %dma_start3A_550 = tpu.memref_slice %arg9[%dma_start3A_545, %dma_start3A_549] : memref<2x400xi32, #tpu.memory_space<vmem>> -> memref<1x128xi32, #tpu.memory_space<vmem>>
      %dma_start3A_551 = tpu.memref_squeeze %dma_start3A_550 : memref<1x128xi32, #tpu.memory_space<vmem>> -> memref<128xi32, #tpu.memory_space<vmem>>
      %dma_start3A_552 = arith.constant 0 : i32
      %dma_start3A_553 = arith.constant 0 : i32
      %dma_start3A_554 = tpu.memref_slice %arg16[%dma_start3A_552, %dma_start3A_553] : memref<100000x16xf32, #tpu.memory_space<vmem_shared>> -> memref<100000x16xf32, #tpu.memory_space<vmem_shared>>
      tpu.enqueue_indirect_dma source(%dma_start3A_554 : memref<100000x16xf32, #tpu.memory_space<vmem_shared>>) target(%dma_start3A_548 : memref<128x16xf32, #tpu.memory_space<vmem>>) offsets(%dma_start3A_551 : memref<128xi32, #tpu.memory_space<vmem>>) semaphore(%arg18 : memref<!tpu.dma_semaphore, #tpu.memory_space<semaphore_mem>>)
      %dma_start3A_555 = arith.constant 1 : i32
      %dma_start3A_556 = arith.constant 384 : i32
      %dma_start3A_557 = arith.constant 0 : i32
      %dma_start3A_558 = tpu.memref_slice %arg13[%dma_start3A_556, %dma_start3A_557] : memref<400x16xf32, #tpu.memory_space<vmem>> -> memref<16x16xf32, #tpu.memory_space<vmem>>
      %dma_start3A_559 = arith.constant 384 : i32
      %dma_start3A_560 = tpu.memref_slice %arg9[%dma_start3A_555, %dma_start3A_559] : memref<2x400xi32, #tpu.memory_space<vmem>> -> memref<1x16xi32, #tpu.memory_space<vmem>>
      %dma_start3A_561 = tpu.memref_squeeze %dma_start3A_560 : memref<1x16xi32, #tpu.memory_space<vmem>> -> memref<16xi32, #tpu.memory_space<vmem>>
      %dma_start3A_562 = arith.constant 0 : i32
      %dma_start3A_563 = arith.constant 0 : i32
      %dma_start3A_564 = tpu.memref_slice %arg16[%dma_start3A_562, %dma_start3A_563] : memref<100000x16xf32, #tpu.memory_space<vmem_shared>> -> memref<100000x16xf32, #tpu.memory_space<vmem_shared>>
      tpu.enqueue_indirect_dma source(%dma_start3A_564 : memref<100000x16xf32, #tpu.memory_space<vmem_shared>>) target(%dma_start3A_558 : memref<16x16xf32, #tpu.memory_space<vmem>>) offsets(%dma_start3A_561 : memref<16xi32, #tpu.memory_space<vmem>>) semaphore(%arg18 : memref<!tpu.dma_semaphore, #tpu.memory_space<semaphore_mem>>)
      %scan3A_565 = arith.constant 0 : i32
      %scan3A_566 = arith.constant 50 : i32
      %scan3A_567 = arith.addi %scan3A_565, %scan3A_566 : i32
      %scan3A_568 = arith.constant 1 : i32
      %scan3A_569 = scf.for %scan3A_710 = %scan3A_565 to %scan3A_567 step %scan3A_568 iter_args(%scan3A_711 = %scan3A_462) -> (vector<16xf32>)  : i32 {
        %mul3A_712 = arith.constant 16 : i32
        %mul3A_713 = arith.muli %scan3A_710, %mul3A_712 : i32
        %get3A = arith.index_cast %mul3A_713 : i32 to index
        %get3A_714 = tpu.vector_load %arg14[%get3A] {strides = array<i32>} : memref<800xf32, #tpu.memory_space<vmem>>, vector<16xf32>,
        %get3A_715 = vector.shape_cast %get3A_714 : vector<16xf32> to vector<16xf32>
        %add3A_716 = arith.addf %scan3A_711, %get3A_715 : vector<16xf32>
        scf.yield %add3A_716 : vector<16xf32>
      }
      %scan3A_570 = arith.constant 50 : i32
      %mul3A_571 = arith.constant 2 : i32
      %mul3A_572 = arith.muli %mul3A_571, %scan3A_460 : i32
      %add3A_573 = arith.constant 2 : i32
      %add3A_574 = arith.addi %mul3A_572, %add3A_573 : i32
      %mul3A_575 = arith.constant 400 : i32
      %mul3A_576 = arith.muli %add3A_574, %mul3A_575 : i32
      %add3A_577 = arith.addi %mul3A_2, %mul3A_576 : i32
      %dma_start3A_578 = arith.constant 0 : i32
      %dma_start3A_579 = tpu.memref_slice %arg3[%dma_start3A_578, %add3A_577] : memref<2x3200000xi32, #tpu.memory_space<hbm>> -> memref<2x400xi32, #tpu.memory_space<hbm>>
      %dma_start3A_580 = arith.constant 0 : i32
      %dma_start3A_581 = tpu.memref_slice %arg3[%dma_start3A_580, %add3A_577] : memref<2x3200000xi32, #tpu.memory_space<hbm>> -> memref<2x400xi32, #tpu.memory_space<hbm>>
      tpu.enqueue_dma source(%dma_start3A_581 : memref<2x400xi32, #tpu.memory_space<hbm>>) target(%arg8 : memref<2x400xi32, #tpu.memory_space<vmem>>) target_semaphore(%arg19 : memref<!tpu.dma_semaphore, #tpu.memory_space<semaphore_mem>>)
      %scan3A_582 = arith.constant 0 : i32
      %scan3A_583 = arith.constant 50 : i32
      %scan3A_584 = arith.addi %scan3A_582, %scan3A_583 : i32
      %scan3A_585 = arith.constant 1 : i32
      %scan3A_586 = scf.for %scan3A_710 = %scan3A_582 to %scan3A_584 step %scan3A_585 iter_args(%scan3A_711 = %scan3A_461) -> (vector<16xf32>)  : i32 {
        %mul3A_712 = arith.constant 8 : i32
        %mul3A_713 = arith.muli %scan3A_710, %mul3A_712 : i32
        %add3A_714 = arith.constant 0 : i32
        %add3A_715 = arith.addi %mul3A_713, %add3A_714 : i32
        %get3A = arith.index_cast %add3A_715 : i32 to index
        %get3A_716 = arith.constant 0 : index
        %get3A_717 = tpu.vector_load %arg10[%get3A, %get3A_716] {strides = array<i32>} : memref<400x16xf32, #tpu.memory_space<vmem>>, vector<1x16xf32>,
        %get3A_718 = vector.shape_cast %get3A_717 : vector<1x16xf32> to vector<16xf32>
        %add3A_719 = arith.constant 0 : i32
        %add3A_720 = arith.addi %mul3A_713, %add3A_719 : i32
        %get3A_721 = arith.index_cast %add3A_720 : i32 to index
        %get3A_722 = arith.constant 0 : index
        %get3A_723 = tpu.vector_load %arg11[%get3A_721, %get3A_722] {strides = array<i32>} : memref<400x16xf32, #tpu.memory_space<vmem>>, vector<1x16xf32>,
        %get3A_724 = vector.shape_cast %get3A_723 : vector<1x16xf32> to vector<16xf32>
        %sub3A = arith.constant 1.000000e+00 : f32
        %sub3A_725 = vector.broadcast %sub3A : f32 to vector<16xf32>
        %sub3A_726 = arith.subf %sub3A_725, %get3A_724 : vector<16xf32>
        %mul3A_727 = arith.mulf %get3A_718, %sub3A_726 : vector<16xf32>
        %add3A_728 = arith.addf %scan3A_711, %mul3A_727 : vector<16xf32>
        %add3A_729 = arith.constant 1 : i32
        %add3A_730 = arith.addi %mul3A_713, %add3A_729 : i32
        %get3A_731 = arith.index_cast %add3A_730 : i32 to index
        %get3A_732 = arith.constant 0 : index
        %get3A_733 = tpu.vector_load %arg10[%get3A_731, %get3A_732] {strides = array<i32>} : memref<400x16xf32, #tpu.memory_space<vmem>>, vector<1x16xf32>,
        %get3A_734 = vector.shape_cast %get3A_733 : vector<1x16xf32> to vector<16xf32>
        %add3A_735 = arith.constant 1 : i32
        %add3A_736 = arith.addi %mul3A_713, %add3A_735 : i32
        %get3A_737 = arith.index_cast %add3A_736 : i32 to index
        %get3A_738 = arith.constant 0 : index
        %get3A_739 = tpu.vector_load %arg11[%get3A_737, %get3A_738] {strides = array<i32>} : memref<400x16xf32, #tpu.memory_space<vmem>>, vector<1x16xf32>,
        %get3A_740 = vector.shape_cast %get3A_739 : vector<1x16xf32> to vector<16xf32>
        %sub3A_741 = arith.constant 1.000000e+00 : f32
        %sub3A_742 = vector.broadcast %sub3A_741 : f32 to vector<16xf32>
        %sub3A_743 = arith.subf %sub3A_742, %get3A_740 : vector<16xf32>
        %mul3A_744 = arith.mulf %get3A_734, %sub3A_743 : vector<16xf32>
        %add3A_745 = arith.addf %add3A_728, %mul3A_744 : vector<16xf32>
        %add3A_746 = arith.constant 2 : i32
        %add3A_747 = arith.addi %mul3A_713, %add3A_746 : i32
        %get3A_748 = arith.index_cast %add3A_747 : i32 to index
        %get3A_749 = arith.constant 0 : index
        %get3A_750 = tpu.vector_load %arg10[%get3A_748, %get3A_749] {strides = array<i32>} : memref<400x16xf32, #tpu.memory_space<vmem>>, vector<1x16xf32>,
        %get3A_751 = vector.shape_cast %get3A_750 : vector<1x16xf32> to vector<16xf32>
        %add3A_752 = arith.constant 2 : i32
        %add3A_753 = arith.addi %mul3A_713, %add3A_752 : i32
        %get3A_754 = arith.index_cast %add3A_753 : i32 to index
        %get3A_755 = arith.constant 0 : index
        %get3A_756 = tpu.vector_load %arg11[%get3A_754, %get3A_755] {strides = array<i32>} : memref<400x16xf32, #tpu.memory_space<vmem>>, vector<1x16xf32>,
        %get3A_757 = vector.shape_cast %get3A_756 : vector<1x16xf32> to vector<16xf32>
        %sub3A_758 = arith.constant 1.000000e+00 : f32
        %sub3A_759 = vector.broadcast %sub3A_758 : f32 to vector<16xf32>
        %sub3A_760 = arith.subf %sub3A_759, %get3A_757 : vector<16xf32>
        %mul3A_761 = arith.mulf %get3A_751, %sub3A_760 : vector<16xf32>
        %add3A_762 = arith.addf %add3A_745, %mul3A_761 : vector<16xf32>
        %add3A_763 = arith.constant 3 : i32
        %add3A_764 = arith.addi %mul3A_713, %add3A_763 : i32
        %get3A_765 = arith.index_cast %add3A_764 : i32 to index
        %get3A_766 = arith.constant 0 : index
        %get3A_767 = tpu.vector_load %arg10[%get3A_765, %get3A_766] {strides = array<i32>} : memref<400x16xf32, #tpu.memory_space<vmem>>, vector<1x16xf32>,
        %get3A_768 = vector.shape_cast %get3A_767 : vector<1x16xf32> to vector<16xf32>
        %add3A_769 = arith.constant 3 : i32
        %add3A_770 = arith.addi %mul3A_713, %add3A_769 : i32
        %get3A_771 = arith.index_cast %add3A_770 : i32 to index
        %get3A_772 = arith.constant 0 : index
        %get3A_773 = tpu.vector_load %arg11[%get3A_771, %get3A_772] {strides = array<i32>} : memref<400x16xf32, #tpu.memory_space<vmem>>, vector<1x16xf32>,
        %get3A_774 = vector.shape_cast %get3A_773 : vector<1x16xf32> to vector<16xf32>
        %sub3A_775 = arith.constant 1.000000e+00 : f32
        %sub3A_776 = vector.broadcast %sub3A_775 : f32 to vector<16xf32>
        %sub3A_777 = arith.subf %sub3A_776, %get3A_774 : vector<16xf32>
        %mul3A_778 = arith.mulf %get3A_768, %sub3A_777 : vector<16xf32>
        %add3A_779 = arith.addf %add3A_762, %mul3A_778 : vector<16xf32>
        %add3A_780 = arith.constant 4 : i32
        %add3A_781 = arith.addi %mul3A_713, %add3A_780 : i32
        %get3A_782 = arith.index_cast %add3A_781 : i32 to index
        %get3A_783 = arith.constant 0 : index
        %get3A_784 = tpu.vector_load %arg10[%get3A_782, %get3A_783] {strides = array<i32>} : memref<400x16xf32, #tpu.memory_space<vmem>>, vector<1x16xf32>,
        %get3A_785 = vector.shape_cast %get3A_784 : vector<1x16xf32> to vector<16xf32>
        %add3A_786 = arith.constant 4 : i32
        %add3A_787 = arith.addi %mul3A_713, %add3A_786 : i32
        %get3A_788 = arith.index_cast %add3A_787 : i32 to index
        %get3A_789 = arith.constant 0 : index
        %get3A_790 = tpu.vector_load %arg11[%get3A_788, %get3A_789] {strides = array<i32>} : memref<400x16xf32, #tpu.memory_space<vmem>>, vector<1x16xf32>,
        %get3A_791 = vector.shape_cast %get3A_790 : vector<1x16xf32> to vector<16xf32>
        %sub3A_792 = arith.constant 1.000000e+00 : f32
        %sub3A_793 = vector.broadcast %sub3A_792 : f32 to vector<16xf32>
        %sub3A_794 = arith.subf %sub3A_793, %get3A_791 : vector<16xf32>
        %mul3A_795 = arith.mulf %get3A_785, %sub3A_794 : vector<16xf32>
        %add3A_796 = arith.addf %add3A_779, %mul3A_795 : vector<16xf32>
        %add3A_797 = arith.constant 5 : i32
        %add3A_798 = arith.addi %mul3A_713, %add3A_797 : i32
        %get3A_799 = arith.index_cast %add3A_798 : i32 to index
        %get3A_800 = arith.constant 0 : index
        %get3A_801 = tpu.vector_load %arg10[%get3A_799, %get3A_800] {strides = array<i32>} : memref<400x16xf32, #tpu.memory_space<vmem>>, vector<1x16xf32>,
        %get3A_802 = vector.shape_cast %get3A_801 : vector<1x16xf32> to vector<16xf32>
        %add3A_803 = arith.constant 5 : i32
        %add3A_804 = arith.addi %mul3A_713, %add3A_803 : i32
        %get3A_805 = arith.index_cast %add3A_804 : i32 to index
        %get3A_806 = arith.constant 0 : index
        %get3A_807 = tpu.vector_load %arg11[%get3A_805, %get3A_806] {strides = array<i32>} : memref<400x16xf32, #tpu.memory_space<vmem>>, vector<1x16xf32>,
        %get3A_808 = vector.shape_cast %get3A_807 : vector<1x16xf32> to vector<16xf32>
        %sub3A_809 = arith.constant 1.000000e+00 : f32
        %sub3A_810 = vector.broadcast %sub3A_809 : f32 to vector<16xf32>
        %sub3A_811 = arith.subf %sub3A_810, %get3A_808 : vector<16xf32>
        %mul3A_812 = arith.mulf %get3A_802, %sub3A_811 : vector<16xf32>
        %add3A_813 = arith.addf %add3A_796, %mul3A_812 : vector<16xf32>
        %add3A_814 = arith.constant 6 : i32
        %add3A_815 = arith.addi %mul3A_713, %add3A_814 : i32
        %get3A_816 = arith.index_cast %add3A_815 : i32 to index
        %get3A_817 = arith.constant 0 : index
        %get3A_818 = tpu.vector_load %arg10[%get3A_816, %get3A_817] {strides = array<i32>} : memref<400x16xf32, #tpu.memory_space<vmem>>, vector<1x16xf32>,
        %get3A_819 = vector.shape_cast %get3A_818 : vector<1x16xf32> to vector<16xf32>
        %add3A_820 = arith.constant 6 : i32
        %add3A_821 = arith.addi %mul3A_713, %add3A_820 : i32
        %get3A_822 = arith.index_cast %add3A_821 : i32 to index
        %get3A_823 = arith.constant 0 : index
        %get3A_824 = tpu.vector_load %arg11[%get3A_822, %get3A_823] {strides = array<i32>} : memref<400x16xf32, #tpu.memory_space<vmem>>, vector<1x16xf32>,
        %get3A_825 = vector.shape_cast %get3A_824 : vector<1x16xf32> to vector<16xf32>
        %sub3A_826 = arith.constant 1.000000e+00 : f32
        %sub3A_827 = vector.broadcast %sub3A_826 : f32 to vector<16xf32>
        %sub3A_828 = arith.subf %sub3A_827, %get3A_825 : vector<16xf32>
        %mul3A_829 = arith.mulf %get3A_819, %sub3A_828 : vector<16xf32>
        %add3A_830 = arith.addf %add3A_813, %mul3A_829 : vector<16xf32>
        %add3A_831 = arith.constant 7 : i32
        %add3A_832 = arith.addi %mul3A_713, %add3A_831 : i32
        %get3A_833 = arith.index_cast %add3A_832 : i32 to index
        %get3A_834 = arith.constant 0 : index
        %get3A_835 = tpu.vector_load %arg10[%get3A_833, %get3A_834] {strides = array<i32>} : memref<400x16xf32, #tpu.memory_space<vmem>>, vector<1x16xf32>,
        %get3A_836 = vector.shape_cast %get3A_835 : vector<1x16xf32> to vector<16xf32>
        %add3A_837 = arith.constant 7 : i32
        %add3A_838 = arith.addi %mul3A_713, %add3A_837 : i32
        %get3A_839 = arith.index_cast %add3A_838 : i32 to index
        %get3A_840 = arith.constant 0 : index
        %get3A_841 = tpu.vector_load %arg11[%get3A_839, %get3A_840] {strides = array<i32>} : memref<400x16xf32, #tpu.memory_space<vmem>>, vector<1x16xf32>,
        %get3A_842 = vector.shape_cast %get3A_841 : vector<1x16xf32> to vector<16xf32>
        %sub3A_843 = arith.constant 1.000000e+00 : f32
        %sub3A_844 = vector.broadcast %sub3A_843 : f32 to vector<16xf32>
        %sub3A_845 = arith.subf %sub3A_844, %get3A_842 : vector<16xf32>
        %mul3A_846 = arith.mulf %get3A_836, %sub3A_845 : vector<16xf32>
        %add3A_847 = arith.addf %add3A_830, %mul3A_846 : vector<16xf32>
        scf.yield %add3A_847 : vector<16xf32>
      }
      %scan3A_587 = arith.constant 50 : i32
      %dma_wait3A_588 = arith.constant 0 : i32
      %dma_wait3A_589 = arith.constant 0 : i32
      %dma_wait3A_590 = tpu.memref_slice %arg2[%dma_wait3A_588, %dma_wait3A_589] : memref<100000x16xf32, #tpu.memory_space<hbm>> -> memref<400x16xf32, #tpu.memory_space<hbm>>
      %dma_wait3A_591 = arith.constant 0 : i32
      %dma_wait3A_592 = arith.constant 0 : i32
      %dma_wait3A_593 = tpu.memref_slice %arg2[%dma_wait3A_591, %dma_wait3A_592] : memref<100000x16xf32, #tpu.memory_space<hbm>> -> memref<400x16xf32, #tpu.memory_space<hbm>>
      tpu.wait_dma2 semaphore(%arg18 : memref<!tpu.dma_semaphore, #tpu.memory_space<semaphore_mem>>) src(%dma_wait3A_593 : memref<400x16xf32, #tpu.memory_space<hbm>>) dst(%arg12 : memref<400x16xf32, #tpu.memory_space<vmem>>)
      %dma_wait3A_594 = arith.constant 0 : i32
      %dma_wait3A_595 = arith.constant 0 : i32
      %dma_wait3A_596 = tpu.memref_slice %arg2[%dma_wait3A_594, %dma_wait3A_595] : memref<100000x16xf32, #tpu.memory_space<hbm>> -> memref<400x16xf32, #tpu.memory_space<hbm>>
      %dma_wait3A_597 = arith.constant 0 : i32
      %dma_wait3A_598 = arith.constant 0 : i32
      %dma_wait3A_599 = tpu.memref_slice %arg2[%dma_wait3A_597, %dma_wait3A_598] : memref<100000x16xf32, #tpu.memory_space<hbm>> -> memref<400x16xf32, #tpu.memory_space<hbm>>
      tpu.wait_dma2 semaphore(%arg18 : memref<!tpu.dma_semaphore, #tpu.memory_space<semaphore_mem>>) src(%dma_wait3A_599 : memref<400x16xf32, #tpu.memory_space<hbm>>) dst(%arg13 : memref<400x16xf32, #tpu.memory_space<vmem>>)
      %dma_wait3A_600 = arith.constant 0 : i32
      %dma_wait3A_601 = arith.constant 0 : i32
      %dma_wait3A_602 = tpu.memref_slice %arg3[%dma_wait3A_600, %dma_wait3A_601] : memref<2x3200000xi32, #tpu.memory_space<hbm>> -> memref<2x400xi32, #tpu.memory_space<hbm>>
      %dma_wait3A_603 = arith.constant 0 : i32
      %dma_wait3A_604 = arith.constant 0 : i32
      %dma_wait3A_605 = tpu.memref_slice %arg3[%dma_wait3A_603, %dma_wait3A_604] : memref<2x3200000xi32, #tpu.memory_space<hbm>> -> memref<2x400xi32, #tpu.memory_space<hbm>>
      tpu.wait_dma2 semaphore(%arg19 : memref<!tpu.dma_semaphore, #tpu.memory_space<semaphore_mem>>) src(%dma_wait3A_605 : memref<2x400xi32, #tpu.memory_space<hbm>>) dst(%arg8 : memref<2x400xi32, #tpu.memory_space<vmem>>)
      %dma_start3A_606 = arith.constant 0 : i32
      %dma_start3A_607 = arith.constant 0 : i32
      %dma_start3A_608 = arith.constant 0 : i32
      %dma_start3A_609 = tpu.memref_slice %arg10[%dma_start3A_607, %dma_start3A_608] : memref<400x16xf32, #tpu.memory_space<vmem>> -> memref<128x16xf32, #tpu.memory_space<vmem>>
      %dma_start3A_610 = arith.constant 0 : i32
      %dma_start3A_611 = tpu.memref_slice %arg8[%dma_start3A_606, %dma_start3A_610] : memref<2x400xi32, #tpu.memory_space<vmem>> -> memref<1x128xi32, #tpu.memory_space<vmem>>
      %dma_start3A_612 = tpu.memref_squeeze %dma_start3A_611 : memref<1x128xi32, #tpu.memory_space<vmem>> -> memref<128xi32, #tpu.memory_space<vmem>>
      %dma_start3A_613 = arith.constant 0 : i32
      %dma_start3A_614 = arith.constant 0 : i32
      %dma_start3A_615 = tpu.memref_slice %arg16[%dma_start3A_613, %dma_start3A_614] : memref<100000x16xf32, #tpu.memory_space<vmem_shared>> -> memref<100000x16xf32, #tpu.memory_space<vmem_shared>>
      tpu.enqueue_indirect_dma source(%dma_start3A_615 : memref<100000x16xf32, #tpu.memory_space<vmem_shared>>) target(%dma_start3A_609 : memref<128x16xf32, #tpu.memory_space<vmem>>) offsets(%dma_start3A_612 : memref<128xi32, #tpu.memory_space<vmem>>) semaphore(%arg17 : memref<!tpu.dma_semaphore, #tpu.memory_space<semaphore_mem>>)
      %dma_start3A_616 = arith.constant 0 : i32
      %dma_start3A_617 = arith.constant 128 : i32
      %dma_start3A_618 = arith.constant 0 : i32
      %dma_start3A_619 = tpu.memref_slice %arg10[%dma_start3A_617, %dma_start3A_618] : memref<400x16xf32, #tpu.memory_space<vmem>> -> memref<128x16xf32, #tpu.memory_space<vmem>>
      %dma_start3A_620 = arith.constant 128 : i32
      %dma_start3A_621 = tpu.memref_slice %arg8[%dma_start3A_616, %dma_start3A_620] : memref<2x400xi32, #tpu.memory_space<vmem>> -> memref<1x128xi32, #tpu.memory_space<vmem>>
      %dma_start3A_622 = tpu.memref_squeeze %dma_start3A_621 : memref<1x128xi32, #tpu.memory_space<vmem>> -> memref<128xi32, #tpu.memory_space<vmem>>
      %dma_start3A_623 = arith.constant 0 : i32
      %dma_start3A_624 = arith.constant 0 : i32
      %dma_start3A_625 = tpu.memref_slice %arg16[%dma_start3A_623, %dma_start3A_624] : memref<100000x16xf32, #tpu.memory_space<vmem_shared>> -> memref<100000x16xf32, #tpu.memory_space<vmem_shared>>
      tpu.enqueue_indirect_dma source(%dma_start3A_625 : memref<100000x16xf32, #tpu.memory_space<vmem_shared>>) target(%dma_start3A_619 : memref<128x16xf32, #tpu.memory_space<vmem>>) offsets(%dma_start3A_622 : memref<128xi32, #tpu.memory_space<vmem>>) semaphore(%arg17 : memref<!tpu.dma_semaphore, #tpu.memory_space<semaphore_mem>>)
      %dma_start3A_626 = arith.constant 0 : i32
      %dma_start3A_627 = arith.constant 256 : i32
      %dma_start3A_628 = arith.constant 0 : i32
      %dma_start3A_629 = tpu.memref_slice %arg10[%dma_start3A_627, %dma_start3A_628] : memref<400x16xf32, #tpu.memory_space<vmem>> -> memref<128x16xf32, #tpu.memory_space<vmem>>
      %dma_start3A_630 = arith.constant 256 : i32
      %dma_start3A_631 = tpu.memref_slice %arg8[%dma_start3A_626, %dma_start3A_630] : memref<2x400xi32, #tpu.memory_space<vmem>> -> memref<1x128xi32, #tpu.memory_space<vmem>>
      %dma_start3A_632 = tpu.memref_squeeze %dma_start3A_631 : memref<1x128xi32, #tpu.memory_space<vmem>> -> memref<128xi32, #tpu.memory_space<vmem>>
      %dma_start3A_633 = arith.constant 0 : i32
      %dma_start3A_634 = arith.constant 0 : i32
      %dma_start3A_635 = tpu.memref_slice %arg16[%dma_start3A_633, %dma_start3A_634] : memref<100000x16xf32, #tpu.memory_space<vmem_shared>> -> memref<100000x16xf32, #tpu.memory_space<vmem_shared>>
      tpu.enqueue_indirect_dma source(%dma_start3A_635 : memref<100000x16xf32, #tpu.memory_space<vmem_shared>>) target(%dma_start3A_629 : memref<128x16xf32, #tpu.memory_space<vmem>>) offsets(%dma_start3A_632 : memref<128xi32, #tpu.memory_space<vmem>>) semaphore(%arg17 : memref<!tpu.dma_semaphore, #tpu.memory_space<semaphore_mem>>)
      %dma_start3A_636 = arith.constant 0 : i32
      %dma_start3A_637 = arith.constant 384 : i32
      %dma_start3A_638 = arith.constant 0 : i32
      %dma_start3A_639 = tpu.memref_slice %arg10[%dma_start3A_637, %dma_start3A_638] : memref<400x16xf32, #tpu.memory_space<vmem>> -> memref<16x16xf32, #tpu.memory_space<vmem>>
      %dma_start3A_640 = arith.constant 384 : i32
      %dma_start3A_641 = tpu.memref_slice %arg8[%dma_start3A_636, %dma_start3A_640] : memref<2x400xi32, #tpu.memory_space<vmem>> -> memref<1x16xi32, #tpu.memory_space<vmem>>
      %dma_start3A_642 = tpu.memref_squeeze %dma_start3A_641 : memref<1x16xi32, #tpu.memory_space<vmem>> -> memref<16xi32, #tpu.memory_space<vmem>>
      %dma_start3A_643 = arith.constant 0 : i32
      %dma_start3A_644 = arith.constant 0 : i32
      %dma_start3A_645 = tpu.memref_slice %arg16[%dma_start3A_643, %dma_start3A_644] : memref<100000x16xf32, #tpu.memory_space<vmem_shared>> -> memref<100000x16xf32, #tpu.memory_space<vmem_shared>>
      tpu.enqueue_indirect_dma source(%dma_start3A_645 : memref<100000x16xf32, #tpu.memory_space<vmem_shared>>) target(%dma_start3A_639 : memref<16x16xf32, #tpu.memory_space<vmem>>) offsets(%dma_start3A_642 : memref<16xi32, #tpu.memory_space<vmem>>) semaphore(%arg17 : memref<!tpu.dma_semaphore, #tpu.memory_space<semaphore_mem>>)
      %dma_start3A_646 = arith.constant 1 : i32
      %dma_start3A_647 = arith.constant 0 : i32
      %dma_start3A_648 = arith.constant 0 : i32
      %dma_start3A_649 = tpu.memref_slice %arg11[%dma_start3A_647, %dma_start3A_648] : memref<400x16xf32, #tpu.memory_space<vmem>> -> memref<128x16xf32, #tpu.memory_space<vmem>>
      %dma_start3A_650 = arith.constant 0 : i32
      %dma_start3A_651 = tpu.memref_slice %arg8[%dma_start3A_646, %dma_start3A_650] : memref<2x400xi32, #tpu.memory_space<vmem>> -> memref<1x128xi32, #tpu.memory_space<vmem>>
      %dma_start3A_652 = tpu.memref_squeeze %dma_start3A_651 : memref<1x128xi32, #tpu.memory_space<vmem>> -> memref<128xi32, #tpu.memory_space<vmem>>
      %dma_start3A_653 = arith.constant 0 : i32
      %dma_start3A_654 = arith.constant 0 : i32
      %dma_start3A_655 = tpu.memref_slice %arg16[%dma_start3A_653, %dma_start3A_654] : memref<100000x16xf32, #tpu.memory_space<vmem_shared>> -> memref<100000x16xf32, #tpu.memory_space<vmem_shared>>
      tpu.enqueue_indirect_dma source(%dma_start3A_655 : memref<100000x16xf32, #tpu.memory_space<vmem_shared>>) target(%dma_start3A_649 : memref<128x16xf32, #tpu.memory_space<vmem>>) offsets(%dma_start3A_652 : memref<128xi32, #tpu.memory_space<vmem>>) semaphore(%arg17 : memref<!tpu.dma_semaphore, #tpu.memory_space<semaphore_mem>>)
      %dma_start3A_656 = arith.constant 1 : i32
      %dma_start3A_657 = arith.constant 128 : i32
      %dma_start3A_658 = arith.constant 0 : i32
      %dma_start3A_659 = tpu.memref_slice %arg11[%dma_start3A_657, %dma_start3A_658] : memref<400x16xf32, #tpu.memory_space<vmem>> -> memref<128x16xf32, #tpu.memory_space<vmem>>
      %dma_start3A_660 = arith.constant 128 : i32
      %dma_start3A_661 = tpu.memref_slice %arg8[%dma_start3A_656, %dma_start3A_660] : memref<2x400xi32, #tpu.memory_space<vmem>> -> memref<1x128xi32, #tpu.memory_space<vmem>>
      %dma_start3A_662 = tpu.memref_squeeze %dma_start3A_661 : memref<1x128xi32, #tpu.memory_space<vmem>> -> memref<128xi32, #tpu.memory_space<vmem>>
      %dma_start3A_663 = arith.constant 0 : i32
      %dma_start3A_664 = arith.constant 0 : i32
      %dma_start3A_665 = tpu.memref_slice %arg16[%dma_start3A_663, %dma_start3A_664] : memref<100000x16xf32, #tpu.memory_space<vmem_shared>> -> memref<100000x16xf32, #tpu.memory_space<vmem_shared>>
      tpu.enqueue_indirect_dma source(%dma_start3A_665 : memref<100000x16xf32, #tpu.memory_space<vmem_shared>>) target(%dma_start3A_659 : memref<128x16xf32, #tpu.memory_space<vmem>>) offsets(%dma_start3A_662 : memref<128xi32, #tpu.memory_space<vmem>>) semaphore(%arg17 : memref<!tpu.dma_semaphore, #tpu.memory_space<semaphore_mem>>)
      %dma_start3A_666 = arith.constant 1 : i32
      %dma_start3A_667 = arith.constant 256 : i32
      %dma_start3A_668 = arith.constant 0 : i32
      %dma_start3A_669 = tpu.memref_slice %arg11[%dma_start3A_667, %dma_start3A_668] : memref<400x16xf32, #tpu.memory_space<vmem>> -> memref<128x16xf32, #tpu.memory_space<vmem>>
      %dma_start3A_670 = arith.constant 256 : i32
      %dma_start3A_671 = tpu.memref_slice %arg8[%dma_start3A_666, %dma_start3A_670] : memref<2x400xi32, #tpu.memory_space<vmem>> -> memref<1x128xi32, #tpu.memory_space<vmem>>
      %dma_start3A_672 = tpu.memref_squeeze %dma_start3A_671 : memref<1x128xi32, #tpu.memory_space<vmem>> -> memref<128xi32, #tpu.memory_space<vmem>>
      %dma_start3A_673 = arith.constant 0 : i32
      %dma_start3A_674 = arith.constant 0 : i32
      %dma_start3A_675 = tpu.memref_slice %arg16[%dma_start3A_673, %dma_start3A_674] : memref<100000x16xf32, #tpu.memory_space<vmem_shared>> -> memref<100000x16xf32, #tpu.memory_space<vmem_shared>>
      tpu.enqueue_indirect_dma source(%dma_start3A_675 : memref<100000x16xf32, #tpu.memory_space<vmem_shared>>) target(%dma_start3A_669 : memref<128x16xf32, #tpu.memory_space<vmem>>) offsets(%dma_start3A_672 : memref<128xi32, #tpu.memory_space<vmem>>) semaphore(%arg17 : memref<!tpu.dma_semaphore, #tpu.memory_space<semaphore_mem>>)
      %dma_start3A_676 = arith.constant 1 : i32
      %dma_start3A_677 = arith.constant 384 : i32
      %dma_start3A_678 = arith.constant 0 : i32
      %dma_start3A_679 = tpu.memref_slice %arg11[%dma_start3A_677, %dma_start3A_678] : memref<400x16xf32, #tpu.memory_space<vmem>> -> memref<16x16xf32, #tpu.memory_space<vmem>>
      %dma_start3A_680 = arith.constant 384 : i32
      %dma_start3A_681 = tpu.memref_slice %arg8[%dma_start3A_676, %dma_start3A_680] : memref<2x400xi32, #tpu.memory_space<vmem>> -> memref<1x16xi32, #tpu.memory_space<vmem>>
      %dma_start3A_682 = tpu.memref_squeeze %dma_start3A_681 : memref<1x16xi32, #tpu.memory_space<vmem>> -> memref<16xi32, #tpu.memory_space<vmem>>
      %dma_start3A_683 = arith.constant 0 : i32
      %dma_start3A_684 = arith.constant 0 : i32
      %dma_start3A_685 = tpu.memref_slice %arg16[%dma_start3A_683, %dma_start3A_684] : memref<100000x16xf32, #tpu.memory_space<vmem_shared>> -> memref<100000x16xf32, #tpu.memory_space<vmem_shared>>
      tpu.enqueue_indirect_dma source(%dma_start3A_685 : memref<100000x16xf32, #tpu.memory_space<vmem_shared>>) target(%dma_start3A_679 : memref<16x16xf32, #tpu.memory_space<vmem>>) offsets(%dma_start3A_682 : memref<16xi32, #tpu.memory_space<vmem>>) semaphore(%arg17 : memref<!tpu.dma_semaphore, #tpu.memory_space<semaphore_mem>>)
      %mul3A_686 = arith.constant 2 : i32
      %mul3A_687 = arith.muli %mul3A_686, %scan3A_460 : i32
      %add3A_688 = arith.constant 3 : i32
      %add3A_689 = arith.addi %mul3A_687, %add3A_688 : i32
      %mul3A_690 = arith.constant 400 : i32
      %mul3A_691 = arith.muli %add3A_689, %mul3A_690 : i32
      %add3A_692 = arith.addi %mul3A_2, %mul3A_691 : i32
      %dma_start3A_693 = arith.constant 0 : i32
      %dma_start3A_694 = tpu.memref_slice %arg3[%dma_start3A_693, %add3A_692] : memref<2x3200000xi32, #tpu.memory_space<hbm>> -> memref<2x400xi32, #tpu.memory_space<hbm>>
      %dma_start3A_695 = arith.constant 0 : i32
      %dma_start3A_696 = tpu.memref_slice %arg3[%dma_start3A_695, %add3A_692] : memref<2x3200000xi32, #tpu.memory_space<hbm>> -> memref<2x400xi32, #tpu.memory_space<hbm>>
      tpu.enqueue_dma source(%dma_start3A_696 : memref<2x400xi32, #tpu.memory_space<hbm>>) target(%arg9 : memref<2x400xi32, #tpu.memory_space<vmem>>) target_semaphore(%arg20 : memref<!tpu.dma_semaphore, #tpu.memory_space<semaphore_mem>>)
      %add3A_697 = arith.constant 1 : i32
      %add3A_698 = arith.addi %scan3A_460, %add3A_697 : i32
      %mul3A_699 = arith.constant 800 : i32
      %mul3A_700 = arith.muli %add3A_698, %mul3A_699 : i32
      %add3A_701 = arith.addi %mul3A_2, %mul3A_700 : i32
      %dma_start3A_702 = tpu.memref_slice %arg4[%add3A_701] : memref<3200000xf32, #tpu.memory_space<hbm>> -> memref<800xf32, #tpu.memory_space<hbm>>
      %dma_start3A_703 = tpu.memref_slice %arg4[%add3A_701] : memref<3200000xf32, #tpu.memory_space<hbm>> -> memref<800xf32, #tpu.memory_space<hbm>>
      tpu.enqueue_dma source(%dma_start3A_703 : memref<800xf32, #tpu.memory_space<hbm>>) target(%arg14 : memref<800xf32, #tpu.memory_space<vmem>>) target_semaphore(%arg20 : memref<!tpu.dma_semaphore, #tpu.memory_space<semaphore_mem>>)
      %scan3A_704 = arith.constant 0 : i32
      %scan3A_705 = arith.constant 50 : i32
      %scan3A_706 = arith.addi %scan3A_704, %scan3A_705 : i32
      %scan3A_707 = arith.constant 1 : i32
      %scan3A_708 = scf.for %scan3A_710 = %scan3A_704 to %scan3A_706 step %scan3A_707 iter_args(%scan3A_711 = %scan3A_586) -> (vector<16xf32>)  : i32 {
        %mul3A_712 = arith.constant 8 : i32
        %mul3A_713 = arith.muli %scan3A_710, %mul3A_712 : i32
        %add3A_714 = arith.constant 0 : i32
        %add3A_715 = arith.addi %mul3A_713, %add3A_714 : i32
        %get3A = arith.index_cast %add3A_715 : i32 to index
        %get3A_716 = arith.constant 0 : index
        %get3A_717 = tpu.vector_load %arg12[%get3A, %get3A_716] {strides = array<i32>} : memref<400x16xf32, #tpu.memory_space<vmem>>, vector<1x16xf32>,
        %get3A_718 = vector.shape_cast %get3A_717 : vector<1x16xf32> to vector<16xf32>
        %add3A_719 = arith.constant 0 : i32
        %add3A_720 = arith.addi %mul3A_713, %add3A_719 : i32
        %get3A_721 = arith.index_cast %add3A_720 : i32 to index
        %get3A_722 = arith.constant 0 : index
        %get3A_723 = tpu.vector_load %arg13[%get3A_721, %get3A_722] {strides = array<i32>} : memref<400x16xf32, #tpu.memory_space<vmem>>, vector<1x16xf32>,
        %get3A_724 = vector.shape_cast %get3A_723 : vector<1x16xf32> to vector<16xf32>
        %sub3A = arith.constant 1.000000e+00 : f32
        %sub3A_725 = vector.broadcast %sub3A : f32 to vector<16xf32>
        %sub3A_726 = arith.subf %sub3A_725, %get3A_724 : vector<16xf32>
        %mul3A_727 = arith.mulf %get3A_718, %sub3A_726 : vector<16xf32>
        %add3A_728 = arith.addf %scan3A_711, %mul3A_727 : vector<16xf32>
        %add3A_729 = arith.constant 1 : i32
        %add3A_730 = arith.addi %mul3A_713, %add3A_729 : i32
        %get3A_731 = arith.index_cast %add3A_730 : i32 to index
        %get3A_732 = arith.constant 0 : index
        %get3A_733 = tpu.vector_load %arg12[%get3A_731, %get3A_732] {strides = array<i32>} : memref<400x16xf32, #tpu.memory_space<vmem>>, vector<1x16xf32>,
        %get3A_734 = vector.shape_cast %get3A_733 : vector<1x16xf32> to vector<16xf32>
        %add3A_735 = arith.constant 1 : i32
        %add3A_736 = arith.addi %mul3A_713, %add3A_735 : i32
        %get3A_737 = arith.index_cast %add3A_736 : i32 to index
        %get3A_738 = arith.constant 0 : index
        %get3A_739 = tpu.vector_load %arg13[%get3A_737, %get3A_738] {strides = array<i32>} : memref<400x16xf32, #tpu.memory_space<vmem>>, vector<1x16xf32>,
        %get3A_740 = vector.shape_cast %get3A_739 : vector<1x16xf32> to vector<16xf32>
        %sub3A_741 = arith.constant 1.000000e+00 : f32
        %sub3A_742 = vector.broadcast %sub3A_741 : f32 to vector<16xf32>
        %sub3A_743 = arith.subf %sub3A_742, %get3A_740 : vector<16xf32>
        %mul3A_744 = arith.mulf %get3A_734, %sub3A_743 : vector<16xf32>
        %add3A_745 = arith.addf %add3A_728, %mul3A_744 : vector<16xf32>
        %add3A_746 = arith.constant 2 : i32
        %add3A_747 = arith.addi %mul3A_713, %add3A_746 : i32
        %get3A_748 = arith.index_cast %add3A_747 : i32 to index
        %get3A_749 = arith.constant 0 : index
        %get3A_750 = tpu.vector_load %arg12[%get3A_748, %get3A_749] {strides = array<i32>} : memref<400x16xf32, #tpu.memory_space<vmem>>, vector<1x16xf32>,
        %get3A_751 = vector.shape_cast %get3A_750 : vector<1x16xf32> to vector<16xf32>
        %add3A_752 = arith.constant 2 : i32
        %add3A_753 = arith.addi %mul3A_713, %add3A_752 : i32
        %get3A_754 = arith.index_cast %add3A_753 : i32 to index
        %get3A_755 = arith.constant 0 : index
        %get3A_756 = tpu.vector_load %arg13[%get3A_754, %get3A_755] {strides = array<i32>} : memref<400x16xf32, #tpu.memory_space<vmem>>, vector<1x16xf32>,
        %get3A_757 = vector.shape_cast %get3A_756 : vector<1x16xf32> to vector<16xf32>
        %sub3A_758 = arith.constant 1.000000e+00 : f32
        %sub3A_759 = vector.broadcast %sub3A_758 : f32 to vector<16xf32>
        %sub3A_760 = arith.subf %sub3A_759, %get3A_757 : vector<16xf32>
        %mul3A_761 = arith.mulf %get3A_751, %sub3A_760 : vector<16xf32>
        %add3A_762 = arith.addf %add3A_745, %mul3A_761 : vector<16xf32>
        %add3A_763 = arith.constant 3 : i32
        %add3A_764 = arith.addi %mul3A_713, %add3A_763 : i32
        %get3A_765 = arith.index_cast %add3A_764 : i32 to index
        %get3A_766 = arith.constant 0 : index
        %get3A_767 = tpu.vector_load %arg12[%get3A_765, %get3A_766] {strides = array<i32>} : memref<400x16xf32, #tpu.memory_space<vmem>>, vector<1x16xf32>,
        %get3A_768 = vector.shape_cast %get3A_767 : vector<1x16xf32> to vector<16xf32>
        %add3A_769 = arith.constant 3 : i32
        %add3A_770 = arith.addi %mul3A_713, %add3A_769 : i32
        %get3A_771 = arith.index_cast %add3A_770 : i32 to index
        %get3A_772 = arith.constant 0 : index
        %get3A_773 = tpu.vector_load %arg13[%get3A_771, %get3A_772] {strides = array<i32>} : memref<400x16xf32, #tpu.memory_space<vmem>>, vector<1x16xf32>,
        %get3A_774 = vector.shape_cast %get3A_773 : vector<1x16xf32> to vector<16xf32>
        %sub3A_775 = arith.constant 1.000000e+00 : f32
        %sub3A_776 = vector.broadcast %sub3A_775 : f32 to vector<16xf32>
        %sub3A_777 = arith.subf %sub3A_776, %get3A_774 : vector<16xf32>
        %mul3A_778 = arith.mulf %get3A_768, %sub3A_777 : vector<16xf32>
        %add3A_779 = arith.addf %add3A_762, %mul3A_778 : vector<16xf32>
        %add3A_780 = arith.constant 4 : i32
        %add3A_781 = arith.addi %mul3A_713, %add3A_780 : i32
        %get3A_782 = arith.index_cast %add3A_781 : i32 to index
        %get3A_783 = arith.constant 0 : index
        %get3A_784 = tpu.vector_load %arg12[%get3A_782, %get3A_783] {strides = array<i32>} : memref<400x16xf32, #tpu.memory_space<vmem>>, vector<1x16xf32>,
        %get3A_785 = vector.shape_cast %get3A_784 : vector<1x16xf32> to vector<16xf32>
        %add3A_786 = arith.constant 4 : i32
        %add3A_787 = arith.addi %mul3A_713, %add3A_786 : i32
        %get3A_788 = arith.index_cast %add3A_787 : i32 to index
        %get3A_789 = arith.constant 0 : index
        %get3A_790 = tpu.vector_load %arg13[%get3A_788, %get3A_789] {strides = array<i32>} : memref<400x16xf32, #tpu.memory_space<vmem>>, vector<1x16xf32>,
        %get3A_791 = vector.shape_cast %get3A_790 : vector<1x16xf32> to vector<16xf32>
        %sub3A_792 = arith.constant 1.000000e+00 : f32
        %sub3A_793 = vector.broadcast %sub3A_792 : f32 to vector<16xf32>
        %sub3A_794 = arith.subf %sub3A_793, %get3A_791 : vector<16xf32>
        %mul3A_795 = arith.mulf %get3A_785, %sub3A_794 : vector<16xf32>
        %add3A_796 = arith.addf %add3A_779, %mul3A_795 : vector<16xf32>
        %add3A_797 = arith.constant 5 : i32
        %add3A_798 = arith.addi %mul3A_713, %add3A_797 : i32
        %get3A_799 = arith.index_cast %add3A_798 : i32 to index
        %get3A_800 = arith.constant 0 : index
        %get3A_801 = tpu.vector_load %arg12[%get3A_799, %get3A_800] {strides = array<i32>} : memref<400x16xf32, #tpu.memory_space<vmem>>, vector<1x16xf32>,
        %get3A_802 = vector.shape_cast %get3A_801 : vector<1x16xf32> to vector<16xf32>
        %add3A_803 = arith.constant 5 : i32
        %add3A_804 = arith.addi %mul3A_713, %add3A_803 : i32
        %get3A_805 = arith.index_cast %add3A_804 : i32 to index
        %get3A_806 = arith.constant 0 : index
        %get3A_807 = tpu.vector_load %arg13[%get3A_805, %get3A_806] {strides = array<i32>} : memref<400x16xf32, #tpu.memory_space<vmem>>, vector<1x16xf32>,
        %get3A_808 = vector.shape_cast %get3A_807 : vector<1x16xf32> to vector<16xf32>
        %sub3A_809 = arith.constant 1.000000e+00 : f32
        %sub3A_810 = vector.broadcast %sub3A_809 : f32 to vector<16xf32>
        %sub3A_811 = arith.subf %sub3A_810, %get3A_808 : vector<16xf32>
        %mul3A_812 = arith.mulf %get3A_802, %sub3A_811 : vector<16xf32>
        %add3A_813 = arith.addf %add3A_796, %mul3A_812 : vector<16xf32>
        %add3A_814 = arith.constant 6 : i32
        %add3A_815 = arith.addi %mul3A_713, %add3A_814 : i32
        %get3A_816 = arith.index_cast %add3A_815 : i32 to index
        %get3A_817 = arith.constant 0 : index
        %get3A_818 = tpu.vector_load %arg12[%get3A_816, %get3A_817] {strides = array<i32>} : memref<400x16xf32, #tpu.memory_space<vmem>>, vector<1x16xf32>,
        %get3A_819 = vector.shape_cast %get3A_818 : vector<1x16xf32> to vector<16xf32>
        %add3A_820 = arith.constant 6 : i32
        %add3A_821 = arith.addi %mul3A_713, %add3A_820 : i32
        %get3A_822 = arith.index_cast %add3A_821 : i32 to index
        %get3A_823 = arith.constant 0 : index
        %get3A_824 = tpu.vector_load %arg13[%get3A_822, %get3A_823] {strides = array<i32>} : memref<400x16xf32, #tpu.memory_space<vmem>>, vector<1x16xf32>,
        %get3A_825 = vector.shape_cast %get3A_824 : vector<1x16xf32> to vector<16xf32>
        %sub3A_826 = arith.constant 1.000000e+00 : f32
        %sub3A_827 = vector.broadcast %sub3A_826 : f32 to vector<16xf32>
        %sub3A_828 = arith.subf %sub3A_827, %get3A_825 : vector<16xf32>
        %mul3A_829 = arith.mulf %get3A_819, %sub3A_828 : vector<16xf32>
        %add3A_830 = arith.addf %add3A_813, %mul3A_829 : vector<16xf32>
        %add3A_831 = arith.constant 7 : i32
        %add3A_832 = arith.addi %mul3A_713, %add3A_831 : i32
        %get3A_833 = arith.index_cast %add3A_832 : i32 to index
        %get3A_834 = arith.constant 0 : index
        %get3A_835 = tpu.vector_load %arg12[%get3A_833, %get3A_834] {strides = array<i32>} : memref<400x16xf32, #tpu.memory_space<vmem>>, vector<1x16xf32>,
        %get3A_836 = vector.shape_cast %get3A_835 : vector<1x16xf32> to vector<16xf32>
        %add3A_837 = arith.constant 7 : i32
        %add3A_838 = arith.addi %mul3A_713, %add3A_837 : i32
        %get3A_839 = arith.index_cast %add3A_838 : i32 to index
        %get3A_840 = arith.constant 0 : index
        %get3A_841 = tpu.vector_load %arg13[%get3A_839, %get3A_840] {strides = array<i32>} : memref<400x16xf32, #tpu.memory_space<vmem>>, vector<1x16xf32>,
        %get3A_842 = vector.shape_cast %get3A_841 : vector<1x16xf32> to vector<16xf32>
        %sub3A_843 = arith.constant 1.000000e+00 : f32
        %sub3A_844 = vector.broadcast %sub3A_843 : f32 to vector<16xf32>
        %sub3A_845 = arith.subf %sub3A_844, %get3A_842 : vector<16xf32>
        %mul3A_846 = arith.mulf %get3A_836, %sub3A_845 : vector<16xf32>
        %add3A_847 = arith.addf %add3A_830, %mul3A_846 : vector<16xf32>
        scf.yield %add3A_847 : vector<16xf32>
      }
      %scan3A_709 = arith.constant 50 : i32
      scf.yield %scan3A_708, %scan3A_569 : vector<16xf32>, vector<16xf32>
    }
    %scan3A_316 = arith.constant 124 : i32
    %dma_wait3A_317 = arith.constant 0 : i32
    %dma_wait3A_318 = arith.constant 0 : i32
    %dma_wait3A_319 = tpu.memref_slice %arg2[%dma_wait3A_317, %dma_wait3A_318] : memref<100000x16xf32, #tpu.memory_space<hbm>> -> memref<400x16xf32, #tpu.memory_space<hbm>>
    %dma_wait3A_320 = arith.constant 0 : i32
    %dma_wait3A_321 = arith.constant 0 : i32
    %dma_wait3A_322 = tpu.memref_slice %arg2[%dma_wait3A_320, %dma_wait3A_321] : memref<100000x16xf32, #tpu.memory_space<hbm>> -> memref<400x16xf32, #tpu.memory_space<hbm>>
    tpu.wait_dma2 semaphore(%arg17 : memref<!tpu.dma_semaphore, #tpu.memory_space<semaphore_mem>>) src(%dma_wait3A_322 : memref<400x16xf32, #tpu.memory_space<hbm>>) dst(%arg10 : memref<400x16xf32, #tpu.memory_space<vmem>>)
    %dma_wait3A_323 = arith.constant 0 : i32
    %dma_wait3A_324 = arith.constant 0 : i32
    %dma_wait3A_325 = tpu.memref_slice %arg2[%dma_wait3A_323, %dma_wait3A_324] : memref<100000x16xf32, #tpu.memory_space<hbm>> -> memref<400x16xf32, #tpu.memory_space<hbm>>
    %dma_wait3A_326 = arith.constant 0 : i32
    %dma_wait3A_327 = arith.constant 0 : i32
    %dma_wait3A_328 = tpu.memref_slice %arg2[%dma_wait3A_326, %dma_wait3A_327] : memref<100000x16xf32, #tpu.memory_space<hbm>> -> memref<400x16xf32, #tpu.memory_space<hbm>>
    tpu.wait_dma2 semaphore(%arg17 : memref<!tpu.dma_semaphore, #tpu.memory_space<semaphore_mem>>) src(%dma_wait3A_328 : memref<400x16xf32, #tpu.memory_space<hbm>>) dst(%arg11 : memref<400x16xf32, #tpu.memory_space<vmem>>)
    %dma_wait3A_329 = arith.constant 0 : i32
    %dma_wait3A_330 = arith.constant 0 : i32
    %dma_wait3A_331 = tpu.memref_slice %arg3[%dma_wait3A_329, %dma_wait3A_330] : memref<2x3200000xi32, #tpu.memory_space<hbm>> -> memref<2x400xi32, #tpu.memory_space<hbm>>
    %dma_wait3A_332 = arith.constant 0 : i32
    %dma_wait3A_333 = arith.constant 0 : i32
    %dma_wait3A_334 = tpu.memref_slice %arg3[%dma_wait3A_332, %dma_wait3A_333] : memref<2x3200000xi32, #tpu.memory_space<hbm>> -> memref<2x400xi32, #tpu.memory_space<hbm>>
    tpu.wait_dma2 semaphore(%arg20 : memref<!tpu.dma_semaphore, #tpu.memory_space<semaphore_mem>>) src(%dma_wait3A_334 : memref<2x400xi32, #tpu.memory_space<hbm>>) dst(%arg9 : memref<2x400xi32, #tpu.memory_space<vmem>>)
    %dma_wait3A_335 = arith.constant 0 : i32
    %dma_wait3A_336 = tpu.memref_slice %arg4[%dma_wait3A_335] : memref<3200000xf32, #tpu.memory_space<hbm>> -> memref<800xf32, #tpu.memory_space<hbm>>
    %dma_wait3A_337 = arith.constant 0 : i32
    %dma_wait3A_338 = tpu.memref_slice %arg4[%dma_wait3A_337] : memref<3200000xf32, #tpu.memory_space<hbm>> -> memref<800xf32, #tpu.memory_space<hbm>>
    tpu.wait_dma2 semaphore(%arg20 : memref<!tpu.dma_semaphore, #tpu.memory_space<semaphore_mem>>) src(%dma_wait3A_338 : memref<800xf32, #tpu.memory_space<hbm>>) dst(%arg14 : memref<800xf32, #tpu.memory_space<vmem>>)
    %dma_start3A_339 = arith.constant 0 : i32
    %dma_start3A_340 = arith.constant 0 : i32
    %dma_start3A_341 = arith.constant 0 : i32
    %dma_start3A_342 = tpu.memref_slice %arg12[%dma_start3A_340, %dma_start3A_341] : memref<400x16xf32, #tpu.memory_space<vmem>> -> memref<128x16xf32, #tpu.memory_space<vmem>>
    %dma_start3A_343 = arith.constant 0 : i32
    %dma_start3A_344 = tpu.memref_slice %arg9[%dma_start3A_339, %dma_start3A_343] : memref<2x400xi32, #tpu.memory_space<vmem>> -> memref<1x128xi32, #tpu.memory_space<vmem>>
    %dma_start3A_345 = tpu.memref_squeeze %dma_start3A_344 : memref<1x128xi32, #tpu.memory_space<vmem>> -> memref<128xi32, #tpu.memory_space<vmem>>
    %dma_start3A_346 = arith.constant 0 : i32
    %dma_start3A_347 = arith.constant 0 : i32
    %dma_start3A_348 = tpu.memref_slice %arg16[%dma_start3A_346, %dma_start3A_347] : memref<100000x16xf32, #tpu.memory_space<vmem_shared>> -> memref<100000x16xf32, #tpu.memory_space<vmem_shared>>
    tpu.enqueue_indirect_dma source(%dma_start3A_348 : memref<100000x16xf32, #tpu.memory_space<vmem_shared>>) target(%dma_start3A_342 : memref<128x16xf32, #tpu.memory_space<vmem>>) offsets(%dma_start3A_345 : memref<128xi32, #tpu.memory_space<vmem>>) semaphore(%arg18 : memref<!tpu.dma_semaphore, #tpu.memory_space<semaphore_mem>>)
    %dma_start3A_349 = arith.constant 0 : i32
    %dma_start3A_350 = arith.constant 128 : i32
    %dma_start3A_351 = arith.constant 0 : i32
    %dma_start3A_352 = tpu.memref_slice %arg12[%dma_start3A_350, %dma_start3A_351] : memref<400x16xf32, #tpu.memory_space<vmem>> -> memref<128x16xf32, #tpu.memory_space<vmem>>
    %dma_start3A_353 = arith.constant 128 : i32
    %dma_start3A_354 = tpu.memref_slice %arg9[%dma_start3A_349, %dma_start3A_353] : memref<2x400xi32, #tpu.memory_space<vmem>> -> memref<1x128xi32, #tpu.memory_space<vmem>>
    %dma_start3A_355 = tpu.memref_squeeze %dma_start3A_354 : memref<1x128xi32, #tpu.memory_space<vmem>> -> memref<128xi32, #tpu.memory_space<vmem>>
    %dma_start3A_356 = arith.constant 0 : i32
    %dma_start3A_357 = arith.constant 0 : i32
    %dma_start3A_358 = tpu.memref_slice %arg16[%dma_start3A_356, %dma_start3A_357] : memref<100000x16xf32, #tpu.memory_space<vmem_shared>> -> memref<100000x16xf32, #tpu.memory_space<vmem_shared>>
    tpu.enqueue_indirect_dma source(%dma_start3A_358 : memref<100000x16xf32, #tpu.memory_space<vmem_shared>>) target(%dma_start3A_352 : memref<128x16xf32, #tpu.memory_space<vmem>>) offsets(%dma_start3A_355 : memref<128xi32, #tpu.memory_space<vmem>>) semaphore(%arg18 : memref<!tpu.dma_semaphore, #tpu.memory_space<semaphore_mem>>)
    %dma_start3A_359 = arith.constant 0 : i32
    %dma_start3A_360 = arith.constant 256 : i32
    %dma_start3A_361 = arith.constant 0 : i32
    %dma_start3A_362 = tpu.memref_slice %arg12[%dma_start3A_360, %dma_start3A_361] : memref<400x16xf32, #tpu.memory_space<vmem>> -> memref<128x16xf32, #tpu.memory_space<vmem>>
    %dma_start3A_363 = arith.constant 256 : i32
    %dma_start3A_364 = tpu.memref_slice %arg9[%dma_start3A_359, %dma_start3A_363] : memref<2x400xi32, #tpu.memory_space<vmem>> -> memref<1x128xi32, #tpu.memory_space<vmem>>
    %dma_start3A_365 = tpu.memref_squeeze %dma_start3A_364 : memref<1x128xi32, #tpu.memory_space<vmem>> -> memref<128xi32, #tpu.memory_space<vmem>>
    %dma_start3A_366 = arith.constant 0 : i32
    %dma_start3A_367 = arith.constant 0 : i32
    %dma_start3A_368 = tpu.memref_slice %arg16[%dma_start3A_366, %dma_start3A_367] : memref<100000x16xf32, #tpu.memory_space<vmem_shared>> -> memref<100000x16xf32, #tpu.memory_space<vmem_shared>>
    tpu.enqueue_indirect_dma source(%dma_start3A_368 : memref<100000x16xf32, #tpu.memory_space<vmem_shared>>) target(%dma_start3A_362 : memref<128x16xf32, #tpu.memory_space<vmem>>) offsets(%dma_start3A_365 : memref<128xi32, #tpu.memory_space<vmem>>) semaphore(%arg18 : memref<!tpu.dma_semaphore, #tpu.memory_space<semaphore_mem>>)
    %dma_start3A_369 = arith.constant 0 : i32
    %dma_start3A_370 = arith.constant 384 : i32
    %dma_start3A_371 = arith.constant 0 : i32
    %dma_start3A_372 = tpu.memref_slice %arg12[%dma_start3A_370, %dma_start3A_371] : memref<400x16xf32, #tpu.memory_space<vmem>> -> memref<16x16xf32, #tpu.memory_space<vmem>>
    %dma_start3A_373 = arith.constant 384 : i32
    %dma_start3A_374 = tpu.memref_slice %arg9[%dma_start3A_369, %dma_start3A_373] : memref<2x400xi32, #tpu.memory_space<vmem>> -> memref<1x16xi32, #tpu.memory_space<vmem>>
    %dma_start3A_375 = tpu.memref_squeeze %dma_start3A_374 : memref<1x16xi32, #tpu.memory_space<vmem>> -> memref<16xi32, #tpu.memory_space<vmem>>
    %dma_start3A_376 = arith.constant 0 : i32
    %dma_start3A_377 = arith.constant 0 : i32
    %dma_start3A_378 = tpu.memref_slice %arg16[%dma_start3A_376, %dma_start3A_377] : memref<100000x16xf32, #tpu.memory_space<vmem_shared>> -> memref<100000x16xf32, #tpu.memory_space<vmem_shared>>
    tpu.enqueue_indirect_dma source(%dma_start3A_378 : memref<100000x16xf32, #tpu.memory_space<vmem_shared>>) target(%dma_start3A_372 : memref<16x16xf32, #tpu.memory_space<vmem>>) offsets(%dma_start3A_375 : memref<16xi32, #tpu.memory_space<vmem>>) semaphore(%arg18 : memref<!tpu.dma_semaphore, #tpu.memory_space<semaphore_mem>>)
    %dma_start3A_379 = arith.constant 1 : i32
    %dma_start3A_380 = arith.constant 0 : i32
    %dma_start3A_381 = arith.constant 0 : i32
    %dma_start3A_382 = tpu.memref_slice %arg13[%dma_start3A_380, %dma_start3A_381] : memref<400x16xf32, #tpu.memory_space<vmem>> -> memref<128x16xf32, #tpu.memory_space<vmem>>
    %dma_start3A_383 = arith.constant 0 : i32
    %dma_start3A_384 = tpu.memref_slice %arg9[%dma_start3A_379, %dma_start3A_383] : memref<2x400xi32, #tpu.memory_space<vmem>> -> memref<1x128xi32, #tpu.memory_space<vmem>>
    %dma_start3A_385 = tpu.memref_squeeze %dma_start3A_384 : memref<1x128xi32, #tpu.memory_space<vmem>> -> memref<128xi32, #tpu.memory_space<vmem>>
    %dma_start3A_386 = arith.constant 0 : i32
    %dma_start3A_387 = arith.constant 0 : i32
    %dma_start3A_388 = tpu.memref_slice %arg16[%dma_start3A_386, %dma_start3A_387] : memref<100000x16xf32, #tpu.memory_space<vmem_shared>> -> memref<100000x16xf32, #tpu.memory_space<vmem_shared>>
    tpu.enqueue_indirect_dma source(%dma_start3A_388 : memref<100000x16xf32, #tpu.memory_space<vmem_shared>>) target(%dma_start3A_382 : memref<128x16xf32, #tpu.memory_space<vmem>>) offsets(%dma_start3A_385 : memref<128xi32, #tpu.memory_space<vmem>>) semaphore(%arg18 : memref<!tpu.dma_semaphore, #tpu.memory_space<semaphore_mem>>)
    %dma_start3A_389 = arith.constant 1 : i32
    %dma_start3A_390 = arith.constant 128 : i32
    %dma_start3A_391 = arith.constant 0 : i32
    %dma_start3A_392 = tpu.memref_slice %arg13[%dma_start3A_390, %dma_start3A_391] : memref<400x16xf32, #tpu.memory_space<vmem>> -> memref<128x16xf32, #tpu.memory_space<vmem>>
    %dma_start3A_393 = arith.constant 128 : i32
    %dma_start3A_394 = tpu.memref_slice %arg9[%dma_start3A_389, %dma_start3A_393] : memref<2x400xi32, #tpu.memory_space<vmem>> -> memref<1x128xi32, #tpu.memory_space<vmem>>
    %dma_start3A_395 = tpu.memref_squeeze %dma_start3A_394 : memref<1x128xi32, #tpu.memory_space<vmem>> -> memref<128xi32, #tpu.memory_space<vmem>>
    %dma_start3A_396 = arith.constant 0 : i32
    %dma_start3A_397 = arith.constant 0 : i32
    %dma_start3A_398 = tpu.memref_slice %arg16[%dma_start3A_396, %dma_start3A_397] : memref<100000x16xf32, #tpu.memory_space<vmem_shared>> -> memref<100000x16xf32, #tpu.memory_space<vmem_shared>>
    tpu.enqueue_indirect_dma source(%dma_start3A_398 : memref<100000x16xf32, #tpu.memory_space<vmem_shared>>) target(%dma_start3A_392 : memref<128x16xf32, #tpu.memory_space<vmem>>) offsets(%dma_start3A_395 : memref<128xi32, #tpu.memory_space<vmem>>) semaphore(%arg18 : memref<!tpu.dma_semaphore, #tpu.memory_space<semaphore_mem>>)
    %dma_start3A_399 = arith.constant 1 : i32
    %dma_start3A_400 = arith.constant 256 : i32
    %dma_start3A_401 = arith.constant 0 : i32
    %dma_start3A_402 = tpu.memref_slice %arg13[%dma_start3A_400, %dma_start3A_401] : memref<400x16xf32, #tpu.memory_space<vmem>> -> memref<128x16xf32, #tpu.memory_space<vmem>>
    %dma_start3A_403 = arith.constant 256 : i32
    %dma_start3A_404 = tpu.memref_slice %arg9[%dma_start3A_399, %dma_start3A_403] : memref<2x400xi32, #tpu.memory_space<vmem>> -> memref<1x128xi32, #tpu.memory_space<vmem>>
    %dma_start3A_405 = tpu.memref_squeeze %dma_start3A_404 : memref<1x128xi32, #tpu.memory_space<vmem>> -> memref<128xi32, #tpu.memory_space<vmem>>
    %dma_start3A_406 = arith.constant 0 : i32
    %dma_start3A_407 = arith.constant 0 : i32
    %dma_start3A_408 = tpu.memref_slice %arg16[%dma_start3A_406, %dma_start3A_407] : memref<100000x16xf32, #tpu.memory_space<vmem_shared>> -> memref<100000x16xf32, #tpu.memory_space<vmem_shared>>
    tpu.enqueue_indirect_dma source(%dma_start3A_408 : memref<100000x16xf32, #tpu.memory_space<vmem_shared>>) target(%dma_start3A_402 : memref<128x16xf32, #tpu.memory_space<vmem>>) offsets(%dma_start3A_405 : memref<128xi32, #tpu.memory_space<vmem>>) semaphore(%arg18 : memref<!tpu.dma_semaphore, #tpu.memory_space<semaphore_mem>>)
    %dma_start3A_409 = arith.constant 1 : i32
    %dma_start3A_410 = arith.constant 384 : i32
    %dma_start3A_411 = arith.constant 0 : i32
    %dma_start3A_412 = tpu.memref_slice %arg13[%dma_start3A_410, %dma_start3A_411] : memref<400x16xf32, #tpu.memory_space<vmem>> -> memref<16x16xf32, #tpu.memory_space<vmem>>
    %dma_start3A_413 = arith.constant 384 : i32
    %dma_start3A_414 = tpu.memref_slice %arg9[%dma_start3A_409, %dma_start3A_413] : memref<2x400xi32, #tpu.memory_space<vmem>> -> memref<1x16xi32, #tpu.memory_space<vmem>>
    %dma_start3A_415 = tpu.memref_squeeze %dma_start3A_414 : memref<1x16xi32, #tpu.memory_space<vmem>> -> memref<16xi32, #tpu.memory_space<vmem>>
    %dma_start3A_416 = arith.constant 0 : i32
    %dma_start3A_417 = arith.constant 0 : i32
    %dma_start3A_418 = tpu.memref_slice %arg16[%dma_start3A_416, %dma_start3A_417] : memref<100000x16xf32, #tpu.memory_space<vmem_shared>> -> memref<100000x16xf32, #tpu.memory_space<vmem_shared>>
    tpu.enqueue_indirect_dma source(%dma_start3A_418 : memref<100000x16xf32, #tpu.memory_space<vmem_shared>>) target(%dma_start3A_412 : memref<16x16xf32, #tpu.memory_space<vmem>>) offsets(%dma_start3A_415 : memref<16xi32, #tpu.memory_space<vmem>>) semaphore(%arg18 : memref<!tpu.dma_semaphore, #tpu.memory_space<semaphore_mem>>)
    %scan3A_419 = arith.constant 0 : i32
    %scan3A_420 = arith.constant 50 : i32
    %scan3A_421 = arith.addi %scan3A_419, %scan3A_420 : i32
    %scan3A_422 = arith.constant 1 : i32
    %scan3A_423 = scf.for %scan3A_460 = %scan3A_419 to %scan3A_421 step %scan3A_422 iter_args(%scan3A_461 = %scan3A_315#1) -> (vector<16xf32>)  : i32 {
      %mul3A_462 = arith.constant 16 : i32
      %mul3A_463 = arith.muli %scan3A_460, %mul3A_462 : i32
      %get3A = arith.index_cast %mul3A_463 : i32 to index
      %get3A_464 = tpu.vector_load %arg14[%get3A] {strides = array<i32>} : memref<800xf32, #tpu.memory_space<vmem>>, vector<16xf32>,
      %get3A_465 = vector.shape_cast %get3A_464 : vector<16xf32> to vector<16xf32>
      %add3A_466 = arith.addf %scan3A_461, %get3A_465 : vector<16xf32>
      scf.yield %add3A_466 : vector<16xf32>
    }
    %scan3A_424 = arith.constant 50 : i32
    %scan3A_425 = arith.constant 0 : i32
    %scan3A_426 = arith.constant 50 : i32
    %scan3A_427 = arith.addi %scan3A_425, %scan3A_426 : i32
    %scan3A_428 = arith.constant 1 : i32
    %scan3A_429 = scf.for %scan3A_460 = %scan3A_425 to %scan3A_427 step %scan3A_428 iter_args(%scan3A_461 = %scan3A_315#0) -> (vector<16xf32>)  : i32 {
      %mul3A_462 = arith.constant 8 : i32
      %mul3A_463 = arith.muli %scan3A_460, %mul3A_462 : i32
      %add3A_464 = arith.constant 0 : i32
      %add3A_465 = arith.addi %mul3A_463, %add3A_464 : i32
      %get3A = arith.index_cast %add3A_465 : i32 to index
      %get3A_466 = arith.constant 0 : index
      %get3A_467 = tpu.vector_load %arg10[%get3A, %get3A_466] {strides = array<i32>} : memref<400x16xf32, #tpu.memory_space<vmem>>, vector<1x16xf32>,
      %get3A_468 = vector.shape_cast %get3A_467 : vector<1x16xf32> to vector<16xf32>
      %add3A_469 = arith.constant 0 : i32
      %add3A_470 = arith.addi %mul3A_463, %add3A_469 : i32
      %get3A_471 = arith.index_cast %add3A_470 : i32 to index
      %get3A_472 = arith.constant 0 : index
      %get3A_473 = tpu.vector_load %arg11[%get3A_471, %get3A_472] {strides = array<i32>} : memref<400x16xf32, #tpu.memory_space<vmem>>, vector<1x16xf32>,
      %get3A_474 = vector.shape_cast %get3A_473 : vector<1x16xf32> to vector<16xf32>
      %sub3A = arith.constant 1.000000e+00 : f32
      %sub3A_475 = vector.broadcast %sub3A : f32 to vector<16xf32>
      %sub3A_476 = arith.subf %sub3A_475, %get3A_474 : vector<16xf32>
      %mul3A_477 = arith.mulf %get3A_468, %sub3A_476 : vector<16xf32>
      %add3A_478 = arith.addf %scan3A_461, %mul3A_477 : vector<16xf32>
      %add3A_479 = arith.constant 1 : i32
      %add3A_480 = arith.addi %mul3A_463, %add3A_479 : i32
      %get3A_481 = arith.index_cast %add3A_480 : i32 to index
      %get3A_482 = arith.constant 0 : index
      %get3A_483 = tpu.vector_load %arg10[%get3A_481, %get3A_482] {strides = array<i32>} : memref<400x16xf32, #tpu.memory_space<vmem>>, vector<1x16xf32>,
      %get3A_484 = vector.shape_cast %get3A_483 : vector<1x16xf32> to vector<16xf32>
      %add3A_485 = arith.constant 1 : i32
      %add3A_486 = arith.addi %mul3A_463, %add3A_485 : i32
      %get3A_487 = arith.index_cast %add3A_486 : i32 to index
      %get3A_488 = arith.constant 0 : index
      %get3A_489 = tpu.vector_load %arg11[%get3A_487, %get3A_488] {strides = array<i32>} : memref<400x16xf32, #tpu.memory_space<vmem>>, vector<1x16xf32>,
      %get3A_490 = vector.shape_cast %get3A_489 : vector<1x16xf32> to vector<16xf32>
      %sub3A_491 = arith.constant 1.000000e+00 : f32
      %sub3A_492 = vector.broadcast %sub3A_491 : f32 to vector<16xf32>
      %sub3A_493 = arith.subf %sub3A_492, %get3A_490 : vector<16xf32>
      %mul3A_494 = arith.mulf %get3A_484, %sub3A_493 : vector<16xf32>
      %add3A_495 = arith.addf %add3A_478, %mul3A_494 : vector<16xf32>
      %add3A_496 = arith.constant 2 : i32
      %add3A_497 = arith.addi %mul3A_463, %add3A_496 : i32
      %get3A_498 = arith.index_cast %add3A_497 : i32 to index
      %get3A_499 = arith.constant 0 : index
      %get3A_500 = tpu.vector_load %arg10[%get3A_498, %get3A_499] {strides = array<i32>} : memref<400x16xf32, #tpu.memory_space<vmem>>, vector<1x16xf32>,
      %get3A_501 = vector.shape_cast %get3A_500 : vector<1x16xf32> to vector<16xf32>
      %add3A_502 = arith.constant 2 : i32
      %add3A_503 = arith.addi %mul3A_463, %add3A_502 : i32
      %get3A_504 = arith.index_cast %add3A_503 : i32 to index
      %get3A_505 = arith.constant 0 : index
      %get3A_506 = tpu.vector_load %arg11[%get3A_504, %get3A_505] {strides = array<i32>} : memref<400x16xf32, #tpu.memory_space<vmem>>, vector<1x16xf32>,
      %get3A_507 = vector.shape_cast %get3A_506 : vector<1x16xf32> to vector<16xf32>
      %sub3A_508 = arith.constant 1.000000e+00 : f32
      %sub3A_509 = vector.broadcast %sub3A_508 : f32 to vector<16xf32>
      %sub3A_510 = arith.subf %sub3A_509, %get3A_507 : vector<16xf32>
      %mul3A_511 = arith.mulf %get3A_501, %sub3A_510 : vector<16xf32>
      %add3A_512 = arith.addf %add3A_495, %mul3A_511 : vector<16xf32>
      %add3A_513 = arith.constant 3 : i32
      %add3A_514 = arith.addi %mul3A_463, %add3A_513 : i32
      %get3A_515 = arith.index_cast %add3A_514 : i32 to index
      %get3A_516 = arith.constant 0 : index
      %get3A_517 = tpu.vector_load %arg10[%get3A_515, %get3A_516] {strides = array<i32>} : memref<400x16xf32, #tpu.memory_space<vmem>>, vector<1x16xf32>,
      %get3A_518 = vector.shape_cast %get3A_517 : vector<1x16xf32> to vector<16xf32>
      %add3A_519 = arith.constant 3 : i32
      %add3A_520 = arith.addi %mul3A_463, %add3A_519 : i32
      %get3A_521 = arith.index_cast %add3A_520 : i32 to index
      %get3A_522 = arith.constant 0 : index
      %get3A_523 = tpu.vector_load %arg11[%get3A_521, %get3A_522] {strides = array<i32>} : memref<400x16xf32, #tpu.memory_space<vmem>>, vector<1x16xf32>,
      %get3A_524 = vector.shape_cast %get3A_523 : vector<1x16xf32> to vector<16xf32>
      %sub3A_525 = arith.constant 1.000000e+00 : f32
      %sub3A_526 = vector.broadcast %sub3A_525 : f32 to vector<16xf32>
      %sub3A_527 = arith.subf %sub3A_526, %get3A_524 : vector<16xf32>
      %mul3A_528 = arith.mulf %get3A_518, %sub3A_527 : vector<16xf32>
      %add3A_529 = arith.addf %add3A_512, %mul3A_528 : vector<16xf32>
      %add3A_530 = arith.constant 4 : i32
      %add3A_531 = arith.addi %mul3A_463, %add3A_530 : i32
      %get3A_532 = arith.index_cast %add3A_531 : i32 to index
      %get3A_533 = arith.constant 0 : index
      %get3A_534 = tpu.vector_load %arg10[%get3A_532, %get3A_533] {strides = array<i32>} : memref<400x16xf32, #tpu.memory_space<vmem>>, vector<1x16xf32>,
      %get3A_535 = vector.shape_cast %get3A_534 : vector<1x16xf32> to vector<16xf32>
      %add3A_536 = arith.constant 4 : i32
      %add3A_537 = arith.addi %mul3A_463, %add3A_536 : i32
      %get3A_538 = arith.index_cast %add3A_537 : i32 to index
      %get3A_539 = arith.constant 0 : index
      %get3A_540 = tpu.vector_load %arg11[%get3A_538, %get3A_539] {strides = array<i32>} : memref<400x16xf32, #tpu.memory_space<vmem>>, vector<1x16xf32>,
      %get3A_541 = vector.shape_cast %get3A_540 : vector<1x16xf32> to vector<16xf32>
      %sub3A_542 = arith.constant 1.000000e+00 : f32
      %sub3A_543 = vector.broadcast %sub3A_542 : f32 to vector<16xf32>
      %sub3A_544 = arith.subf %sub3A_543, %get3A_541 : vector<16xf32>
      %mul3A_545 = arith.mulf %get3A_535, %sub3A_544 : vector<16xf32>
      %add3A_546 = arith.addf %add3A_529, %mul3A_545 : vector<16xf32>
      %add3A_547 = arith.constant 5 : i32
      %add3A_548 = arith.addi %mul3A_463, %add3A_547 : i32
      %get3A_549 = arith.index_cast %add3A_548 : i32 to index
      %get3A_550 = arith.constant 0 : index
      %get3A_551 = tpu.vector_load %arg10[%get3A_549, %get3A_550] {strides = array<i32>} : memref<400x16xf32, #tpu.memory_space<vmem>>, vector<1x16xf32>,
      %get3A_552 = vector.shape_cast %get3A_551 : vector<1x16xf32> to vector<16xf32>
      %add3A_553 = arith.constant 5 : i32
      %add3A_554 = arith.addi %mul3A_463, %add3A_553 : i32
      %get3A_555 = arith.index_cast %add3A_554 : i32 to index
      %get3A_556 = arith.constant 0 : index
      %get3A_557 = tpu.vector_load %arg11[%get3A_555, %get3A_556] {strides = array<i32>} : memref<400x16xf32, #tpu.memory_space<vmem>>, vector<1x16xf32>,
      %get3A_558 = vector.shape_cast %get3A_557 : vector<1x16xf32> to vector<16xf32>
      %sub3A_559 = arith.constant 1.000000e+00 : f32
      %sub3A_560 = vector.broadcast %sub3A_559 : f32 to vector<16xf32>
      %sub3A_561 = arith.subf %sub3A_560, %get3A_558 : vector<16xf32>
      %mul3A_562 = arith.mulf %get3A_552, %sub3A_561 : vector<16xf32>
      %add3A_563 = arith.addf %add3A_546, %mul3A_562 : vector<16xf32>
      %add3A_564 = arith.constant 6 : i32
      %add3A_565 = arith.addi %mul3A_463, %add3A_564 : i32
      %get3A_566 = arith.index_cast %add3A_565 : i32 to index
      %get3A_567 = arith.constant 0 : index
      %get3A_568 = tpu.vector_load %arg10[%get3A_566, %get3A_567] {strides = array<i32>} : memref<400x16xf32, #tpu.memory_space<vmem>>, vector<1x16xf32>,
      %get3A_569 = vector.shape_cast %get3A_568 : vector<1x16xf32> to vector<16xf32>
      %add3A_570 = arith.constant 6 : i32
      %add3A_571 = arith.addi %mul3A_463, %add3A_570 : i32
      %get3A_572 = arith.index_cast %add3A_571 : i32 to index
      %get3A_573 = arith.constant 0 : index
      %get3A_574 = tpu.vector_load %arg11[%get3A_572, %get3A_573] {strides = array<i32>} : memref<400x16xf32, #tpu.memory_space<vmem>>, vector<1x16xf32>,
      %get3A_575 = vector.shape_cast %get3A_574 : vector<1x16xf32> to vector<16xf32>
      %sub3A_576 = arith.constant 1.000000e+00 : f32
      %sub3A_577 = vector.broadcast %sub3A_576 : f32 to vector<16xf32>
      %sub3A_578 = arith.subf %sub3A_577, %get3A_575 : vector<16xf32>
      %mul3A_579 = arith.mulf %get3A_569, %sub3A_578 : vector<16xf32>
      %add3A_580 = arith.addf %add3A_563, %mul3A_579 : vector<16xf32>
      %add3A_581 = arith.constant 7 : i32
      %add3A_582 = arith.addi %mul3A_463, %add3A_581 : i32
      %get3A_583 = arith.index_cast %add3A_582 : i32 to index
      %get3A_584 = arith.constant 0 : index
      %get3A_585 = tpu.vector_load %arg10[%get3A_583, %get3A_584] {strides = array<i32>} : memref<400x16xf32, #tpu.memory_space<vmem>>, vector<1x16xf32>,
      %get3A_586 = vector.shape_cast %get3A_585 : vector<1x16xf32> to vector<16xf32>
      %add3A_587 = arith.constant 7 : i32
      %add3A_588 = arith.addi %mul3A_463, %add3A_587 : i32
      %get3A_589 = arith.index_cast %add3A_588 : i32 to index
      %get3A_590 = arith.constant 0 : index
      %get3A_591 = tpu.vector_load %arg11[%get3A_589, %get3A_590] {strides = array<i32>} : memref<400x16xf32, #tpu.memory_space<vmem>>, vector<1x16xf32>,
      %get3A_592 = vector.shape_cast %get3A_591 : vector<1x16xf32> to vector<16xf32>
      %sub3A_593 = arith.constant 1.000000e+00 : f32
      %sub3A_594 = vector.broadcast %sub3A_593 : f32 to vector<16xf32>
      %sub3A_595 = arith.subf %sub3A_594, %get3A_592 : vector<16xf32>
      %mul3A_596 = arith.mulf %get3A_586, %sub3A_595 : vector<16xf32>
      %add3A_597 = arith.addf %add3A_580, %mul3A_596 : vector<16xf32>
      scf.yield %add3A_597 : vector<16xf32>
    }
    %scan3A_430 = arith.constant 50 : i32
    %dma_wait3A_431 = arith.constant 0 : i32
    %dma_wait3A_432 = arith.constant 0 : i32
    %dma_wait3A_433 = tpu.memref_slice %arg2[%dma_wait3A_431, %dma_wait3A_432] : memref<100000x16xf32, #tpu.memory_space<hbm>> -> memref<400x16xf32, #tpu.memory_space<hbm>>
    %dma_wait3A_434 = arith.constant 0 : i32
    %dma_wait3A_435 = arith.constant 0 : i32
    %dma_wait3A_436 = tpu.memref_slice %arg2[%dma_wait3A_434, %dma_wait3A_435] : memref<100000x16xf32, #tpu.memory_space<hbm>> -> memref<400x16xf32, #tpu.memory_space<hbm>>
    tpu.wait_dma2 semaphore(%arg18 : memref<!tpu.dma_semaphore, #tpu.memory_space<semaphore_mem>>) src(%dma_wait3A_436 : memref<400x16xf32, #tpu.memory_space<hbm>>) dst(%arg12 : memref<400x16xf32, #tpu.memory_space<vmem>>)
    %dma_wait3A_437 = arith.constant 0 : i32
    %dma_wait3A_438 = arith.constant 0 : i32
    %dma_wait3A_439 = tpu.memref_slice %arg2[%dma_wait3A_437, %dma_wait3A_438] : memref<100000x16xf32, #tpu.memory_space<hbm>> -> memref<400x16xf32, #tpu.memory_space<hbm>>
    %dma_wait3A_440 = arith.constant 0 : i32
    %dma_wait3A_441 = arith.constant 0 : i32
    %dma_wait3A_442 = tpu.memref_slice %arg2[%dma_wait3A_440, %dma_wait3A_441] : memref<100000x16xf32, #tpu.memory_space<hbm>> -> memref<400x16xf32, #tpu.memory_space<hbm>>
    tpu.wait_dma2 semaphore(%arg18 : memref<!tpu.dma_semaphore, #tpu.memory_space<semaphore_mem>>) src(%dma_wait3A_442 : memref<400x16xf32, #tpu.memory_space<hbm>>) dst(%arg13 : memref<400x16xf32, #tpu.memory_space<vmem>>)
    %scan3A_443 = arith.constant 0 : i32
    %scan3A_444 = arith.constant 50 : i32
    %scan3A_445 = arith.addi %scan3A_443, %scan3A_444 : i32
    %scan3A_446 = arith.constant 1 : i32
    %scan3A_447 = scf.for %scan3A_460 = %scan3A_443 to %scan3A_445 step %scan3A_446 iter_args(%scan3A_461 = %scan3A_429) -> (vector<16xf32>)  : i32 {
      %mul3A_462 = arith.constant 8 : i32
      %mul3A_463 = arith.muli %scan3A_460, %mul3A_462 : i32
      %add3A_464 = arith.constant 0 : i32
      %add3A_465 = arith.addi %mul3A_463, %add3A_464 : i32
      %get3A = arith.index_cast %add3A_465 : i32 to index
      %get3A_466 = arith.constant 0 : index
      %get3A_467 = tpu.vector_load %arg12[%get3A, %get3A_466] {strides = array<i32>} : memref<400x16xf32, #tpu.memory_space<vmem>>, vector<1x16xf32>,
      %get3A_468 = vector.shape_cast %get3A_467 : vector<1x16xf32> to vector<16xf32>
      %add3A_469 = arith.constant 0 : i32
      %add3A_470 = arith.addi %mul3A_463, %add3A_469 : i32
      %get3A_471 = arith.index_cast %add3A_470 : i32 to index
      %get3A_472 = arith.constant 0 : index
      %get3A_473 = tpu.vector_load %arg13[%get3A_471, %get3A_472] {strides = array<i32>} : memref<400x16xf32, #tpu.memory_space<vmem>>, vector<1x16xf32>,
      %get3A_474 = vector.shape_cast %get3A_473 : vector<1x16xf32> to vector<16xf32>
      %sub3A = arith.constant 1.000000e+00 : f32
      %sub3A_475 = vector.broadcast %sub3A : f32 to vector<16xf32>
      %sub3A_476 = arith.subf %sub3A_475, %get3A_474 : vector<16xf32>
      %mul3A_477 = arith.mulf %get3A_468, %sub3A_476 : vector<16xf32>
      %add3A_478 = arith.addf %scan3A_461, %mul3A_477 : vector<16xf32>
      %add3A_479 = arith.constant 1 : i32
      %add3A_480 = arith.addi %mul3A_463, %add3A_479 : i32
      %get3A_481 = arith.index_cast %add3A_480 : i32 to index
      %get3A_482 = arith.constant 0 : index
      %get3A_483 = tpu.vector_load %arg12[%get3A_481, %get3A_482] {strides = array<i32>} : memref<400x16xf32, #tpu.memory_space<vmem>>, vector<1x16xf32>,
      %get3A_484 = vector.shape_cast %get3A_483 : vector<1x16xf32> to vector<16xf32>
      %add3A_485 = arith.constant 1 : i32
      %add3A_486 = arith.addi %mul3A_463, %add3A_485 : i32
      %get3A_487 = arith.index_cast %add3A_486 : i32 to index
      %get3A_488 = arith.constant 0 : index
      %get3A_489 = tpu.vector_load %arg13[%get3A_487, %get3A_488] {strides = array<i32>} : memref<400x16xf32, #tpu.memory_space<vmem>>, vector<1x16xf32>,
      %get3A_490 = vector.shape_cast %get3A_489 : vector<1x16xf32> to vector<16xf32>
      %sub3A_491 = arith.constant 1.000000e+00 : f32
      %sub3A_492 = vector.broadcast %sub3A_491 : f32 to vector<16xf32>
      %sub3A_493 = arith.subf %sub3A_492, %get3A_490 : vector<16xf32>
      %mul3A_494 = arith.mulf %get3A_484, %sub3A_493 : vector<16xf32>
      %add3A_495 = arith.addf %add3A_478, %mul3A_494 : vector<16xf32>
      %add3A_496 = arith.constant 2 : i32
      %add3A_497 = arith.addi %mul3A_463, %add3A_496 : i32
      %get3A_498 = arith.index_cast %add3A_497 : i32 to index
      %get3A_499 = arith.constant 0 : index
      %get3A_500 = tpu.vector_load %arg12[%get3A_498, %get3A_499] {strides = array<i32>} : memref<400x16xf32, #tpu.memory_space<vmem>>, vector<1x16xf32>,
      %get3A_501 = vector.shape_cast %get3A_500 : vector<1x16xf32> to vector<16xf32>
      %add3A_502 = arith.constant 2 : i32
      %add3A_503 = arith.addi %mul3A_463, %add3A_502 : i32
      %get3A_504 = arith.index_cast %add3A_503 : i32 to index
      %get3A_505 = arith.constant 0 : index
      %get3A_506 = tpu.vector_load %arg13[%get3A_504, %get3A_505] {strides = array<i32>} : memref<400x16xf32, #tpu.memory_space<vmem>>, vector<1x16xf32>,
      %get3A_507 = vector.shape_cast %get3A_506 : vector<1x16xf32> to vector<16xf32>
      %sub3A_508 = arith.constant 1.000000e+00 : f32
      %sub3A_509 = vector.broadcast %sub3A_508 : f32 to vector<16xf32>
      %sub3A_510 = arith.subf %sub3A_509, %get3A_507 : vector<16xf32>
      %mul3A_511 = arith.mulf %get3A_501, %sub3A_510 : vector<16xf32>
      %add3A_512 = arith.addf %add3A_495, %mul3A_511 : vector<16xf32>
      %add3A_513 = arith.constant 3 : i32
      %add3A_514 = arith.addi %mul3A_463, %add3A_513 : i32
      %get3A_515 = arith.index_cast %add3A_514 : i32 to index
      %get3A_516 = arith.constant 0 : index
      %get3A_517 = tpu.vector_load %arg12[%get3A_515, %get3A_516] {strides = array<i32>} : memref<400x16xf32, #tpu.memory_space<vmem>>, vector<1x16xf32>,
      %get3A_518 = vector.shape_cast %get3A_517 : vector<1x16xf32> to vector<16xf32>
      %add3A_519 = arith.constant 3 : i32
      %add3A_520 = arith.addi %mul3A_463, %add3A_519 : i32
      %get3A_521 = arith.index_cast %add3A_520 : i32 to index
      %get3A_522 = arith.constant 0 : index
      %get3A_523 = tpu.vector_load %arg13[%get3A_521, %get3A_522] {strides = array<i32>} : memref<400x16xf32, #tpu.memory_space<vmem>>, vector<1x16xf32>,
      %get3A_524 = vector.shape_cast %get3A_523 : vector<1x16xf32> to vector<16xf32>
      %sub3A_525 = arith.constant 1.000000e+00 : f32
      %sub3A_526 = vector.broadcast %sub3A_525 : f32 to vector<16xf32>
      %sub3A_527 = arith.subf %sub3A_526, %get3A_524 : vector<16xf32>
      %mul3A_528 = arith.mulf %get3A_518, %sub3A_527 : vector<16xf32>
      %add3A_529 = arith.addf %add3A_512, %mul3A_528 : vector<16xf32>
      %add3A_530 = arith.constant 4 : i32
      %add3A_531 = arith.addi %mul3A_463, %add3A_530 : i32
      %get3A_532 = arith.index_cast %add3A_531 : i32 to index
      %get3A_533 = arith.constant 0 : index
      %get3A_534 = tpu.vector_load %arg12[%get3A_532, %get3A_533] {strides = array<i32>} : memref<400x16xf32, #tpu.memory_space<vmem>>, vector<1x16xf32>,
      %get3A_535 = vector.shape_cast %get3A_534 : vector<1x16xf32> to vector<16xf32>
      %add3A_536 = arith.constant 4 : i32
      %add3A_537 = arith.addi %mul3A_463, %add3A_536 : i32
      %get3A_538 = arith.index_cast %add3A_537 : i32 to index
      %get3A_539 = arith.constant 0 : index
      %get3A_540 = tpu.vector_load %arg13[%get3A_538, %get3A_539] {strides = array<i32>} : memref<400x16xf32, #tpu.memory_space<vmem>>, vector<1x16xf32>,
      %get3A_541 = vector.shape_cast %get3A_540 : vector<1x16xf32> to vector<16xf32>
      %sub3A_542 = arith.constant 1.000000e+00 : f32
      %sub3A_543 = vector.broadcast %sub3A_542 : f32 to vector<16xf32>
      %sub3A_544 = arith.subf %sub3A_543, %get3A_541 : vector<16xf32>
      %mul3A_545 = arith.mulf %get3A_535, %sub3A_544 : vector<16xf32>
      %add3A_546 = arith.addf %add3A_529, %mul3A_545 : vector<16xf32>
      %add3A_547 = arith.constant 5 : i32
      %add3A_548 = arith.addi %mul3A_463, %add3A_547 : i32
      %get3A_549 = arith.index_cast %add3A_548 : i32 to index
      %get3A_550 = arith.constant 0 : index
      %get3A_551 = tpu.vector_load %arg12[%get3A_549, %get3A_550] {strides = array<i32>} : memref<400x16xf32, #tpu.memory_space<vmem>>, vector<1x16xf32>,
      %get3A_552 = vector.shape_cast %get3A_551 : vector<1x16xf32> to vector<16xf32>
      %add3A_553 = arith.constant 5 : i32
      %add3A_554 = arith.addi %mul3A_463, %add3A_553 : i32
      %get3A_555 = arith.index_cast %add3A_554 : i32 to index
      %get3A_556 = arith.constant 0 : index
      %get3A_557 = tpu.vector_load %arg13[%get3A_555, %get3A_556] {strides = array<i32>} : memref<400x16xf32, #tpu.memory_space<vmem>>, vector<1x16xf32>,
      %get3A_558 = vector.shape_cast %get3A_557 : vector<1x16xf32> to vector<16xf32>
      %sub3A_559 = arith.constant 1.000000e+00 : f32
      %sub3A_560 = vector.broadcast %sub3A_559 : f32 to vector<16xf32>
      %sub3A_561 = arith.subf %sub3A_560, %get3A_558 : vector<16xf32>
      %mul3A_562 = arith.mulf %get3A_552, %sub3A_561 : vector<16xf32>
      %add3A_563 = arith.addf %add3A_546, %mul3A_562 : vector<16xf32>
      %add3A_564 = arith.constant 6 : i32
      %add3A_565 = arith.addi %mul3A_463, %add3A_564 : i32
      %get3A_566 = arith.index_cast %add3A_565 : i32 to index
      %get3A_567 = arith.constant 0 : index
      %get3A_568 = tpu.vector_load %arg12[%get3A_566, %get3A_567] {strides = array<i32>} : memref<400x16xf32, #tpu.memory_space<vmem>>, vector<1x16xf32>,
      %get3A_569 = vector.shape_cast %get3A_568 : vector<1x16xf32> to vector<16xf32>
      %add3A_570 = arith.constant 6 : i32
      %add3A_571 = arith.addi %mul3A_463, %add3A_570 : i32
      %get3A_572 = arith.index_cast %add3A_571 : i32 to index
      %get3A_573 = arith.constant 0 : index
      %get3A_574 = tpu.vector_load %arg13[%get3A_572, %get3A_573] {strides = array<i32>} : memref<400x16xf32, #tpu.memory_space<vmem>>, vector<1x16xf32>,
      %get3A_575 = vector.shape_cast %get3A_574 : vector<1x16xf32> to vector<16xf32>
      %sub3A_576 = arith.constant 1.000000e+00 : f32
      %sub3A_577 = vector.broadcast %sub3A_576 : f32 to vector<16xf32>
      %sub3A_578 = arith.subf %sub3A_577, %get3A_575 : vector<16xf32>
      %mul3A_579 = arith.mulf %get3A_569, %sub3A_578 : vector<16xf32>
      %add3A_580 = arith.addf %add3A_563, %mul3A_579 : vector<16xf32>
      %add3A_581 = arith.constant 7 : i32
      %add3A_582 = arith.addi %mul3A_463, %add3A_581 : i32
      %get3A_583 = arith.index_cast %add3A_582 : i32 to index
      %get3A_584 = arith.constant 0 : index
      %get3A_585 = tpu.vector_load %arg12[%get3A_583, %get3A_584] {strides = array<i32>} : memref<400x16xf32, #tpu.memory_space<vmem>>, vector<1x16xf32>,
      %get3A_586 = vector.shape_cast %get3A_585 : vector<1x16xf32> to vector<16xf32>
      %add3A_587 = arith.constant 7 : i32
      %add3A_588 = arith.addi %mul3A_463, %add3A_587 : i32
      %get3A_589 = arith.index_cast %add3A_588 : i32 to index
      %get3A_590 = arith.constant 0 : index
      %get3A_591 = tpu.vector_load %arg13[%get3A_589, %get3A_590] {strides = array<i32>} : memref<400x16xf32, #tpu.memory_space<vmem>>, vector<1x16xf32>,
      %get3A_592 = vector.shape_cast %get3A_591 : vector<1x16xf32> to vector<16xf32>
      %sub3A_593 = arith.constant 1.000000e+00 : f32
      %sub3A_594 = vector.broadcast %sub3A_593 : f32 to vector<16xf32>
      %sub3A_595 = arith.subf %sub3A_594, %get3A_592 : vector<16xf32>
      %mul3A_596 = arith.mulf %get3A_586, %sub3A_595 : vector<16xf32>
      %add3A_597 = arith.addf %add3A_580, %mul3A_596 : vector<16xf32>
      scf.yield %add3A_597 : vector<16xf32>
    }
    %scan3A_448 = arith.constant 50 : i32
    %swap3A = arith.constant 0 : index
    %swap3A_449 = tpu.vector_load %arg15[%swap3A] {strides = array<i32>} : memref<16xf32, #tpu.memory_space<vmem>>, vector<16xf32>,
    %swap3A_450 = vector.shape_cast %swap3A_449 : vector<16xf32> to vector<16xf32>
    %swap3A_451 = vector.shape_cast %scan3A_447 : vector<16xf32> to vector<16xf32>
    tpu.vector_store %arg15[%swap3A], %swap3A_451 {strides = array<i32>} : memref<16xf32, #tpu.memory_space<vmem>>, vector<16xf32>,
    "tpu.region"() ({
      %run_scoped3A = tpu.sem_alloc : memref<!tpu.dma_semaphore, #tpu.memory_space<semaphore_mem>>
      %dma_start3A_460 = arith.constant 0 : i32
      %dma_start3A_461 = tpu.memref_slice %arg5[%add3A, %dma_start3A_460] : memref<32x16xf32, #tpu.memory_space<hbm>> -> memref<1x16xf32, #tpu.memory_space<hbm>>
      %dma_start3A_462 = tpu.memref_squeeze %dma_start3A_461 : memref<1x16xf32, #tpu.memory_space<hbm>> -> memref<16xf32, #tpu.memory_space<hbm>>
      %dma_start3A_463 = arith.constant 0 : i32
      %dma_start3A_464 = tpu.memref_slice %arg5[%add3A, %dma_start3A_463] : memref<32x16xf32, #tpu.memory_space<hbm>> -> memref<1x16xf32, #tpu.memory_space<hbm>>
      %dma_start3A_465 = tpu.memref_squeeze %dma_start3A_464 : memref<1x16xf32, #tpu.memory_space<hbm>> -> memref<16xf32, #tpu.memory_space<hbm>>
      tpu.enqueue_dma source(%arg15 : memref<16xf32, #tpu.memory_space<vmem>>) target(%dma_start3A_465 : memref<16xf32, #tpu.memory_space<hbm>>) target_semaphore(%run_scoped3A : memref<!tpu.dma_semaphore, #tpu.memory_space<semaphore_mem>>)
      %dma_wait3A_466 = arith.constant 0 : i32
      %dma_wait3A_467 = tpu.memref_slice %arg5[%add3A, %dma_wait3A_466] : memref<32x16xf32, #tpu.memory_space<hbm>> -> memref<1x16xf32, #tpu.memory_space<hbm>>
      %dma_wait3A_468 = tpu.memref_squeeze %dma_wait3A_467 : memref<1x16xf32, #tpu.memory_space<hbm>> -> memref<16xf32, #tpu.memory_space<hbm>>
      %dma_wait3A_469 = arith.constant 0 : i32
      %dma_wait3A_470 = tpu.memref_slice %arg5[%add3A, %dma_wait3A_469] : memref<32x16xf32, #tpu.memory_space<hbm>> -> memref<1x16xf32, #tpu.memory_space<hbm>>
      %dma_wait3A_471 = tpu.memref_squeeze %dma_wait3A_470 : memref<1x16xf32, #tpu.memory_space<hbm>> -> memref<16xf32, #tpu.memory_space<hbm>>
      tpu.wait_dma2 semaphore(%run_scoped3A : memref<!tpu.dma_semaphore, #tpu.memory_space<semaphore_mem>>) src(%arg15 : memref<16xf32, #tpu.memory_space<vmem>>) dst(%dma_wait3A_471 : memref<16xf32, #tpu.memory_space<hbm>>)
      tpu.yield
    }) : () -> ()
    %swap3A_452 = arith.constant 0 : index
    %swap3A_453 = tpu.vector_load %arg15[%swap3A_452] {strides = array<i32>} : memref<16xf32, #tpu.memory_space<vmem>>, vector<16xf32>,
    %swap3A_454 = vector.shape_cast %swap3A_453 : vector<16xf32> to vector<16xf32>
    %swap3A_455 = vector.shape_cast %scan3A_423 : vector<16xf32> to vector<16xf32>
    tpu.vector_store %arg15[%swap3A_452], %swap3A_455 {strides = array<i32>} : memref<16xf32, #tpu.memory_space<vmem>>, vector<16xf32>,
    "tpu.region"() ({
      %run_scoped3A = tpu.sem_alloc : memref<!tpu.dma_semaphore, #tpu.memory_space<semaphore_mem>>
      %dma_start3A_460 = arith.constant 0 : i32
      %dma_start3A_461 = tpu.memref_slice %arg6[%add3A, %dma_start3A_460] : memref<32x16xf32, #tpu.memory_space<hbm>> -> memref<1x16xf32, #tpu.memory_space<hbm>>
      %dma_start3A_462 = tpu.memref_squeeze %dma_start3A_461 : memref<1x16xf32, #tpu.memory_space<hbm>> -> memref<16xf32, #tpu.memory_space<hbm>>
      %dma_start3A_463 = arith.constant 0 : i32
      %dma_start3A_464 = tpu.memref_slice %arg6[%add3A, %dma_start3A_463] : memref<32x16xf32, #tpu.memory_space<hbm>> -> memref<1x16xf32, #tpu.memory_space<hbm>>
      %dma_start3A_465 = tpu.memref_squeeze %dma_start3A_464 : memref<1x16xf32, #tpu.memory_space<hbm>> -> memref<16xf32, #tpu.memory_space<hbm>>
      tpu.enqueue_dma source(%arg15 : memref<16xf32, #tpu.memory_space<vmem>>) target(%dma_start3A_465 : memref<16xf32, #tpu.memory_space<hbm>>) target_semaphore(%run_scoped3A : memref<!tpu.dma_semaphore, #tpu.memory_space<semaphore_mem>>)
      %dma_wait3A_466 = arith.constant 0 : i32
      %dma_wait3A_467 = tpu.memref_slice %arg6[%add3A, %dma_wait3A_466] : memref<32x16xf32, #tpu.memory_space<hbm>> -> memref<1x16xf32, #tpu.memory_space<hbm>>
      %dma_wait3A_468 = tpu.memref_squeeze %dma_wait3A_467 : memref<1x16xf32, #tpu.memory_space<hbm>> -> memref<16xf32, #tpu.memory_space<hbm>>
      %dma_wait3A_469 = arith.constant 0 : i32
      %dma_wait3A_470 = tpu.memref_slice %arg6[%add3A, %dma_wait3A_469] : memref<32x16xf32, #tpu.memory_space<hbm>> -> memref<1x16xf32, #tpu.memory_space<hbm>>
      %dma_wait3A_471 = tpu.memref_squeeze %dma_wait3A_470 : memref<1x16xf32, #tpu.memory_space<hbm>> -> memref<16xf32, #tpu.memory_space<hbm>>
      tpu.wait_dma2 semaphore(%run_scoped3A : memref<!tpu.dma_semaphore, #tpu.memory_space<semaphore_mem>>) src(%arg15 : memref<16xf32, #tpu.memory_space<vmem>>) dst(%dma_wait3A_471 : memref<16xf32, #tpu.memory_space<hbm>>)
      tpu.yield
    }) : () -> ()
    %swap3A_456 = arith.constant 0 : index
    %swap3A_457 = tpu.vector_load %arg15[%swap3A_456] {strides = array<i32>} : memref<16xf32, #tpu.memory_space<vmem>>, vector<16xf32>,
    %swap3A_458 = vector.shape_cast %swap3A_457 : vector<16xf32> to vector<16xf32>
    %swap3A_459 = vector.shape_cast %scan3A_210 : vector<16xf32> to vector<16xf32>
    tpu.vector_store %arg15[%swap3A_456], %swap3A_459 {strides = array<i32>} : memref<16xf32, #tpu.memory_space<vmem>>, vector<16xf32>,
    "tpu.region"() ({
      %run_scoped3A = tpu.sem_alloc : memref<!tpu.dma_semaphore, #tpu.memory_space<semaphore_mem>>
      %dma_start3A_460 = arith.constant 0 : i32
      %dma_start3A_461 = tpu.memref_slice %arg7[%add3A, %dma_start3A_460] : memref<32x16xf32, #tpu.memory_space<hbm>> -> memref<1x16xf32, #tpu.memory_space<hbm>>
      %dma_start3A_462 = tpu.memref_squeeze %dma_start3A_461 : memref<1x16xf32, #tpu.memory_space<hbm>> -> memref<16xf32, #tpu.memory_space<hbm>>
      %dma_start3A_463 = arith.constant 0 : i32
      %dma_start3A_464 = tpu.memref_slice %arg7[%add3A, %dma_start3A_463] : memref<32x16xf32, #tpu.memory_space<hbm>> -> memref<1x16xf32, #tpu.memory_space<hbm>>
      %dma_start3A_465 = tpu.memref_squeeze %dma_start3A_464 : memref<1x16xf32, #tpu.memory_space<hbm>> -> memref<16xf32, #tpu.memory_space<hbm>>
      tpu.enqueue_dma source(%arg15 : memref<16xf32, #tpu.memory_space<vmem>>) target(%dma_start3A_465 : memref<16xf32, #tpu.memory_space<hbm>>) target_semaphore(%run_scoped3A : memref<!tpu.dma_semaphore, #tpu.memory_space<semaphore_mem>>)
      %dma_wait3A_466 = arith.constant 0 : i32
      %dma_wait3A_467 = tpu.memref_slice %arg7[%add3A, %dma_wait3A_466] : memref<32x16xf32, #tpu.memory_space<hbm>> -> memref<1x16xf32, #tpu.memory_space<hbm>>
      %dma_wait3A_468 = tpu.memref_squeeze %dma_wait3A_467 : memref<1x16xf32, #tpu.memory_space<hbm>> -> memref<16xf32, #tpu.memory_space<hbm>>
      %dma_wait3A_469 = arith.constant 0 : i32
      %dma_wait3A_470 = tpu.memref_slice %arg7[%add3A, %dma_wait3A_469] : memref<32x16xf32, #tpu.memory_space<hbm>> -> memref<1x16xf32, #tpu.memory_space<hbm>>
      %dma_wait3A_471 = tpu.memref_squeeze %dma_wait3A_470 : memref<1x16xf32, #tpu.memory_space<hbm>> -> memref<16xf32, #tpu.memory_space<hbm>>
      tpu.wait_dma2 semaphore(%run_scoped3A : memref<!tpu.dma_semaphore, #tpu.memory_space<semaphore_mem>>) src(%arg15 : memref<16xf32, #tpu.memory_space<vmem>>) dst(%dma_wait3A_471 : memref<16xf32, #tpu.memory_space<hbm>>)
      tpu.yield
    }) : () -> ()
    return
  }
}

module attributes {stable_mosaic.version = 14 : i64} {
  func.func @_finish_body(%arg0: memref<32x16xf32, #tpu.memory_space<vmem>>, %arg1: memref<32x16xf32, #tpu.memory_space<vmem>>, %arg2: memref<32x16xf32, #tpu.memory_space<vmem>>, %arg3: memref<1x1xf32, #tpu.memory_space<vmem>>, %arg4: memref<1x1xf32, #tpu.memory_space<vmem>>, %arg5: memref<1x1xf32, #tpu.memory_space<vmem>>) attributes {dimension_semantics = [], scalar_prefetch = 0 : i64, scratch_operands = 0 : i64, tpu.core_type = #tpu.core_type<tc>} {
    %get3A = arith.constant 0 : index
    %get3A_0 = arith.constant 0 : index
    %get3A_1 = vector.load %arg1[%get3A, %get3A_0] : memref<32x16xf32, #tpu.memory_space<vmem>>, vector<32x16xf32>
    %reduce_sum3A = vector.shape_cast %get3A_1 : vector<32x16xf32> to vector<1x32x16xf32>
    %reduce_sum3A_2 = arith.constant dense<0.000000e+00> : vector<1xf32>
    %reduce_sum3A_3 = vector.multi_reduction <add>, %reduce_sum3A, %reduce_sum3A_2 [1, 2] : vector<1x32x16xf32> to vector<1xf32>
    %reduce_sum3A_4 = vector.shape_cast %reduce_sum3A_3 : vector<1xf32> to vector<1x1x1xf32>
    %reduce_sum3A_5 = vector.extract %reduce_sum3A_4[0, 0, 0] : f32 from vector<1x1x1xf32>
    %get3A_6 = arith.constant 0 : index
    %get3A_7 = arith.constant 0 : index
    %get3A_8 = vector.load %arg0[%get3A_6, %get3A_7] : memref<32x16xf32, #tpu.memory_space<vmem>>, vector<32x16xf32>
    %reduce_sum3A_9 = vector.shape_cast %get3A_8 : vector<32x16xf32> to vector<1x32x16xf32>
    %reduce_sum3A_10 = arith.constant dense<0.000000e+00> : vector<1xf32>
    %reduce_sum3A_11 = vector.multi_reduction <add>, %reduce_sum3A_9, %reduce_sum3A_10 [1, 2] : vector<1x32x16xf32> to vector<1xf32>
    %reduce_sum3A_12 = vector.shape_cast %reduce_sum3A_11 : vector<1xf32> to vector<1x1x1xf32>
    %reduce_sum3A_13 = vector.extract %reduce_sum3A_12[0, 0, 0] : f32 from vector<1x1x1xf32>
    %div3A = arith.divf %reduce_sum3A_13, %reduce_sum3A_5 : f32
    %get3A_14 = arith.constant 0 : index
    %get3A_15 = arith.constant 0 : index
    %get3A_16 = vector.load %arg2[%get3A_14, %get3A_15] : memref<32x16xf32, #tpu.memory_space<vmem>>, vector<32x16xf32>
    %reduce_sum3A_17 = arith.constant dense<0.000000e+00> : vector<16xf32>
    %reduce_sum3A_18 = vector.multi_reduction <add>, %get3A_16, %reduce_sum3A_17 [0] : vector<32x16xf32> to vector<16xf32>
    %div3A_19 = arith.constant 1.000000e+05 : f32
    %div3A_20 = arith.constant 1.600000e+01 : f32
    %div3A_21 = arith.divf %div3A_19, %div3A_20 : f32
    %sub3A = vector.broadcast %div3A_21 : f32 to vector<16xf32>
    %sub3A_22 = arith.subf %reduce_sum3A_18, %sub3A : vector<16xf32>
    %square3A = arith.mulf %sub3A_22, %sub3A_22 : vector<16xf32>
    %reduce_sum3A_23 = vector.shape_cast %square3A : vector<16xf32> to vector<1x16xf32>
    %reduce_sum3A_24 = arith.constant dense<0.000000e+00> : vector<1xf32>
    %reduce_sum3A_25 = vector.multi_reduction <add>, %reduce_sum3A_23, %reduce_sum3A_24 [1] : vector<1x16xf32> to vector<1xf32>
    %reduce_sum3A_26 = vector.shape_cast %reduce_sum3A_25 : vector<1xf32> to vector<1x1xf32>
    %reduce_sum3A_27 = vector.extract %reduce_sum3A_26[0, 0] : f32 from vector<1x1xf32>
    %add3A = arith.addf %div3A, %reduce_sum3A_27 : f32
    %reshape3A = vector.broadcast %add3A : f32 to vector<1x1xf32>
    %swap3A = arith.constant 0 : index
    %swap3A_28 = arith.constant 0 : index
    %swap3A_29 = vector.load %arg3[%swap3A, %swap3A_28] : memref<1x1xf32, #tpu.memory_space<vmem>>, vector<1x1xf32>
    tpu.vector_store %arg3[%swap3A, %swap3A_28], %reshape3A {strides = array<i32>} : memref<1x1xf32, #tpu.memory_space<vmem>>, vector<1x1xf32>,
    %reshape3A_30 = vector.broadcast %div3A : f32 to vector<1x1xf32>
    %swap3A_31 = arith.constant 0 : index
    %swap3A_32 = arith.constant 0 : index
    %swap3A_33 = vector.load %arg4[%swap3A_31, %swap3A_32] : memref<1x1xf32, #tpu.memory_space<vmem>>, vector<1x1xf32>
    tpu.vector_store %arg4[%swap3A_31, %swap3A_32], %reshape3A_30 {strides = array<i32>} : memref<1x1xf32, #tpu.memory_space<vmem>>, vector<1x1xf32>,
    %reshape3A_34 = vector.broadcast %reduce_sum3A_27 : f32 to vector<1x1xf32>
    %swap3A_35 = arith.constant 0 : index
    %swap3A_36 = arith.constant 0 : index
    %swap3A_37 = vector.load %arg5[%swap3A_35, %swap3A_36] : memref<1x1xf32, #tpu.memory_space<vmem>>, vector<1x1xf32>
    tpu.vector_store %arg5[%swap3A_35, %swap3A_36], %reshape3A_34 {strides = array<i32>} : memref<1x1xf32, #tpu.memory_space<vmem>>, vector<1x1xf32>,
    return
  }
}

</mosaic_0001>

<sc_bundles>
// kernel: kernel.4.cloned.1.call-start
scs
__scs_entry_jumppad:
0x0: {  	(pc) =	sbr.rel $0x88, $3  }
0x1: {  	(tag) =	ssettag $0x0;
	lr =	simm.s32 $0x1  }
0x2: {  	[smem:$0x3F9E] =	sst lr;
	_ =	strace $0xD0000000  }
0x3: {  	_ = 	snop  }
0x4: {  	_ = 	snop  }
0x5: {  	_ = 	snop  }
0x6: {  	_ = 	snop  }
0x7: {  	_ = 	snop  }
__scs_overlays_trampoline_lowered:
0x8: {  	[smem:$0x3FAD] =	sst s0  }
0x9: {  	[smem:$0x3FAE] =	sst s1  }
0xa: {  	[smem:$0x3FAF] =	sst s2  }
0xb: {  	[smem:$0x3FB0] =	sst s3  }
0xc: {  	[smem:$0x3FB1] =	sst s4  }
0xd: {  	[smem:$0x3FB2] =	sst s5  }
0xe: {  	[smem:$0x3FB3] =	sst s6  }
0xf: {  	[smem:$0x3FB4] =	sst s7  }
0x10: {  	[smem:$0x3FB5] =	sst s8  }
0x11: {  	[smem:$0x3FB6] =	sst s9;
	s0 =	simm.s32 @!p0 $0x0  }
0x12: {  	s1 =	sld [smem:$0x3F9C];
	s0 =	simm.s32 @p0 $0x1  }
0x13: {  	[smem:$0x3FB7] =	sst s0;
	s0 =	simm.s32 @!p1 $0x0  }
0x14: {  	s2 =	sld [smem:$0x3F9B];
	s0 =	simm.s32 @p1 $0x1  }
0x15: {  	[smem:$0x3FB8] =	sst s0;
	s0 =	simm.s32 @!p2 $0x0  }
0x16: {  	s3 =	sld [smem:$0x3FDB];
	s0 =	simm.s32 @p2 $0x1  }
0x17: {  	s4 =	simm.s32 $0x1BF5;
	[smem:$0x3FBA] =	sst s0  }
0x18: {  	s0 =	sld [smem:$0x3F9D];
	_ =	swait.ge [sflag:s4], $0x0  }
0x19: {  	s7 =	sld [smem:$0x3F9E]  }
0x1a: {  	s8 =	sadd.s32 $0xFFFFE003, lr  }
0x1b: {  	s9 =	sadd.s32 $0xFFFFFEF7, lr;
	s5 =	simm.s32 $0xFFFFFFFF;
	p2 =	slt.u32 s8, $0xFFFFF086  }
0x1c: {  	p1 =	slt.u32 s9, $0xF7A;
	s5 =	simm.s32 @!p2 $0x0  }
0x1d: {  	s5 =	simm.s32 @p1 $0x1;
	p0 =	seq.s32 s7, s2  }
0x1e: {  	s7 =	smul.u32 @!p0 $0xF7A, s2;
	p2 =	seq.s32 @!p0 s5, $0x0  }
0x1f: {  	s9 =	smul.u32 $0xF7A, s1;
	s8 =	simm.s32 @!p0 $0x1BF5;
	p2 =	por !p2, p0  }
0x20: {  	[sflag:s8] =	ssyncset.s32 @!p0 $0xFFFFF086;
	s6 =	sadd.s32 @!p0 s3, s7;
	s7 =	simm.s32 @!p0 $0x108  }
0x21: {  	s3 =	sadd.s32 s3, s9;
	s6 =	sadd.s32 @!p0 $0x88, s6;
	s7 =	simm.s32 @p2 $0x1082  }
0x22: {  	[simem:s7], [sflag:s8] =	dma.local @!p0 [hbm:s6], $0xF7A  }
0x23: {  	s9 =	sor.u32 $0xD0000000, s2;
	s6 =	simm.s32 $0x108;
	_ =	swait.ge @!p0 [sflag:s8], $0x0  }
0x24: {  	s3 =	sadd.s32 $0x88, s3;
	s6 =	simm.s32 @!p1 $0x1082;
	[sflag:s4] =	ssyncset.s32 $0xFFFFF086  }
0x25: {  	[simem:s6], [sflag:s4] =	dma.local [hbm:s3], $0xF7A  }
0x26: {  	[smem:$0x3F9E] =	sst s1;
	(tag) =	ssettag s2;
	_ =	strace s9  }
0x27: {  	s1 =	sld [smem:$0x3FAE]  }
0x28: {  	s2 =	sld [smem:$0x3FAF]  }
0x29: {  	s4 =	sld [smem:$0x3FB1]  }
0x2a: {  	p0 =	seq.s32 s5, $0x0;
	s5 =	sld [smem:$0x3FB2]  }
0x2b: {  	s6 =	sld [smem:$0x3FB3]  }
0x2c: {  	s7 =	sld [smem:$0x3FB4]  }
0x2d: {  	s3 =	simm.s32 $0x108;
	s8 =	sld [smem:$0x3FB5]  }
0x2e: {  	s3 =	simm.s32 @!p0 $0x1082;
	s9 =	sld [smem:$0x3FB6]  }
0x2f: {  	lr =	sadd.s32 s0, s3;
	s0 =	sld [smem:$0x3FAD]  }
0x30: {  	s3 =	sld [smem:$0x3FB0]  }
0x31: {  	[smem:$0x3FB9] =	sst s10  }
0x32: {  	s10 =	sld [smem:$0x3FB7];
	_ =	sdelay $0x3  }
0x33: {  	p0 =	seq.s32 s10, $0x1;
	s10 =	sld [smem:$0x3FB9];
	_ =	sdelay $0x3  }
0x34: {  	[smem:$0x3FB9] =	sst s10  }
0x35: {  	s10 =	sld [smem:$0x3FB8];
	_ =	sdelay $0x3  }
0x36: {  	p1 =	seq.s32 s10, $0x1;
	s10 =	sld [smem:$0x3FB9];
	_ =	sdelay $0x3  }
0x37: {  	[smem:$0x3FB9] =	sst s10  }
0x38: {  	s10 =	sld [smem:$0x3FBA]  }
0x39: {  	_ = 	snop;
	(pc) =	sbr.ind lr, $3  }
0x3a: {  	_ = 	snop  }
0x3b: {  	_ = 	snop  }
0x3c: {  	p2 =	seq.s32 s10, $0x1;
	s10 =	sld [smem:$0x3FB9]  }
0x3d: {  	_ =	shalt  }
0x3e: {  	_ =	shalt  }
0x3f: {  	_ =	shalt  }
0x40: {  	_ =	shalt  }
0x41: {  	_ =	shalt  }
0x42: {  	_ =	shalt  }
0x43: {  	_ =	shalt  }
0x44: {  	_ =	shalt  }
0x45: {  	_ =	shalt  }
0x46: {  	_ =	shalt  }
0x47: {  	_ =	shalt  }
0x48: {  	_ =	shalt  }
0x49: {  	_ =	shalt  }
0x4a: {  	_ =	shalt  }
0x4b: {  	_ =	shalt  }
0x4c: {  	_ =	shalt  }
0x4d: {  	_ =	shalt  }
0x4e: {  	_ =	shalt  }
0x4f: {  	_ =	shalt  }
0x50: {  	_ =	shalt  }
0x51: {  	_ =	shalt  }
0x52: {  	_ =	shalt  }
0x53: {  	_ =	shalt  }
0x54: {  	_ =	shalt  }
0x55: {  	_ =	shalt  }
0x56: {  	_ =	shalt  }
0x57: {  	_ =	shalt  }
0x58: {  	_ =	shalt  }
0x59: {  	_ =	shalt  }
0x5a: {  	_ =	shalt  }
0x5b: {  	_ =	shalt  }
0x5c: {  	_ =	shalt  }
0x5d: {  	_ =	shalt  }
0x5e: {  	_ =	shalt  }
0x5f: {  	_ =	shalt  }
0x60: {  	_ =	shalt  }
0x61: {  	_ =	shalt  }
0x62: {  	_ =	shalt  }
0x63: {  	_ =	shalt  }
0x64: {  	_ =	shalt  }
0x65: {  	_ =	shalt  }
0x66: {  	_ =	shalt  }
0x67: {  	_ =	shalt  }
0x68: {  	_ =	shalt  }
0x69: {  	_ =	shalt  }
0x6a: {  	_ =	shalt  }
0x6b: {  	_ =	shalt  }
0x6c: {  	_ =	shalt  }
0x6d: {  	_ =	shalt  }
0x6e: {  	_ =	shalt  }
0x6f: {  	_ =	shalt  }
0x70: {  	_ =	shalt  }
0x71: {  	_ =	shalt  }
0x72: {  	_ =	shalt  }
0x73: {  	_ =	shalt  }
0x74: {  	_ =	shalt  }
0x75: {  	_ =	shalt  }
0x76: {  	_ =	shalt  }
0x77: {  	_ =	shalt  }
0x78: {  	_ =	shalt  }
0x79: {  	_ =	shalt  }
0x7a: {  	_ =	shalt  }
0x7b: {  	_ =	shalt  }
0x7c: {  	_ =	shalt  }
0x7d: {  	_ =	shalt  }
0x7e: {  	_ =	shalt  }
0x7f: {  	_ =	shalt  }
0x80: {  	_ =	shalt  }
0x81: {  	_ =	shalt  }
0x82: {  	_ =	shalt  }
0x83: {  	_ =	shalt  }
0x84: {  	_ =	shalt  }
0x85: {  	_ =	shalt  }
0x86: {  	_ =	shalt  }
0x87: {  	_ =	shalt  }
.Lfunc_end0:
.L_simem_size_0:
called_computation_lowered:
.L_overlay_start_0:
0x88: {  	s2 =	sld [smem:$0x3FD9]  }
0x89: {  	s3 =	sld [smem:$0x3FFE];
	_ =	sdelay $0x1  }
0x8a: {  	s1 =	srdreg.scid  }
0x8b: {  	s0 =	sand.u32 $0x1, s1  }
0x8c: {  	s14 =	sshll.u32 s0, $0xA;
	s2 =	sadd.s32 s3, s2  }
0x8d: {  	s2 =	sadd.s32 s2, s14  }
0x8e: {  	[smem:$0x3FC5] =	sst s2  }
0x8f: {  	_ = 	snop  }
0x90: {  	s2 =	sld [smem:$0x3FD0];
	_ =	sdelay $0x2  }
0x91: {  	s4 =	simm.s32 $0xA;
	s5 =	simm.s32 $0x10;
	s15 =	sld [smem:$0x3FC7]  }
0x92: {  	[smem:s5], [sflag:s4] =	dma.local [hbm:s2], $0x1  }
0x93: {  	_ =	swait.eq [sflag:s4], $0x1  }
0x94: {  	[sflag:s4] =	ssyncset.done $0x0  }
0x95: {  	[sflag:s4] =	ssyncadd.s32 $0xFFFFFFFF  }
0x96: {  	s16 =	sld [smem:$0x13];
	(tm) =	ssettm $0x1  }
0x97: {  	s17 =	sld [smem:$0x3FFB];
	_ =	sdelay $0x3  }
0x98: {  	_ =	strace s17  }
0x99: {  	s4 =	sld [smem:$0x3FFC];
	_ =	sdelay $0x3  }
0x9a: {  	_ =	strace s4  }
0x9b: {  	s4 =	sld [smem:$0x3FFD];
	_ =	sdelay $0x3  }
0x9c: {  	_ =	strace s4  }
0x9d: {  	_ =	strace $0x8FFFFFFF  }
0x9e: {  	s18 =	sld [smem:$0x3FDB];
	_ =	sdelay $0x1  }
0x9f: {  	s19 =	simm.s32 $_scs_section_size  }
0xa0: {  	s6 =	simm.s32 $_size__tile_overlayer_lowered;
	s7 =	simm.s32 $_tile_overlayer_lowered  }
0xa1: {  	s22 =	simm.s32 $0x1BFF;
	s21 =	sshll.u32 s7, $0x1;
	s4 =	sadd.s32 s19, s18  }
0xa2: {  	s8 =	simm.s32 $0x0;
	s20 =	sshll.u32 s6, $0x1;
	s6 =	sadd.s32 s21, s4  }
0xa3: {  	[timem:s8], [sflag:s22] =	dma.local [hbm:s6], s20  }
0xa4: {  	_ =	swait.ge [sflag:s22], s20  }
0xa5: {  	s5 =	ssub.s32 $0x0, s20;
	[sflag:s22] =	ssyncset.done $0x0  }
0xa6: {  	[sflag:s22] =	ssyncadd.s32 s5;
	_ =	sdelay $0x1  }
0xa7: {  	s23 =	simm.s32 $0x1B8B  }
0xa8: {  	_ =	swait.ge [sflag:s23], $0x1  }
0xa9: {  	[sflag:s23] =	ssyncset.done $0x0  }
0xaa: {  	s25 =	simm.s32 $0x1B8E;
	s24 =	sld [smem:$0x3FFE];
	[sflag:s23] =	ssyncadd.s32 $0xFFFFFFFF  }
0xab: {  	s26 =	simm.s32 $execute0_lowered;
	[smem:$0x3FD2] =	sst s25  }
0xac: {  	s6 =	sshll.u32 s26, $0x1;
	_ =	strace $0x80000046;
	[dreg:$0x1] =	wrdreg $0xFFFFFFFF  }
0xad: {  	s28 =	simm.s32 $_size_execute0_lowered;
	s4 =	sadd.s32 s4, s6;
	[dreg:$0x0] =	wrdreg $0x0  }
0xae: {  	s6 =	sshll.u32 s28, $0x1;
	[dreg:$0x2] =	wrdreg s4  }
0xaf: {  	[dreg:$0x3] =	wrdreg s6  }
0xb0: {  	[dreg:$0x4] =	wrdreg $0xC0  }
0xb1: {  	_ =	task [dreg:s8], $0x5FFFF  }
0xb2: {  	[dreg:$0x1] =	wrdreg $0xFFFFFFFF  }
0xb3: {  	[dreg:$0x0] =	wrdreg $0x60  }
0xb4: {  	[dreg:$0x2] =	wrdreg s16  }
0xb5: {  	[dreg:$0x3] =	wrdreg s24  }
0xb6: {  	[dreg:$0x4] =	wrdreg s15  }
0xb7: {  	[dreg:$0x5] =	wrdreg $0x6D700  }
0xb8: {  	[dreg:$0x6] =	wrdreg $0x9  }
0xb9: {  	_ =	task.clear_ibuf [dreg:s8], $0x7FFFF;
	_ =	strace $0x90000046  }
0xba: {  	s29 =	simm.s32 $0x9;
	_ =	strace $0x80000048  }
0xbb: {  	_ =	swait.ge [sflag:s29], $0x1  }
0xbc: {  	[sflag:s29] =	ssyncadd.s32 $0xFFFFFFFF  }
0xbd: {  	_ =	strace $0x90000048  }
0xbe: {  	_ =	sfence  }
0xbf: {  	s30 =	sld [smem:$0x0];
	_ =	sdelay $0x2  }
0xc0: {  	s31 =	sshll.u32 s1, $0xD;
	s1 =	sshrl.u32 s1, $0x2  }
0xc1: {  	s3 =	sand.u32 $0x4000, s31;
	s1 =	sadd.s32 s1, s30  }
0xc2: {  	s0 =	sor.u32 s3, s0;
	s1 =	sshll.u32 s1, $0x11  }
0xc3: {  	s0 =	sor.u32 s1, s0  }
0xc4: {  	s0 =	sadd.s32 $0x8F2B, s0  }
0xc5: {  	[sflag:s0] =	ssyncadd.remote.s32 $0x1  }
0xc6: {  	_ =	sfence.sel $0xFFFF  }
0xc7: {  	[dreg:$0x0] =	wrdreg $0xFFFFFFFF;
	(pc) =	sbr.abs _section_cstart, $3  }
0xc8: {  	[dreg:$0x1] =	wrdreg $0xFFFFFFFF  }
0xc9: {  	_ =	task.clear_ibuf [dreg:s8], $0x2FFFF;
	_ =	strace $0x9FFFFFFF  }
0xca: {  	(tm) =	ssettm $0x7FFFFFFF  }
0xcb: {  	_ =	shalt  }
tec
execute0_lowered:
.L_overlay_start_1:
0x0: {  	(tag) =	ssettag $0x1  }
0x1: {  	s0 =	rddreg [dreg:$0x0]  }
0x2: {  	s1 =	rddreg [dreg:$0x1]  }
0x3: {  	s10 =	rddreg [dreg:$0x2]  }
0x4: {  	s3 =	rddreg [dreg:$0x3];
	s4 =	simm.s32 $0x0;
	s2 =	srdreg.scid  }
0x5: {  	s11 =	stileid.u32;
	[smem:$0x7FF] =	sst s4  }
0x6: {  	s2 =	sand.u32 $0x1, s2;
	s8 =	sshll.u32 s11, $0x1;
	s5 =	sadd.s32 $0x2E00, s1  }
0x7: {  	s7 =	smul.u32 $0x186A0, s11;
	s4 =	sor.u32 s2, s8;
	s2 =	ssub.s32 $0x2, s2  }
0x8: {  	s12 =	sshll.u32 s11, $0x6;
	s6 =	sshll.u32 s4, $0x1;
	s9 =	sshrl.u32 s2, $0x1  }
0x9: {  	s8 =	smul.u32 $0xC350, s4;
	s1 =	sadd.s32 s6, s1;
	s2 =	ssub.s32 s2, s9  }
0xa: {  	s6 =	smul.u32 $0x186A0, s4;
	s9 =	sadd.s32 s7, s3;
	s7 =	sshrl.u32 s7, $0x3  }
0xb: {  	_ =	strace $0x80000047;
	s4 =	smul.u32 $0x186A, s4;
	s7 =	sadd.s32 s0, s7  }
0xc: {  	s8 =	sshrl.u32 s8, $0x3;
	[dreg:$0x5] =	wrdreg s7;
	s7 =	sor.u32 $0x1C03, s12  }
0xd: {  	s8 =	sadd.s32 s0, s8;
	s0 =	sadd.s32 s0, s4;
	[dreg:$0x6] =	wrdreg s7  }
0xe: {  	[dreg:$0x7] =	wrdreg s0;
	s13 =	sadd.s32 $0xFA, s8  }
0xf: {  	s14 =	sadd.s32 $0x1F4, s8;
	[dreg:$0x8] =	wrdreg s13  }
0x10: {  	s15 =	sadd.s32 $0x2EE, s8;
	[dreg:$0x9] =	wrdreg s14  }
0x11: {  	s16 =	sadd.s32 $0x3E8, s8;
	[dreg:$0xa] =	wrdreg s15  }
0x12: {  	s17 =	sadd.s32 $0x4E2, s8;
	[dreg:$0xb] =	wrdreg s16  }
0x13: {  	s18 =	sadd.s32 $0x5DC, s8;
	[dreg:$0xc] =	wrdreg s17  }
0x14: {  	s19 =	sadd.s32 $0x6D6, s8;
	[dreg:$0xd] =	wrdreg s18  }
0x15: {  	s20 =	sadd.s32 $0x7D0, s8;
	[dreg:$0xe] =	wrdreg s19  }
0x16: {  	s21 =	sadd.s32 $0x8CA, s8;
	[dreg:$0xf] =	wrdreg s20  }
0x17: {  	s22 =	sadd.s32 $0x9C4, s8;
	[dreg:$0x10] =	wrdreg s21  }
0x18: {  	s23 =	sadd.s32 $0xABE, s8;
	[dreg:$0x11] =	wrdreg s22  }
0x19: {  	s24 =	sadd.s32 $0xBB8, s8;
	[dreg:$0x12] =	wrdreg s23  }
0x1a: {  	s25 =	sadd.s32 $0xCB2, s8;
	[dreg:$0x13] =	wrdreg s24  }
0x1b: {  	s26 =	sadd.s32 $0xDAC, s8;
	[dreg:$0x14] =	wrdreg s25  }
0x1c: {  	s4 =	sadd.s32 $0xEA6, s8;
	[dreg:$0x15] =	wrdreg s26  }
0x1d: {  	s7 =	sadd.s32 $0xFA0, s8;
	[dreg:$0x16] =	wrdreg s4  }
0x1e: {  	s11 =	sadd.s32 $0x109A, s8;
	[dreg:$0x17] =	wrdreg s7  }
0x1f: {  	s28 =	simm.s32 $0x10;
	s12 =	sadd.s32 $0x1194, s8;
	[dreg:$0x18] =	wrdreg s11  }
0x20: {  	s29 =	simm.s32 $0x5040;
	[dreg:$0x19] =	wrdreg s12;
	s13 =	sadd.s32 $0x128E, s8  }
0x21: {  	s30 =	simm.s32 $0x4B0;
	s14 =	sadd.s32 $0x1388, s8;
	[dreg:$0x1a] =	wrdreg s13  }
0x22: {  	s31 =	simm.s32 $0x5140;
	s15 =	sadd.s32 $0x1482, s8;
	[dreg:$0x1b] =	wrdreg s14  }
0x23: {  	s16 =	sadd.s32 $0x157C, s8;
	s17 =	sadd.s32 $0x1676, s8;
	[dreg:$0x1c] =	wrdreg s15  }
0x24: {  	s18 =	sadd.s32 $0x1770, s8;
	s19 =	sshrl.u32 s6, $0x3;
	[dreg:$0x1d] =	wrdreg s16  }
0x25: {  	s21 =	sadd.s32 $0xC6800, s1;
	s22 =	sadd.s32 $0xC6600, s1;
	[dreg:$0x1e] =	wrdreg s17  }
0x26: {  	s23 =	sadd.s32 $0xC6400, s1;
	s1 =	simm.s32 $0x0;
	[dreg:$0x1f] =	wrdreg s18  }
0x27: {  	s24 =	smax.u32 s2, $0x1;
	s25 =	sshrl.u32 s9, $0x3;
	[smem:$0x7F7] =	sst s21  }
0x28: {  	s12 =	simm.s32 $0x320;
	s2 =	simm.s32 $0x5940;
	[smem:$0x7F8] =	sst s22  }
0x29: {  	s7 =	simm.s32 $0x5B0;
	s9 =	simm.s32 $0x6140;
	[smem:$0x7F9] =	sst s23  }
0x2a: {  	s11 =	simm.s32 $0x6940;
	s8 =	simm.s32 $0x0;
	[smem:$0x7FA] =	sst s24  }
0x2b: {  	s20 =	sadd.s32 s5, s19;
	s0 =	sadd.s32 s10, s19;
	[smem:$0x7FB] =	sst s25  }
0x2c: {  	s16 =	sadd.s32 $0x320, s6;
	s17 =	sadd.s32 $0x4B0, s6;
	s18 =	simm.s32 $0x640  }
0x2d: {  	s19 =	simm.s32 $0x5;
	s21 =	simm.s32 $0x190;
	s22 =	simm.s32 $0x30D400  }
0x2e: {  	s23 =	simm.s32 $0x80;
	s14 =	simm.s32 $0x1;
	s15 =	simm.s32 $0x4  }
0x2f: {  	s10 =	simm.s32 $0x630;
	s13 =	simm.s32 $0x2;
	[smem:$0x7F6] =	sst s0  }
0x30: {  	[smem:$0x7FC] =	sst s20;
	s26 =	sadd.s32 $0x32, s20;
	s20 =	simm.s32 $0x3  }
0x31: {  	s0 =	simm.s32 $0x530;
	[smem:$0x7FD] =	sst s26;
	s26 =	simm.s32 $0x4A0  }
.LBB2_1:
0x32: {  	[smem:$0x7F5] =	sst s8  }
0x33: {  	s24 =	sld [smem:$0x7FB]  }
0x34: {  	s4 =	rddreg [dreg:$0x5]  }
0x35: {  	s25 =	rddreg [dreg:$0x6]  }
0x36: {  	[spmem:s24], [sflag:s25] =	dma.local [hbm:s4], $0x30D4  }
0x37: {  	s4 =	rddreg [dreg:$0x7]  }
0x38: {  	[tilespmem:s18], [sflag:$0x5] =	stream.linear.gather [hbm4b:s4+s1], $0x7D0, $0x38;
	[tilespmem:$0x1F410] =	vst v63  }
0x39: {  	_ =	swait.ge [sflag:s19], $0x7D0  }
0x3a: {  	[sflag:s19] =	ssyncset.done $0x0  }
0x3b: {  	s25 =	simm.s32 $0x0;
	[sflag:s19] =	ssyncadd.s32 $0xFFFFF830  }
0x3c: {  	v0 =	vimm.f32 $0.0e+00;
	s1 =	simm.s32 $0x40;
	v1 =	vld [tilespmem:s25+$0x640]  }
.LBB2_2:
0x3d: {  	p0 =	sne.s32 s1, $0x1F00  }
.Ltmp0:
0x3e: {  	_ = 	snop;
	(pc) =	sbr.rel @p0 .LBB2_2-.Ltmp0, $3  }
0x3f: {  	_ =	sdelay $0x1  }
0x40: {  	s4 =	sshra.s32 s1, $0x2;
	s1 =	sadd.s32 $0x40, s1;
	v0 =	vadd.f32 v1, v0  }
0x41: {  	v1 =	vld [tilespmem:s4+$0x640]  }
0x42: {  	s1 =	simm.s32 $0x0;
	s4 =	rddreg [dreg:$0x8]  }
0x43: {  	[tilespmem:s18], [sflag:$0x5] =	stream.linear.gather [hbm4b:s4+s1], $0x7D0, $0x38;
	[tilespmem:$0x1F410] =	vst v63  }
0x44: {  	_ =	swait.ge [sflag:s19], $0x7D0  }
0x45: {  	[sflag:s19] =	ssyncset.done $0x0  }
0x46: {  	s25 =	simm.s32 $0x0;
	[sflag:s19] =	ssyncadd.s32 $0xFFFFF830  }
0x47: {  	s1 =	simm.s32 $0x40;
	v0 =	vadd.f32 v1, v0;
	v1 =	vld [tilespmem:s25+$0x640]  }
.LBB2_4:
0x48: {  	p0 =	sne.s32 s1, $0x1F00  }
.Ltmp1:
0x49: {  	_ = 	snop;
	(pc) =	sbr.rel @p0 .LBB2_4-.Ltmp1, $3  }
0x4a: {  	_ =	sdelay $0x1  }
0x4b: {  	s4 =	sshra.s32 s1, $0x2;
	s1 =	sadd.s32 $0x40, s1;
	v0 =	vadd.f32 v1, v0  }
0x4c: {  	v1 =	vld [tilespmem:s4+$0x640]  }
0x4d: {  	s1 =	simm.s32 $0x0;
	s4 =	rddreg [dreg:$0x9]  }
0x4e: {  	[tilespmem:s18], [sflag:$0x5] =	stream.linear.gather [hbm4b:s4+s1], $0x7D0, $0x38;
	[tilespmem:$0x1F410] =	vst v63  }
0x4f: {  	_ =	swait.ge [sflag:s19], $0x7D0  }
0x50: {  	[sflag:s19] =	ssyncset.done $0x0  }
0x51: {  	s25 =	simm.s32 $0x0;
	[sflag:s19] =	ssyncadd.s32 $0xFFFFF830  }
0x52: {  	s1 =	simm.s32 $0x40;
	v0 =	vadd.f32 v1, v0;
	v1 =	vld [tilespmem:s25+$0x640]  }
.LBB2_6:
0x53: {  	p0 =	sne.s32 s1, $0x1F00  }
.Ltmp2:
0x54: {  	_ = 	snop;
	(pc) =	sbr.rel @p0 .LBB2_6-.Ltmp2, $3  }
0x55: {  	_ =	sdelay $0x1  }
0x56: {  	s4 =	sshra.s32 s1, $0x2;
	s1 =	sadd.s32 $0x40, s1;
	v0 =	vadd.f32 v1, v0  }
0x57: {  	v1 =	vld [tilespmem:s4+$0x640]  }
0x58: {  	s1 =	simm.s32 $0x0;
	s4 =	rddreg [dreg:$0xa]  }
0x59: {  	[tilespmem:s18], [sflag:$0x5] =	stream.linear.gather [hbm4b:s4+s1], $0x7D0, $0x38;
	[tilespmem:$0x1F410] =	vst v63  }
0x5a: {  	_ =	swait.ge [sflag:s19], $0x7D0  }
0x5b: {  	[sflag:s19] =	ssyncset.done $0x0  }
0x5c: {  	s25 =	simm.s32 $0x0;
	[sflag:s19] =	ssyncadd.s32 $0xFFFFF830  }
0x5d: {  	s1 =	simm.s32 $0x40;
	v0 =	vadd.f32 v1, v0;
	v1 =	vld [tilespmem:s25+$0x640]  }
.LBB2_8:
0x5e: {  	p0 =	sne.s32 s1, $0x1F00  }
.Ltmp3:
0x5f: {  	_ = 	snop;
	(pc) =	sbr.rel @p0 .LBB2_8-.Ltmp3, $3  }
0x60: {  	_ =	sdelay $0x1  }
0x61: {  	s4 =	sshra.s32 s1, $0x2;
	s1 =	sadd.s32 $0x40, s1;
	v0 =	vadd.f32 v1, v0  }
0x62: {  	v1 =	vld [tilespmem:s4+$0x640]  }
0x63: {  	s1 =	simm.s32 $0x0;
	s4 =	rddreg [dreg:$0xb]  }
0x64: {  	[tilespmem:s18], [sflag:$0x5] =	stream.linear.gather [hbm4b:s4+s1], $0x7D0, $0x38;
	[tilespmem:$0x1F410] =	vst v63  }
0x65: {  	_ =	swait.ge [sflag:s19], $0x7D0  }
0x66: {  	[sflag:s19] =	ssyncset.done $0x0  }
0x67: {  	s25 =	simm.s32 $0x0;
	[sflag:s19] =	ssyncadd.s32 $0xFFFFF830  }
0x68: {  	s1 =	simm.s32 $0x40;
	v0 =	vadd.f32 v1, v0;
	v1 =	vld [tilespmem:s25+$0x640]  }
.LBB2_10:
0x69: {  	p0 =	sne.s32 s1, $0x1F00  }
.Ltmp4:
0x6a: {  	_ = 	snop;
	(pc) =	sbr.rel @p0 .LBB2_10-.Ltmp4, $3  }
0x6b: {  	_ =	sdelay $0x1  }
0x6c: {  	s4 =	sshra.s32 s1, $0x2;
	s1 =	sadd.s32 $0x40, s1;
	v0 =	vadd.f32 v1, v0  }
0x6d: {  	v1 =	vld [tilespmem:s4+$0x640]  }
0x6e: {  	s1 =	simm.s32 $0x0;
	s4 =	rddreg [dreg:$0xc]  }
0x6f: {  	[tilespmem:s18], [sflag:$0x5] =	stream.linear.gather [hbm4b:s4+s1], $0x7D0, $0x38;
	[tilespmem:$0x1F410] =	vst v63  }
0x70: {  	_ =	swait.ge [sflag:s19], $0x7D0  }
0x71: {  	[sflag:s19] =	ssyncset.done $0x0  }
0x72: {  	s25 =	simm.s32 $0x0;
	[sflag:s19] =	ssyncadd.s32 $0xFFFFF830  }
0x73: {  	s1 =	simm.s32 $0x40;
	v0 =	vadd.f32 v1, v0;
	v1 =	vld [tilespmem:s25+$0x640]  }
.LBB2_12:
0x74: {  	p0 =	sne.s32 s1, $0x1F00  }
.Ltmp5:
0x75: {  	_ = 	snop;
	(pc) =	sbr.rel @p0 .LBB2_12-.Ltmp5, $3  }
0x76: {  	_ =	sdelay $0x1  }
0x77: {  	s4 =	sshra.s32 s1, $0x2;
	s1 =	sadd.s32 $0x40, s1;
	v0 =	vadd.f32 v1, v0  }
0x78: {  	v1 =	vld [tilespmem:s4+$0x640]  }
0x79: {  	s1 =	simm.s32 $0x0;
	s4 =	rddreg [dreg:$0xd]  }
0x7a: {  	[tilespmem:s18], [sflag:$0x5] =	stream.linear.gather [hbm4b:s4+s1], $0x7D0, $0x38;
	[tilespmem:$0x1F410] =	vst v63  }
0x7b: {  	_ =	swait.ge [sflag:s19], $0x7D0  }
0x7c: {  	[sflag:s19] =	ssyncset.done $0x0  }
0x7d: {  	s25 =	simm.s32 $0x0;
	[sflag:s19] =	ssyncadd.s32 $0xFFFFF830  }
0x7e: {  	s1 =	simm.s32 $0x40;
	v0 =	vadd.f32 v1, v0;
	v1 =	vld [tilespmem:s25+$0x640]  }
.LBB2_14:
0x7f: {  	p0 =	sne.s32 s1, $0x1F00  }
.Ltmp6:
0x80: {  	_ = 	snop;
	(pc) =	sbr.rel @p0 .LBB2_14-.Ltmp6, $3  }
0x81: {  	_ =	sdelay $0x1  }
0x82: {  	s4 =	sshra.s32 s1, $0x2;
	s1 =	sadd.s32 $0x40, s1;
	v0 =	vadd.f32 v1, v0  }
0x83: {  	v1 =	vld [tilespmem:s4+$0x640]  }
0x84: {  	s1 =	simm.s32 $0x0;
	s4 =	rddreg [dreg:$0xe]  }
0x85: {  	[tilespmem:s18], [sflag:$0x5] =	stream.linear.gather [hbm4b:s4+s1], $0x7D0, $0x38;
	[tilespmem:$0x1F410] =	vst v63  }
0x86: {  	_ =	swait.ge [sflag:s19], $0x7D0  }
0x87: {  	[sflag:s19] =	ssyncset.done $0x0  }
0x88: {  	s25 =	simm.s32 $0x0;
	[sflag:s19] =	ssyncadd.s32 $0xFFFFF830  }
0x89: {  	s1 =	simm.s32 $0x40;
	v0 =	vadd.f32 v1, v0;
	v1 =	vld [tilespmem:s25+$0x640]  }
.LBB2_16:
0x8a: {  	p0 =	sne.s32 s1, $0x1F00  }
.Ltmp7:
0x8b: {  	_ = 	snop;
	(pc) =	sbr.rel @p0 .LBB2_16-.Ltmp7, $3  }
0x8c: {  	_ =	sdelay $0x1  }
0x8d: {  	s4 =	sshra.s32 s1, $0x2;
	s1 =	sadd.s32 $0x40, s1;
	v0 =	vadd.f32 v1, v0  }
0x8e: {  	v1 =	vld [tilespmem:s4+$0x640]  }
0x8f: {  	s1 =	simm.s32 $0x0;
	s4 =	rddreg [dreg:$0xf]  }
0x90: {  	[tilespmem:s18], [sflag:$0x5] =	stream.linear.gather [hbm4b:s4+s1], $0x7D0, $0x38;
	[tilespmem:$0x1F410] =	vst v63  }
0x91: {  	_ =	swait.ge [sflag:s19], $0x7D0  }
0x92: {  	[sflag:s19] =	ssyncset.done $0x0  }
0x93: {  	s25 =	simm.s32 $0x0;
	[sflag:s19] =	ssyncadd.s32 $0xFFFFF830  }
0x94: {  	s1 =	simm.s32 $0x40;
	v0 =	vadd.f32 v1, v0;
	v1 =	vld [tilespmem:s25+$0x640]  }
.LBB2_18:
0x95: {  	p0 =	sne.s32 s1, $0x1F00  }
.Ltmp8:
0x96: {  	_ = 	snop;
	(pc) =	sbr.rel @p0 .LBB2_18-.Ltmp8, $3  }
0x97: {  	_ =	sdelay $0x1  }
0x98: {  	s4 =	sshra.s32 s1, $0x2;
	s1 =	sadd.s32 $0x40, s1;
	v0 =	vadd.f32 v1, v0  }
0x99: {  	v1 =	vld [tilespmem:s4+$0x640]  }
0x9a: {  	s1 =	simm.s32 $0x0;
	s4 =	rddreg [dreg:$0x10]  }
0x9b: {  	[tilespmem:s18], [sflag:$0x5] =	stream.linear.gather [hbm4b:s4+s1], $0x7D0, $0x38;
	[tilespmem:$0x1F410] =	vst v63  }
0x9c: {  	_ =	swait.ge [sflag:s19], $0x7D0  }
0x9d: {  	[sflag:s19] =	ssyncset.done $0x0  }
0x9e: {  	s25 =	simm.s32 $0x0;
	[sflag:s19] =	ssyncadd.s32 $0xFFFFF830  }
0x9f: {  	s1 =	simm.s32 $0x40;
	v0 =	vadd.f32 v1, v0;
	v1 =	vld [tilespmem:s25+$0x640]  }
.LBB2_20:
0xa0: {  	p0 =	sne.s32 s1, $0x1F00  }
.Ltmp9:
0xa1: {  	_ = 	snop;
	(pc) =	sbr.rel @p0 .LBB2_20-.Ltmp9, $3  }
0xa2: {  	_ =	sdelay $0x1  }
0xa3: {  	s4 =	sshra.s32 s1, $0x2;
	s1 =	sadd.s32 $0x40, s1;
	v0 =	vadd.f32 v1, v0  }
0xa4: {  	v1 =	vld [tilespmem:s4+$0x640]  }
0xa5: {  	s1 =	simm.s32 $0x0;
	s4 =	rddreg [dreg:$0x11]  }
0xa6: {  	[tilespmem:s18], [sflag:$0x5] =	stream.linear.gather [hbm4b:s4+s1], $0x7D0, $0x38;
	[tilespmem:$0x1F410] =	vst v63  }
0xa7: {  	_ =	swait.ge [sflag:s19], $0x7D0  }
0xa8: {  	[sflag:s19] =	ssyncset.done $0x0  }
0xa9: {  	s25 =	simm.s32 $0x0;
	[sflag:s19] =	ssyncadd.s32 $0xFFFFF830  }
0xaa: {  	s1 =	simm.s32 $0x40;
	v0 =	vadd.f32 v1, v0;
	v1 =	vld [tilespmem:s25+$0x640]  }
.LBB2_22:
0xab: {  	p0 =	sne.s32 s1, $0x1F00  }
.Ltmp10:
0xac: {  	_ = 	snop;
	(pc) =	sbr.rel @p0 .LBB2_22-.Ltmp10, $3  }
0xad: {  	_ =	sdelay $0x1  }
0xae: {  	s4 =	sshra.s32 s1, $0x2;
	s1 =	sadd.s32 $0x40, s1;
	v0 =	vadd.f32 v1, v0  }
0xaf: {  	v1 =	vld [tilespmem:s4+$0x640]  }
0xb0: {  	s1 =	simm.s32 $0x0;
	s4 =	rddreg [dreg:$0x12]  }
0xb1: {  	[tilespmem:s18], [sflag:$0x5] =	stream.linear.gather [hbm4b:s4+s1], $0x7D0, $0x38;
	[tilespmem:$0x1F410] =	vst v63  }
0xb2: {  	_ =	swait.ge [sflag:s19], $0x7D0  }
0xb3: {  	[sflag:s19] =	ssyncset.done $0x0  }
0xb4: {  	s25 =	simm.s32 $0x0;
	[sflag:s19] =	ssyncadd.s32 $0xFFFFF830  }
0xb5: {  	s1 =	simm.s32 $0x40;
	v0 =	vadd.f32 v1, v0;
	v1 =	vld [tilespmem:s25+$0x640]  }
.LBB2_24:
0xb6: {  	p0 =	sne.s32 s1, $0x1F00  }
.Ltmp11:
0xb7: {  	_ = 	snop;
	(pc) =	sbr.rel @p0 .LBB2_24-.Ltmp11, $3  }
0xb8: {  	_ =	sdelay $0x1  }
0xb9: {  	s4 =	sshra.s32 s1, $0x2;
	s1 =	sadd.s32 $0x40, s1;
	v0 =	vadd.f32 v1, v0  }
0xba: {  	v1 =	vld [tilespmem:s4+$0x640]  }
0xbb: {  	s1 =	simm.s32 $0x0;
	s4 =	rddreg [dreg:$0x13]  }
0xbc: {  	[tilespmem:s18], [sflag:$0x5] =	stream.linear.gather [hbm4b:s4+s1], $0x7D0, $0x38;
	[tilespmem:$0x1F410] =	vst v63  }
0xbd: {  	_ =	swait.ge [sflag:s19], $0x7D0  }
0xbe: {  	[sflag:s19] =	ssyncset.done $0x0  }
0xbf: {  	s25 =	simm.s32 $0x0;
	[sflag:s19] =	ssyncadd.s32 $0xFFFFF830  }
0xc0: {  	s1 =	simm.s32 $0x40;
	v0 =	vadd.f32 v1, v0;
	v1 =	vld [tilespmem:s25+$0x640]  }
.LBB2_26:
0xc1: {  	p0 =	sne.s32 s1, $0x1F00  }
.Ltmp12:
0xc2: {  	_ = 	snop;
	(pc) =	sbr.rel @p0 .LBB2_26-.Ltmp12, $3  }
0xc3: {  	_ =	sdelay $0x1  }
0xc4: {  	s4 =	sshra.s32 s1, $0x2;
	s1 =	sadd.s32 $0x40, s1;
	v0 =	vadd.f32 v1, v0  }
0xc5: {  	v1 =	vld [tilespmem:s4+$0x640]  }
0xc6: {  	s1 =	simm.s32 $0x0;
	s4 =	rddreg [dreg:$0x14]  }
0xc7: {  	[tilespmem:s18], [sflag:$0x5] =	stream.linear.gather [hbm4b:s4+s1], $0x7D0, $0x38;
	[tilespmem:$0x1F410] =	vst v63  }
0xc8: {  	_ =	swait.ge [sflag:s19], $0x7D0  }
0xc9: {  	[sflag:s19] =	ssyncset.done $0x0  }
0xca: {  	s25 =	simm.s32 $0x0;
	[sflag:s19] =	ssyncadd.s32 $0xFFFFF830  }
0xcb: {  	s1 =	simm.s32 $0x40;
	v0 =	vadd.f32 v1, v0;
	v1 =	vld [tilespmem:s25+$0x640]  }
.LBB2_28:
0xcc: {  	p0 =	sne.s32 s1, $0x1F00  }
.Ltmp13:
0xcd: {  	_ = 	snop;
	(pc) =	sbr.rel @p0 .LBB2_28-.Ltmp13, $3  }
0xce: {  	_ =	sdelay $0x1  }
0xcf: {  	s4 =	sshra.s32 s1, $0x2;
	s1 =	sadd.s32 $0x40, s1;
	v0 =	vadd.f32 v1, v0  }
0xd0: {  	v1 =	vld [tilespmem:s4+$0x640]  }
0xd1: {  	s1 =	simm.s32 $0x0;
	s4 =	rddreg [dreg:$0x15]  }
0xd2: {  	[tilespmem:s18], [sflag:$0x5] =	stream.linear.gather [hbm4b:s4+s1], $0x7D0, $0x38;
	[tilespmem:$0x1F410] =	vst v63  }
0xd3: {  	_ =	swait.ge [sflag:s19], $0x7D0  }
0xd4: {  	[sflag:s19] =	ssyncset.done $0x0  }
0xd5: {  	s25 =	simm.s32 $0x0;
	[sflag:s19] =	ssyncadd.s32 $0xFFFFF830  }
0xd6: {  	s1 =	simm.s32 $0x40;
	v0 =	vadd.f32 v1, v0;
	v1 =	vld [tilespmem:s25+$0x640]  }
.LBB2_30:
0xd7: {  	p0 =	sne.s32 s1, $0x1F00  }
.Ltmp14:
0xd8: {  	_ = 	snop;
	(pc) =	sbr.rel @p0 .LBB2_30-.Ltmp14, $3  }
0xd9: {  	_ =	sdelay $0x1  }
0xda: {  	s4 =	sshra.s32 s1, $0x2;
	s1 =	sadd.s32 $0x40, s1;
	v0 =	vadd.f32 v1, v0  }
0xdb: {  	v1 =	vld [tilespmem:s4+$0x640]  }
0xdc: {  	s1 =	simm.s32 $0x0;
	s4 =	rddreg [dreg:$0x16]  }
0xdd: {  	[tilespmem:s18], [sflag:$0x5] =	stream.linear.gather [hbm4b:s4+s1], $0x7D0, $0x38;
	[tilespmem:$0x1F410] =	vst v63  }
0xde: {  	_ =	swait.ge [sflag:s19], $0x7D0  }
0xdf: {  	[sflag:s19] =	ssyncset.done $0x0  }
0xe0: {  	s25 =	simm.s32 $0x0;
	[sflag:s19] =	ssyncadd.s32 $0xFFFFF830  }
0xe1: {  	s1 =	simm.s32 $0x40;
	v0 =	vadd.f32 v1, v0;
	v1 =	vld [tilespmem:s25+$0x640]  }
.LBB2_32:
0xe2: {  	p0 =	sne.s32 s1, $0x1F00  }
.Ltmp15:
0xe3: {  	_ = 	snop;
	(pc) =	sbr.rel @p0 .LBB2_32-.Ltmp15, $3  }
0xe4: {  	_ =	sdelay $0x1  }
0xe5: {  	s4 =	sshra.s32 s1, $0x2;
	s1 =	sadd.s32 $0x40, s1;
	v0 =	vadd.f32 v1, v0  }
0xe6: {  	v1 =	vld [tilespmem:s4+$0x640]  }
0xe7: {  	s1 =	simm.s32 $0x0;
	s4 =	rddreg [dreg:$0x17]  }
0xe8: {  	[tilespmem:s18], [sflag:$0x5] =	stream.linear.gather [hbm4b:s4+s1], $0x7D0, $0x38;
	[tilespmem:$0x1F410] =	vst v63  }
0xe9: {  	_ =	swait.ge [sflag:s19], $0x7D0  }
0xea: {  	[sflag:s19] =	ssyncset.done $0x0  }
0xeb: {  	s25 =	simm.s32 $0x0;
	[sflag:s19] =	ssyncadd.s32 $0xFFFFF830  }
0xec: {  	s1 =	simm.s32 $0x40;
	v0 =	vadd.f32 v1, v0;
	v1 =	vld [tilespmem:s25+$0x640]  }
.LBB2_34:
0xed: {  	p0 =	sne.s32 s1, $0x1F00  }
.Ltmp16:
0xee: {  	_ = 	snop;
	(pc) =	sbr.rel @p0 .LBB2_34-.Ltmp16, $3  }
0xef: {  	_ =	sdelay $0x1  }
0xf0: {  	s4 =	sshra.s32 s1, $0x2;
	s1 =	sadd.s32 $0x40, s1;
	v0 =	vadd.f32 v1, v0  }
0xf1: {  	v1 =	vld [tilespmem:s4+$0x640]  }
0xf2: {  	s1 =	simm.s32 $0x0;
	s4 =	rddreg [dreg:$0x18]  }
0xf3: {  	[tilespmem:s18], [sflag:$0x5] =	stream.linear.gather [hbm4b:s4+s1], $0x7D0, $0x38;
	[tilespmem:$0x1F410] =	vst v63  }
0xf4: {  	_ =	swait.ge [sflag:s19], $0x7D0  }
0xf5: {  	[sflag:s19] =	ssyncset.done $0x0  }
0xf6: {  	s25 =	simm.s32 $0x0;
	[sflag:s19] =	ssyncadd.s32 $0xFFFFF830  }
0xf7: {  	s1 =	simm.s32 $0x40;
	v0 =	vadd.f32 v1, v0;
	v1 =	vld [tilespmem:s25+$0x640]  }
.LBB2_36:
0xf8: {  	p0 =	sne.s32 s1, $0x1F00  }
.Ltmp17:
0xf9: {  	_ = 	snop;
	(pc) =	sbr.rel @p0 .LBB2_36-.Ltmp17, $3  }
0xfa: {  	_ =	sdelay $0x1  }
0xfb: {  	s4 =	sshra.s32 s1, $0x2;
	s1 =	sadd.s32 $0x40, s1;
	v0 =	vadd.f32 v1, v0  }
0xfc: {  	v1 =	vld [tilespmem:s4+$0x640]  }
0xfd: {  	s1 =	simm.s32 $0x0;
	s4 =	rddreg [dreg:$0x19]  }
0xfe: {  	[tilespmem:s18], [sflag:$0x5] =	stream.linear.gather [hbm4b:s4+s1], $0x7D0, $0x38;
	[tilespmem:$0x1F410] =	vst v63  }
0xff: {  	_ =	swait.ge [sflag:s19], $0x7D0  }
0x100: {  	[sflag:s19] =	ssyncset.done $0x0  }
0x101: {  	s25 =	simm.s32 $0x0;
	[sflag:s19] =	ssyncadd.s32 $0xFFFFF830  }
0x102: {  	s1 =	simm.s32 $0x40;
	v0 =	vadd.f32 v1, v0;
	v1 =	vld [tilespmem:s25+$0x640]  }
.LBB2_38:
0x103: {  	p0 =	sne.s32 s1, $0x1F00  }
.Ltmp18:
0x104: {  	_ = 	snop;
	(pc) =	sbr.rel @p0 .LBB2_38-.Ltmp18, $3  }
0x105: {  	_ =	sdelay $0x1  }
0x106: {  	s4 =	sshra.s32 s1, $0x2;
	s1 =	sadd.s32 $0x40, s1;
	v0 =	vadd.f32 v1, v0  }
0x107: {  	v1 =	vld [tilespmem:s4+$0x640]  }
0x108: {  	s1 =	simm.s32 $0x0;
	s4 =	rddreg [dreg:$0x1a]  }
0x109: {  	[tilespmem:s18], [sflag:$0x5] =	stream.linear.gather [hbm4b:s4+s1], $0x7D0, $0x38;
	[tilespmem:$0x1F410] =	vst v63  }
0x10a: {  	_ =	swait.ge [sflag:s19], $0x7D0  }
0x10b: {  	[sflag:s19] =	ssyncset.done $0x0  }
0x10c: {  	s25 =	simm.s32 $0x0;
	[sflag:s19] =	ssyncadd.s32 $0xFFFFF830  }
0x10d: {  	s1 =	simm.s32 $0x40;
	v0 =	vadd.f32 v1, v0;
	v1 =	vld [tilespmem:s25+$0x640]  }
.LBB2_40:
0x10e: {  	p0 =	sne.s32 s1, $0x1F00  }
.Ltmp19:
0x10f: {  	_ = 	snop;
	(pc) =	sbr.rel @p0 .LBB2_40-.Ltmp19, $3  }
0x110: {  	_ =	sdelay $0x1  }
0x111: {  	s4 =	sshra.s32 s1, $0x2;
	s1 =	sadd.s32 $0x40, s1;
	v0 =	vadd.f32 v1, v0  }
0x112: {  	v1 =	vld [tilespmem:s4+$0x640]  }
0x113: {  	s1 =	simm.s32 $0x0;
	s4 =	rddreg [dreg:$0x1b]  }
0x114: {  	[tilespmem:s18], [sflag:$0x5] =	stream.linear.gather [hbm4b:s4+s1], $0x7D0, $0x38;
	[tilespmem:$0x1F410] =	vst v63  }
0x115: {  	_ =	swait.ge [sflag:s19], $0x7D0  }
0x116: {  	[sflag:s19] =	ssyncset.done $0x0  }
0x117: {  	s25 =	simm.s32 $0x0;
	[sflag:s19] =	ssyncadd.s32 $0xFFFFF830  }
0x118: {  	s1 =	simm.s32 $0x40;
	v0 =	vadd.f32 v1, v0;
	v1 =	vld [tilespmem:s25+$0x640]  }
.LBB2_42:
0x119: {  	p0 =	sne.s32 s1, $0x1F00  }
.Ltmp20:
0x11a: {  	_ = 	snop;
	(pc) =	sbr.rel @p0 .LBB2_42-.Ltmp20, $3  }
0x11b: {  	_ =	sdelay $0x1  }
0x11c: {  	s4 =	sshra.s32 s1, $0x2;
	s1 =	sadd.s32 $0x40, s1;
	v0 =	vadd.f32 v1, v0  }
0x11d: {  	v1 =	vld [tilespmem:s4+$0x640]  }
0x11e: {  	s1 =	simm.s32 $0x0;
	s4 =	rddreg [dreg:$0x1c]  }
0x11f: {  	[tilespmem:s18], [sflag:$0x5] =	stream.linear.gather [hbm4b:s4+s1], $0x7D0, $0x38;
	[tilespmem:$0x1F410] =	vst v63  }
0x120: {  	_ =	swait.ge [sflag:s19], $0x7D0  }
0x121: {  	[sflag:s19] =	ssyncset.done $0x0  }
0x122: {  	s25 =	simm.s32 $0x0;
	[sflag:s19] =	ssyncadd.s32 $0xFFFFF830  }
0x123: {  	s1 =	simm.s32 $0x40;
	v0 =	vadd.f32 v1, v0;
	v1 =	vld [tilespmem:s25+$0x640]  }
.LBB2_44:
0x124: {  	p0 =	sne.s32 s1, $0x1F00  }
.Ltmp21:
0x125: {  	_ = 	snop;
	(pc) =	sbr.rel @p0 .LBB2_44-.Ltmp21, $3  }
0x126: {  	_ =	sdelay $0x1  }
0x127: {  	s4 =	sshra.s32 s1, $0x2;
	s1 =	sadd.s32 $0x40, s1;
	v0 =	vadd.f32 v1, v0  }
0x128: {  	v1 =	vld [tilespmem:s4+$0x640]  }
0x129: {  	s1 =	simm.s32 $0x0;
	s4 =	rddreg [dreg:$0x1d]  }
0x12a: {  	[tilespmem:s18], [sflag:$0x5] =	stream.linear.gather [hbm4b:s4+s1], $0x7D0, $0x38;
	[tilespmem:$0x1F410] =	vst v63  }
0x12b: {  	_ =	swait.ge [sflag:s19], $0x7D0  }
0x12c: {  	[sflag:s19] =	ssyncset.done $0x0  }
0x12d: {  	s25 =	simm.s32 $0x0;
	[sflag:s19] =	ssyncadd.s32 $0xFFFFF830  }
0x12e: {  	s1 =	simm.s32 $0x40;
	v0 =	vadd.f32 v1, v0;
	v1 =	vld [tilespmem:s25+$0x640]  }
.LBB2_46:
0x12f: {  	p0 =	sne.s32 s1, $0x1F00  }
.Ltmp22:
0x130: {  	_ = 	snop;
	(pc) =	sbr.rel @p0 .LBB2_46-.Ltmp22, $3  }
0x131: {  	_ =	sdelay $0x1  }
0x132: {  	s4 =	sshra.s32 s1, $0x2;
	s1 =	sadd.s32 $0x40, s1;
	v0 =	vadd.f32 v1, v0  }
0x133: {  	v1 =	vld [tilespmem:s4+$0x640]  }
0x134: {  	s1 =	simm.s32 $0x0;
	s4 =	rddreg [dreg:$0x1e]  }
0x135: {  	[tilespmem:s18], [sflag:$0x5] =	stream.linear.gather [hbm4b:s4+s1], $0x7D0, $0x38;
	[tilespmem:$0x1F410] =	vst v63  }
0x136: {  	_ =	swait.ge [sflag:s19], $0x7D0  }
0x137: {  	[sflag:s19] =	ssyncset.done $0x0  }
0x138: {  	s25 =	simm.s32 $0x0;
	[sflag:s19] =	ssyncadd.s32 $0xFFFFF830  }
0x139: {  	s1 =	simm.s32 $0x40;
	v0 =	vadd.f32 v1, v0;
	v1 =	vld [tilespmem:s25+$0x640]  }
.LBB2_48:
0x13a: {  	p0 =	sne.s32 s1, $0x1F00  }
.Ltmp23:
0x13b: {  	_ = 	snop;
	(pc) =	sbr.rel @p0 .LBB2_48-.Ltmp23, $3  }
0x13c: {  	_ =	sdelay $0x1  }
0x13d: {  	s4 =	sshra.s32 s1, $0x2;
	s1 =	sadd.s32 $0x40, s1;
	v0 =	vadd.f32 v1, v0  }
0x13e: {  	v1 =	vld [tilespmem:s4+$0x640]  }
0x13f: {  	s1 =	simm.s32 $0x0;
	s4 =	rddreg [dreg:$0x1f]  }
0x140: {  	[tilespmem:s18], [sflag:$0x5] =	stream.linear.gather [hbm4b:s4+s1], $0x7D0, $0x38;
	[tilespmem:$0x1F410] =	vst v63  }
0x141: {  	_ =	swait.ge [sflag:s19], $0x7D0  }
0x142: {  	[sflag:s19] =	ssyncset.done $0x0  }
0x143: {  	s25 =	simm.s32 $0x0;
	[sflag:s19] =	ssyncadd.s32 $0xFFFFF830  }
0x144: {  	s1 =	simm.s32 $0x40;
	v0 =	vadd.f32 v1, v0;
	v1 =	vld [tilespmem:s25+$0x640]  }
.LBB2_50:
0x145: {  	p0 =	sne.s32 s1, $0x1F00  }
.Ltmp24:
0x146: {  	_ = 	snop;
	(pc) =	sbr.rel @p0 .LBB2_50-.Ltmp24, $3  }
0x147: {  	_ =	sdelay $0x1  }
0x148: {  	s4 =	sshra.s32 s1, $0x2;
	s1 =	sadd.s32 $0x40, s1;
	v0 =	vadd.f32 v1, v0  }
0x149: {  	v1 =	vld [tilespmem:s4+$0x640]  }
0x14a: {  	_ =	swait.ge [sflag:s20], $0x30D4  }
0x14b: {  	[sflag:s20] =	ssyncset.done $0x0  }
0x14c: {  	[sflag:s20] =	ssyncadd.s32 $0xFFFFCF2C  }
0x14d: {  	[bflag:$0x0] =	sbarrier.arrive $0xFFFF  }
0x14e: {  	s1 =	sld [smem:$0x7FC];
	_ =	sdelay $0x1  }
0x14f: {  	s8 =	simm.s32 $0x0  }
0x150: {  	[tilespmem:s8], [sflag:$0x5] =	stream.strided.gather [hbm4b:s1+s21], $0x320, s22, s21, $0x38;
	[tilespmem:$0x1F410] =	vst v63  }
0x151: {  	_ =	swait.ge [sflag:s19], $0x320  }
0x152: {  	[sflag:s19] =	ssyncset.done $0x0  }
0x153: {  	[sflag:s19] =	ssyncadd.s32 $0xFFFFFCE0  }
0x154: {  	[tilespmem:s18], [sflag:$0x1] =	stream.indirect.gather [spmem:s3], $0x10, s8, s23, $0xb8;
	[tilespmem:$0x1F410] =	vst v63  }
0x155: {  	s24 =	simm.s32 $0xE40  }
0x156: {  	[tilespmem:s24], [sflag:$0x1] =	stream.indirect.gather [spmem:s3], $0x10, s23, s23, $0xb8;
	[tilespmem:$0x1F410] =	vst v63  }
0x157: {  	s25 =	simm.s32 $0x100;
	s4 =	simm.s32 $0x1640  }
0x158: {  	[tilespmem:s4], [sflag:$0x1] =	stream.indirect.gather [spmem:s3], $0x10, s25, s23, $0xb8;
	[tilespmem:$0x1F410] =	vst v63  }
0x159: {  	s24 =	simm.s32 $0x180;
	s25 =	simm.s32 $0x1E40  }
0x15a: {  	[tilespmem:s25], [sflag:$0x1] =	stream.indirect.gather [spmem:s3], $0x10, s24, s28, $0xb8;
	[tilespmem:$0x1F410] =	vst v63  }
0x15b: {  	s4 =	simm.s32 $0x1F40  }
0x15c: {  	[tilespmem:s4], [sflag:$0x1] =	stream.indirect.gather [spmem:s3], $0x10, s21, s23, $0xb8;
	[tilespmem:$0x1F410] =	vst v63  }
0x15d: {  	s24 =	simm.s32 $0x210;
	s25 =	simm.s32 $0x2740  }
0x15e: {  	[tilespmem:s25], [sflag:$0x1] =	stream.indirect.gather [spmem:s3], $0x10, s24, s23, $0xb8;
	[tilespmem:$0x1F410] =	vst v63  }
0x15f: {  	s24 =	simm.s32 $0x290;
	s25 =	simm.s32 $0x2F40  }
0x160: {  	[tilespmem:s25], [sflag:$0x1] =	stream.indirect.gather [spmem:s3], $0x10, s24, s23, $0xb8;
	[tilespmem:$0x1F410] =	vst v63  }
0x161: {  	s4 =	sld [smem:$0x7FD];
	s24 =	simm.s32 $0x310;
	s25 =	simm.s32 $0x3740  }
0x162: {  	[tilespmem:s25], [sflag:$0x1] =	stream.indirect.gather [spmem:s3], $0x10, s24, s28, $0xb8;
	[tilespmem:$0x1F410] =	vst v63  }
0x163: {  	s24 =	sld [smem:$0x7F6]  }
0x164: {  	[tilespmem:s12], [sflag:$0x4] =	stream.strided.gather [hbm4b:s4+s21], $0x320, s22, s21, $0x38;
	[tilespmem:$0x1F410] =	vst v63  }
0x165: {  	s25 =	simm.s32 $0x6A40  }
0x166: {  	v2 =	vimm.f32 $0.0e+00;
	v0 =	vadd.f32 v1, v0;
	v1 =	vimm.f32 $0.0e+00;
	[tilespmem:s25], [sflag:$0x4] =	stream.linear.gather [hbm4b:s24+s8], $0x320, $0x38;
	[tilespmem:$0x1F410] =	vst v63  }
.LBB2_53:
0x167: {  	_ =	swait.ge [sflag:s14], $0x1900  }
0x168: {  	[sflag:s14] =	ssyncset.done $0x0  }
0x169: {  	[sflag:s14] =	ssyncadd.s32 $0xFFFFE700  }
0x16a: {  	_ =	swait.ge [sflag:s14], $0x1900  }
0x16b: {  	[sflag:s14] =	ssyncset.done $0x0  }
0x16c: {  	[sflag:s14] =	ssyncadd.s32 $0xFFFFE700  }
0x16d: {  	_ =	swait.ge [sflag:s15], $0x320  }
0x16e: {  	[sflag:s15] =	ssyncset.done $0x0  }
0x16f: {  	[sflag:s15] =	ssyncadd.s32 $0xFFFFFCE0  }
0x170: {  	_ =	swait.ge [sflag:s15], $0x320  }
0x171: {  	[sflag:s15] =	ssyncset.done $0x0  }
0x172: {  	s1 =	simm.s32 $0x3840;
	[sflag:s15] =	ssyncadd.s32 $0xFFFFFCE0  }
0x173: {  	[tilespmem:s1], [sflag:$0x2] =	stream.indirect.gather [spmem:s3], $0x10, s12, s23, $0xb8;
	[tilespmem:$0x1F410] =	vst v63  }
0x174: {  	s25 =	simm.s32 $0x3A0;
	s4 =	simm.s32 $0x4040  }
0x175: {  	[tilespmem:s4], [sflag:$0x2] =	stream.indirect.gather [spmem:s3], $0x10, s25, s23, $0xb8;
	[tilespmem:$0x1F410] =	vst v63  }
0x176: {  	s24 =	simm.s32 $0x4840;
	s4 =	simm.s32 $0x420  }
0x177: {  	[tilespmem:s24], [sflag:$0x2] =	stream.indirect.gather [spmem:s3], $0x10, s4, s23, $0xb8;
	[tilespmem:$0x1F410] =	vst v63  }
0x178: {  	_ = 	snop  }
0x179: {  	[tilespmem:s29], [sflag:$0x2] =	stream.indirect.gather [spmem:s3], $0x10, s26, s28, $0xb8;
	[tilespmem:$0x1F410] =	vst v63  }
0x17a: {  	_ = 	snop  }
0x17b: {  	[tilespmem:s31], [sflag:$0x2] =	stream.indirect.gather [spmem:s3], $0x10, s30, s23, $0xb8;
	[tilespmem:$0x1F410] =	vst v63  }
0x17c: {  	_ = 	snop  }
0x17d: {  	[tilespmem:s2], [sflag:$0x2] =	stream.indirect.gather [spmem:s3], $0x10, s0, s23, $0xb8;
	[tilespmem:$0x1F410] =	vst v63  }
0x17e: {  	_ = 	snop  }
0x17f: {  	[tilespmem:s9], [sflag:$0x2] =	stream.indirect.gather [spmem:s3], $0x10, s7, s23, $0xb8;
	[tilespmem:$0x1F410] =	vst v63  }
0x180: {  	s25 =	simm.s32 $0x0  }
0x181: {  	[tilespmem:s11], [sflag:$0x2] =	stream.indirect.gather [spmem:s3], $0x10, s10, s28, $0xb8;
	[tilespmem:$0x1F410] =	vst v63  }
0x182: {  	s1 =	simm.s32 $0x40;
	v5 =	vld [tilespmem:s25+$0x6A40]  }
.LBB2_54:
0x183: {  	p0 =	sne.s32 s1, $0xC40  }
.Ltmp25:
0x184: {  	_ = 	snop;
	(pc) =	sbr.rel @p0 .LBB2_54-.Ltmp25, $3  }
0x185: {  	_ =	sdelay $0x1  }
0x186: {  	s4 =	sshra.s32 s1, $0x2;
	s1 =	sadd.s32 $0x40, s1;
	v1 =	vadd.f32 v5, v1  }
0x187: {  	v5 =	vld [tilespmem:s4+$0x6A40]  }
0x188: {  	s4 =	smul.u32 $0x320, s8;
	_ =	sdelay $0x1  }
0x189: {  	s1 =	sadd.s32 s4, s16  }
0x18a: {  	s1 =	sshrl.u32 s1, $0x3  }
0x18b: {  	s24 =	simm.s32 $0x0;
	s25 =	simm.s32 $0x0;
	s1 =	sadd.s32 s5, s1  }
0x18c: {  	[tilespmem:s24], [sflag:$0x3] =	stream.strided.gather [hbm4b:s1+s21], $0x320, s22, s21, $0x38;
	[tilespmem:$0x1F410] =	vst v63  }
0x18d: {  	v3 =	vld [tilespmem:s25+$0x1F40]  }
0x18e: {  	v4 =	vld [tilespmem:s25+$0x640]  }
0x18f: {  	v6 =	vld [tilespmem:s25+$0x1F50]  }
0x190: {  	v7 =	vld [tilespmem:s25+$0x650]  }
0x191: {  	v8 =	vld [tilespmem:s25+$0x1F60]  }
0x192: {  	v9 =	vld [tilespmem:s25+$0x660];
	v3 =	vsub.f32 $1.000000000e+00, v3  }
0x193: {  	v10 =	vld [tilespmem:s25+$0x1F70]  }
0x194: {  	v11 =	vld [tilespmem:s25+$0x1F80];
	v3 =	vmul.f32 v3, v4;
	v4 =	vsub.f32 $1.000000000e+00, v6  }
0x195: {  	v6 =	vld [tilespmem:s25+$0x670]  }
0x196: {  	v12 =	vld [tilespmem:s25+$0x1F90];
	v2 =	vadd.f32 v3, v2;
	v3 =	vmul.f32 v4, v7;
	v4 =	vsub.f32 $1.000000000e+00, v8  }
0x197: {  	v8 =	vld [tilespmem:s25+$0x680]  }
0x198: {  	v7 =	vadd.f32 v3, v2;
	v4 =	vmul.f32 v4, v9;
	v9 =	vsub.f32 $1.000000000e+00, v10;
	v2 =	vld [tilespmem:s25+$0x690]  }
0x199: {  	v1 =	vadd.f32 v5, v1;
	v3 =	vld [tilespmem:s25+$0x1FA0]  }
0x19a: {  	v5 =	vld [tilespmem:s25+$0x1FB0];
	v7 =	vadd.f32 v4, v7;
	v6 =	vmul.f32 v9, v6;
	v9 =	vsub.f32 $1.000000000e+00, v11  }
0x19b: {  	v4 =	vld [tilespmem:s25+$0x6A0]  }
0x19c: {  	s1 =	simm.s32 $0x80;
	s24 =	simm.s32 $0x400;
	v7 =	vadd.f32 v6, v7;
	v8 =	vmul.f32 v9, v8;
	v9 =	vsub.f32 $1.000000000e+00, v12;
	v6 =	vld [tilespmem:s25+$0x6B0]  }
.LBB2_56:
0x19d: {  	p0 =	sne.s32 s24, $0x6200;
	v10 =	vld [tilespmem:s1+$0x1F40]  }
0x19e: {  	v11 =	vld [tilespmem:s1+$0x640];
	v7 =	vadd.f32 v8, v7;
	v2 =	vmul.f32 v9, v2;
	v3 =	vsub.f32 $1.000000000e+00, v3  }
0x19f: {  	v8 =	vld [tilespmem:s1+$0x1F50]  }
0x1a0: {  	v9 =	vld [tilespmem:s1+$0x650];
	v2 =	vadd.f32 v2, v7;
	v3 =	vmul.f32 v3, v4;
	v4 =	vsub.f32 $1.000000000e+00, v5  }
0x1a1: {  	v5 =	vld [tilespmem:s1+$0x1F60]  }
0x1a2: {  	v7 =	vsub.f32 $1.000000000e+00, v10;
	v10 =	vld [tilespmem:s1+$0x660];
	v2 =	vadd.f32 v3, v2;
	v3 =	vmul.f32 v4, v6  }
0x1a3: {  	v4 =	vld [tilespmem:s1+$0x1F70]  }
0x1a4: {  	v6 =	vmul.f32 v7, v11;
	v7 =	vsub.f32 $1.000000000e+00, v8;
	v8 =	vld [tilespmem:s1+$0x670];
	v2 =	vadd.f32 v3, v2  }
0x1a5: {  	v11 =	vld [tilespmem:s1+$0x1F80]  }
0x1a6: {  	v2 =	vadd.f32 v6, v2;
	v3 =	vmul.f32 v7, v9;
	v5 =	vsub.f32 $1.000000000e+00, v5;
	v6 =	vld [tilespmem:s1+$0x680]  }
0x1a7: {  	v9 =	vld [tilespmem:s1+$0x1F90]  }
.Ltmp26:
0x1a8: {  	v7 =	vadd.f32 v3, v2;
	v5 =	vmul.f32 v5, v10;
	v4 =	vsub.f32 $1.000000000e+00, v4;
	v2 =	vld [tilespmem:s1+$0x690];
	(pc) =	sbr.rel @p0 .LBB2_56-.Ltmp26, $4  }
0x1a9: {  	v3 =	vld [tilespmem:s1+$0x1FA0]  }
0x1aa: {  	v7 =	vadd.f32 v5, v7;
	v8 =	vmul.f32 v4, v8;
	v10 =	vsub.f32 $1.000000000e+00, v11;
	v4 =	vld [tilespmem:s1+$0x6A0]  }
0x1ab: {  	v5 =	vld [tilespmem:s1+$0x1FB0]  }
0x1ac: {  	v7 =	vadd.f32 v8, v7;
	v8 =	vmul.f32 v10, v6;
	v9 =	vsub.f32 $1.000000000e+00, v9;
	v6 =	vld [tilespmem:s1+$0x6B0];
	s1 =	sshra.s32 s24, $0x2;
	s24 =	sadd.s32 $0x200, s24  }
0x1ad: {  	v10 =	vld [tilespmem:s1+$0x1F40]  }
0x1ae: {  	v11 =	vld [tilespmem:s1+$0x640]  }
0x1af: {  	v12 =	vld [tilespmem:s1+$0x1F50]  }
0x1b0: {  	v13 =	vld [tilespmem:s1+$0x650]  }
0x1b1: {  	v14 =	vld [tilespmem:s1+$0x1F60]  }
0x1b2: {  	v15 =	vld [tilespmem:s1+$0x660]  }
0x1b3: {  	v16 =	vld [tilespmem:s1+$0x1F70]  }
0x1b4: {  	v17 =	vld [tilespmem:s1+$0x670]  }
0x1b5: {  	v18 =	vld [tilespmem:s1+$0x1F80]  }
0x1b6: {  	v19 =	vld [tilespmem:s1+$0x680]  }
0x1b7: {  	v20 =	vld [tilespmem:s1+$0x1F90]  }
0x1b8: {  	v21 =	vld [tilespmem:s1+$0x690]  }
0x1b9: {  	v22 =	vld [tilespmem:s1+$0x1FA0]  }
0x1ba: {  	v23 =	vld [tilespmem:s1+$0x6A0]  }
0x1bb: {  	v24 =	vld [tilespmem:s1+$0x1FB0]  }
0x1bc: {  	v25 =	vld [tilespmem:s1+$0x6B0];
	_ =	swait.ge [sflag:s13], $0x1900  }
0x1bd: {  	[sflag:s13] =	ssyncset.done $0x0  }
0x1be: {  	[sflag:s13] =	ssyncadd.s32 $0xFFFFE700  }
0x1bf: {  	_ =	swait.ge [sflag:s13], $0x1900  }
0x1c0: {  	[sflag:s13] =	ssyncset.done $0x0  }
0x1c1: {  	[sflag:s13] =	ssyncadd.s32 $0xFFFFE700  }
0x1c2: {  	_ =	swait.ge [sflag:s20], $0x320  }
0x1c3: {  	[sflag:s20] =	ssyncset.done $0x0  }
0x1c4: {  	s1 =	simm.s32 $0x0;
	[sflag:s20] =	ssyncadd.s32 $0xFFFFFCE0  }
0x1c5: {  	[tilespmem:s18], [sflag:$0x1] =	stream.indirect.gather [spmem:s3], $0x10, s1, s23, $0xb8;
	[tilespmem:$0x1F410] =	vst v63  }
0x1c6: {  	s24 =	simm.s32 $0xE40  }
0x1c7: {  	[tilespmem:s24], [sflag:$0x1] =	stream.indirect.gather [spmem:s3], $0x10, s23, s23, $0xb8;
	[tilespmem:$0x1F410] =	vst v63  }
0x1c8: {  	s25 =	simm.s32 $0x1640;
	s24 =	simm.s32 $0x100  }
0x1c9: {  	[tilespmem:s25], [sflag:$0x1] =	stream.indirect.gather [spmem:s3], $0x10, s24, s23, $0xb8;
	[tilespmem:$0x1F410] =	vst v63  }
0x1ca: {  	s24 =	simm.s32 $0x180;
	s25 =	simm.s32 $0x1E40  }
0x1cb: {  	[tilespmem:s25], [sflag:$0x1] =	stream.indirect.gather [spmem:s3], $0x10, s24, s28, $0xb8;
	[tilespmem:$0x1F410] =	vst v63  }
0x1cc: {  	v7 =	vadd.f32 v8, v7;
	v2 =	vmul.f32 v9, v2;
	v3 =	vsub.f32 $1.000000000e+00, v3;
	s25 =	simm.s32 $0x1F40  }
0x1cd: {  	[tilespmem:s25], [sflag:$0x1] =	stream.indirect.gather [spmem:s3], $0x10, s21, s23, $0xb8;
	[tilespmem:$0x1F410] =	vst v63  }
0x1ce: {  	s4 =	sadd.s32 s4, s17;
	v2 =	vadd.f32 v2, v7;
	v3 =	vmul.f32 v3, v4;
	v4 =	vsub.f32 $1.000000000e+00, v5;
	s24 =	simm.s32 $0x210;
	s25 =	simm.s32 $0x2740  }
0x1cf: {  	[tilespmem:s25], [sflag:$0x1] =	stream.indirect.gather [spmem:s3], $0x10, s24, s23, $0xb8;
	[tilespmem:$0x1F410] =	vst v63  }
0x1d0: {  	s8 =	sadd.s32 $0x1, s8;
	v2 =	vadd.f32 v3, v2;
	v3 =	vmul.f32 v4, v6;
	v4 =	vsub.f32 $1.000000000e+00, v10;
	s24 =	simm.s32 $0x290;
	s25 =	simm.s32 $0x2F40  }
0x1d1: {  	[tilespmem:s25], [sflag:$0x1] =	stream.indirect.gather [spmem:s3], $0x10, s24, s23, $0xb8;
	[tilespmem:$0x1F410] =	vst v63  }
0x1d2: {  	s4 =	sshrl.u32 s4, $0x3;
	v4 =	vmul.f32 v4, v11;
	v2 =	vadd.f32 v3, v2;
	v3 =	vsub.f32 $1.000000000e+00, v12;
	s24 =	simm.s32 $0x310;
	s25 =	simm.s32 $0x3740  }
0x1d3: {  	[tilespmem:s25], [sflag:$0x1] =	stream.indirect.gather [spmem:s3], $0x10, s24, s28, $0xb8;
	[tilespmem:$0x1F410] =	vst v63  }
0x1d4: {  	s4 =	sadd.s32 s5, s4;
	v2 =	vadd.f32 v4, v2;
	v3 =	vmul.f32 v3, v13;
	v4 =	vsub.f32 $1.000000000e+00, v14;
	s25 =	smul.u32 $0x320, s8  }
0x1d5: {  	[tilespmem:s12], [sflag:$0x4] =	stream.strided.gather [hbm4b:s4+s21], $0x320, s22, s21, $0x38;
	[tilespmem:$0x1F410] =	vst v63  }
0x1d6: {  	v2 =	vadd.f32 v3, v2;
	v3 =	vmul.f32 v4, v15;
	v4 =	vsub.f32 $1.000000000e+00, v16;
	s24 =	sadd.s32 s6, s25  }
0x1d7: {  	s25 =	rddreg [dreg:$0x2];
	s4 =	sshrl.u32 s24, $0x3  }
0x1d8: {  	v2 =	vadd.f32 v3, v2;
	v3 =	vmul.f32 v4, v17;
	v4 =	vsub.f32 $1.000000000e+00, v18;
	s4 =	sadd.s32 s25, s4;
	s25 =	simm.s32 $0x6A40  }
0x1d9: {  	[tilespmem:s25], [sflag:$0x4] =	stream.linear.gather [hbm4b:s4+s1], $0x320, $0x38;
	[tilespmem:$0x1F410] =	vst v63  }
0x1da: {  	v2 =	vadd.f32 v3, v2;
	v3 =	vmul.f32 v4, v19;
	v4 =	vsub.f32 $1.000000000e+00, v20;
	s25 =	simm.s32 $0x0  }
0x1db: {  	v5 =	vld [tilespmem:s25+$0x5140]  }
0x1dc: {  	v2 =	vadd.f32 v3, v2;
	v3 =	vmul.f32 v4, v21;
	v4 =	vsub.f32 $1.000000000e+00, v22;
	v6 =	vld [tilespmem:s25+$0x3840]  }
0x1dd: {  	v7 =	vld [tilespmem:s25+$0x5150]  }
0x1de: {  	v2 =	vadd.f32 v3, v2;
	v3 =	vmul.f32 v4, v23;
	v4 =	vsub.f32 $1.000000000e+00, v24;
	v8 =	vld [tilespmem:s25+$0x3850]  }
0x1df: {  	v9 =	vld [tilespmem:s25+$0x5160]  }
0x1e0: {  	v2 =	vadd.f32 v3, v2;
	v3 =	vmul.f32 v4, v25;
	v10 =	vld [tilespmem:s25+$0x5170];
	v4 =	vsub.f32 $1.000000000e+00, v5  }
0x1e1: {  	v5 =	vld [tilespmem:s25+$0x3860]  }
0x1e2: {  	v2 =	vadd.f32 v3, v2;
	v3 =	vmul.f32 v4, v6;
	v4 =	vsub.f32 $1.000000000e+00, v7;
	v6 =	vld [tilespmem:s25+$0x3870]  }
0x1e3: {  	v7 =	vld [tilespmem:s25+$0x5180]  }
0x1e4: {  	v2 =	vadd.f32 v3, v2;
	v3 =	vmul.f32 v4, v8;
	v4 =	vsub.f32 $1.000000000e+00, v9;
	v8 =	vld [tilespmem:s25+$0x3880]  }
0x1e5: {  	v9 =	vld [tilespmem:s25+$0x5190]  }
0x1e6: {  	v10 =	vsub.f32 $1.000000000e+00, v10;
	v2 =	vadd.f32 v3, v2;
	v4 =	vmul.f32 v4, v5;
	v3 =	vld [tilespmem:s25+$0x3890]  }
0x1e7: {  	v5 =	vld [tilespmem:s25+$0x51A0]  }
0x1e8: {  	v10 =	vmul.f32 v10, v6;
	v63 =	vsub.f32 $1.000000000e+00, v7;
	v6 =	vld [tilespmem:s25+$0x51B0];
	v11 =	vadd.f32 v4, v2  }
0x1e9: {  	v4 =	vld [tilespmem:s25+$0x38A0]  }
0x1ea: {  	s4 =	simm.s32 $0x80;
	s1 =	simm.s32 $0x400;
	v2 =	vld [tilespmem:s25+$0x38B0];
	v8 =	vmul.f32 v63, v8;
	v9 =	vsub.f32 $1.000000000e+00, v9;
	v7 =	vadd.f32 v10, v11  }
.LBB2_58:
0x1eb: {  	p0 =	seq.s32 s1, $0x6200;
	v10 =	vld [tilespmem:s4+$0x5140]  }
0x1ec: {  	v11 =	vld [tilespmem:s4+$0x3840];
	v7 =	vadd.f32 v8, v7;
	v3 =	vmul.f32 v9, v3;
	v5 =	vsub.f32 $1.000000000e+00, v5  }
0x1ed: {  	v8 =	vld [tilespmem:s4+$0x5150]  }
0x1ee: {  	v9 =	vld [tilespmem:s4+$0x3850];
	v3 =	vadd.f32 v3, v7;
	v4 =	vmul.f32 v5, v4;
	v5 =	vsub.f32 $1.000000000e+00, v6  }
0x1ef: {  	v6 =	vld [tilespmem:s4+$0x5160]  }
0x1f0: {  	v7 =	vsub.f32 $1.000000000e+00, v10;
	v10 =	vld [tilespmem:s4+$0x3860];
	v3 =	vadd.f32 v4, v3;
	v2 =	vmul.f32 v5, v2  }
0x1f1: {  	v4 =	vld [tilespmem:s4+$0x5170]  }
0x1f2: {  	v5 =	vmul.f32 v7, v11;
	v7 =	vsub.f32 $1.000000000e+00, v8;
	v8 =	vld [tilespmem:s4+$0x3870];
	v2 =	vadd.f32 v2, v3  }
0x1f3: {  	v11 =	vld [tilespmem:s4+$0x5180]  }
0x1f4: {  	v2 =	vadd.f32 v5, v2;
	v3 =	vmul.f32 v7, v9;
	v5 =	vsub.f32 $1.000000000e+00, v6;
	v9 =	vld [tilespmem:s4+$0x3880]  }
0x1f5: {  	v12 =	vld [tilespmem:s4+$0x5190]  }
.Ltmp27:
0x1f6: {  	v2 =	vadd.f32 v3, v2;
	v6 =	vmul.f32 v5, v10;
	v4 =	vsub.f32 $1.000000000e+00, v4;
	v3 =	vld [tilespmem:s4+$0x3890];
	(pc) =	sbr.rel @!p0 .LBB2_58-.Ltmp27, $4  }
0x1f7: {  	v5 =	vld [tilespmem:s4+$0x51A0]  }
0x1f8: {  	v2 =	vadd.f32 v6, v2;
	v7 =	vmul.f32 v4, v8;
	v8 =	vsub.f32 $1.000000000e+00, v11;
	v4 =	vld [tilespmem:s4+$0x38A0]  }
0x1f9: {  	v6 =	vld [tilespmem:s4+$0x51B0]  }
0x1fa: {  	v7 =	vadd.f32 v7, v2;
	v8 =	vmul.f32 v8, v9;
	v9 =	vsub.f32 $1.000000000e+00, v12;
	v2 =	vld [tilespmem:s4+$0x38B0];
	s4 =	sshra.s32 s1, $0x2;
	s1 =	sadd.s32 $0x200, s1  }
0x1fb: {  	v10 =	vld [tilespmem:s4+$0x5140]  }
0x1fc: {  	v11 =	vld [tilespmem:s4+$0x3840];
	v7 =	vadd.f32 v8, v7;
	v3 =	vmul.f32 v9, v3;
	v5 =	vsub.f32 $1.000000000e+00, v5  }
0x1fd: {  	v42 =	vld [tilespmem:s4+$0x5150]  }
0x1fe: {  	v43 =	vld [tilespmem:s4+$0x3850];
	v3 =	vadd.f32 v3, v7;
	v4 =	vmul.f32 v5, v4;
	v44 =	vsub.f32 $1.000000000e+00, v6  }
0x1ff: {  	v45 =	vld [tilespmem:s4+$0x5160]  }
0x200: {  	v47 =	vld [tilespmem:s4+$0x3860];
	v46 =	vsub.f32 $1.000000000e+00, v10;
	v3 =	vadd.f32 v4, v3;
	v2 =	vmul.f32 v44, v2  }
0x201: {  	v48 =	vld [tilespmem:s4+$0x5170]  }
0x202: {  	v51 =	vld [tilespmem:s4+$0x3870];
	v50 =	vsub.f32 $1.000000000e+00, v42;
	v49 =	vmul.f32 v46, v11;
	v2 =	vadd.f32 v2, v3  }
0x203: {  	v3 =	vld [tilespmem:s4+$0x5180]  }
0x204: {  	v53 =	vld [tilespmem:s4+$0x3880];
	v6 =	vsub.f32 $1.000000000e+00, v45;
	v52 =	vmul.f32 v50, v43;
	v2 =	vadd.f32 v49, v2  }
0x205: {  	v54 =	vld [tilespmem:s4+$0x5190]  }
0x206: {  	v56 =	vld [tilespmem:s4+$0x3890];
	v4 =	vsub.f32 $1.000000000e+00, v48;
	v55 =	vmul.f32 v6, v47;
	v2 =	vadd.f32 v52, v2  }
0x207: {  	v57 =	vld [tilespmem:s4+$0x51A0]  }
0x208: {  	v58 =	vld [tilespmem:s4+$0x38A0];
	v4 =	vmul.f32 v4, v51;
	v3 =	vsub.f32 $1.000000000e+00, v3;
	v2 =	vadd.f32 v55, v2  }
0x209: {  	v59 =	vld [tilespmem:s4+$0x51B0]  }
0x20a: {  	v60 =	vsub.f32 $1.000000000e+00, v54;
	v3 =	vmul.f32 v3, v53;
	v2 =	vadd.f32 v4, v2  }
0x20b: {  	v61 =	vld [tilespmem:s4+$0x38B0]  }
0x20c: {  	v62 =	vsub.f32 $1.000000000e+00, v57;
	v2 =	vadd.f32 v3, v2;
	v3 =	vmul.f32 v60, v56;
	_ =	sdelay $0x1  }
0x20d: {  	v63 =	vsub.f32 $1.000000000e+00, v59;
	v2 =	vadd.f32 v3, v2;
	v3 =	vmul.f32 v62, v58;
	_ =	sdelay $0x1  }
0x20e: {  	v2 =	vadd.f32 v3, v2;
	v3 =	vmul.f32 v63, v61;
	_ =	sdelay $0x1  }
0x20f: {  	v2 =	vadd.f32 v3, v2  }
0x210: {  	p0 =	seq.s32 s8, $0x7C  }
.Ltmp28:
0x211: {  	_ = 	snop;
	(pc) =	sbr.rel @!p0 .LBB2_53-.Ltmp28, $1  }
0x212: {  	_ =	sdelay $0x3  }
0x213: {  	_ =	swait.ge [sflag:s14], $0x1900  }
0x214: {  	[sflag:s14] =	ssyncset.done $0x0  }
0x215: {  	[sflag:s14] =	ssyncadd.s32 $0xFFFFE700  }
0x216: {  	_ =	swait.ge [sflag:s14], $0x1900  }
0x217: {  	[sflag:s14] =	ssyncset.done $0x0  }
0x218: {  	[sflag:s14] =	ssyncadd.s32 $0xFFFFE700  }
0x219: {  	_ =	swait.ge [sflag:s15], $0x320  }
0x21a: {  	[sflag:s15] =	ssyncset.done $0x0  }
0x21b: {  	[sflag:s15] =	ssyncadd.s32 $0xFFFFFCE0  }
0x21c: {  	_ =	swait.ge [sflag:s15], $0x320  }
0x21d: {  	[sflag:s15] =	ssyncset.done $0x0  }
0x21e: {  	s1 =	simm.s32 $0x3840;
	[sflag:s15] =	ssyncadd.s32 $0xFFFFFCE0  }
0x21f: {  	[tilespmem:s1], [sflag:$0x2] =	stream.indirect.gather [spmem:s3], $0x10, s12, s23, $0xb8;
	[tilespmem:$0x1F410] =	vst v63  }
0x220: {  	s8 =	simm.s32 $0x3A0;
	s4 =	simm.s32 $0x4040  }
0x221: {  	[tilespmem:s4], [sflag:$0x2] =	stream.indirect.gather [spmem:s3], $0x10, s8, s23, $0xb8;
	[tilespmem:$0x1F410] =	vst v63  }
0x222: {  	s24 =	simm.s32 $0x420;
	s25 =	simm.s32 $0x4840  }
0x223: {  	[tilespmem:s25], [sflag:$0x2] =	stream.indirect.gather [spmem:s3], $0x10, s24, s23, $0xb8;
	[tilespmem:$0x1F410] =	vst v63  }
0x224: {  	_ = 	snop  }
0x225: {  	[tilespmem:s29], [sflag:$0x2] =	stream.indirect.gather [spmem:s3], $0x10, s26, s28, $0xb8;
	[tilespmem:$0x1F410] =	vst v63  }
0x226: {  	_ = 	snop  }
0x227: {  	[tilespmem:s31], [sflag:$0x2] =	stream.indirect.gather [spmem:s3], $0x10, s30, s23, $0xb8;
	[tilespmem:$0x1F410] =	vst v63  }
0x228: {  	_ = 	snop  }
0x229: {  	[tilespmem:s2], [sflag:$0x2] =	stream.indirect.gather [spmem:s3], $0x10, s0, s23, $0xb8;
	[tilespmem:$0x1F410] =	vst v63  }
0x22a: {  	_ = 	snop  }
0x22b: {  	[tilespmem:s9], [sflag:$0x2] =	stream.indirect.gather [spmem:s3], $0x10, s7, s23, $0xb8;
	[tilespmem:$0x1F410] =	vst v63  }
0x22c: {  	s8 =	simm.s32 $0x0  }
0x22d: {  	[tilespmem:s11], [sflag:$0x2] =	stream.indirect.gather [spmem:s3], $0x10, s10, s28, $0xb8;
	[tilespmem:$0x1F410] =	vst v63  }
0x22e: {  	s1 =	simm.s32 $0x40;
	v5 =	vld [tilespmem:s8+$0x6A40]  }
.LBB2_61:
0x22f: {  	p0 =	sne.s32 s1, $0xC40  }
.Ltmp29:
0x230: {  	_ = 	snop;
	(pc) =	sbr.rel @p0 .LBB2_61-.Ltmp29, $3  }
0x231: {  	_ =	sdelay $0x1  }
0x232: {  	s4 =	sshra.s32 s1, $0x2;
	s1 =	sadd.s32 $0x40, s1;
	v1 =	vadd.f32 v5, v1  }
0x233: {  	v5 =	vld [tilespmem:s4+$0x6A40]  }
0x234: {  	v3 =	vld [tilespmem:s8+$0x1F40]  }
0x235: {  	v4 =	vld [tilespmem:s8+$0x640]  }
0x236: {  	v6 =	vld [tilespmem:s8+$0x1F50]  }
0x237: {  	v7 =	vld [tilespmem:s8+$0x650]  }
0x238: {  	v8 =	vld [tilespmem:s8+$0x1F60]  }
0x239: {  	v9 =	vld [tilespmem:s8+$0x660];
	v3 =	vsub.f32 $1.000000000e+00, v3  }
0x23a: {  	v10 =	vld [tilespmem:s8+$0x1F70]  }
0x23b: {  	v11 =	vld [tilespmem:s8+$0x1F80];
	v3 =	vmul.f32 v3, v4;
	v4 =	vsub.f32 $1.000000000e+00, v6  }
0x23c: {  	v6 =	vld [tilespmem:s8+$0x670]  }
0x23d: {  	v12 =	vld [tilespmem:s8+$0x1F90];
	v2 =	vadd.f32 v3, v2;
	v3 =	vmul.f32 v4, v7;
	v4 =	vsub.f32 $1.000000000e+00, v8  }
0x23e: {  	v8 =	vld [tilespmem:s8+$0x680]  }
0x23f: {  	v3 =	vadd.f32 v3, v2;
	v7 =	vmul.f32 v4, v9;
	v9 =	vsub.f32 $1.000000000e+00, v10;
	v2 =	vld [tilespmem:s8+$0x690]  }
0x240: {  	v4 =	vld [tilespmem:s8+$0x1FA0]  }
0x241: {  	v10 =	vsub.f32 $1.000000000e+00, v11;
	v7 =	vadd.f32 v7, v3;
	v9 =	vmul.f32 v9, v6;
	v3 =	vld [tilespmem:s8+$0x6A0]  }
0x242: {  	v1 =	vadd.f32 v5, v1;
	v6 =	vld [tilespmem:s8+$0x1FB0]  }
0x243: {  	s4 =	simm.s32 $0x80;
	s1 =	simm.s32 $0x400;
	v5 =	vld [tilespmem:s8+$0x6B0];
	v8 =	vmul.f32 v10, v8;
	v7 =	vadd.f32 v9, v7;
	v9 =	vsub.f32 $1.000000000e+00, v12  }
.LBB2_63:
0x244: {  	p0 =	sne.s32 s1, $0x6200;
	v10 =	vld [tilespmem:s4+$0x1F40]  }
0x245: {  	v11 =	vld [tilespmem:s4+$0x640];
	v7 =	vadd.f32 v8, v7;
	v2 =	vmul.f32 v9, v2;
	v4 =	vsub.f32 $1.000000000e+00, v4  }
0x246: {  	v8 =	vld [tilespmem:s4+$0x1F50]  }
0x247: {  	v9 =	vld [tilespmem:s4+$0x650];
	v2 =	vadd.f32 v2, v7;
	v3 =	vmul.f32 v4, v3;
	v4 =	vsub.f32 $1.000000000e+00, v6  }
0x248: {  	v6 =	vld [tilespmem:s4+$0x1F60]  }
0x249: {  	v7 =	vsub.f32 $1.000000000e+00, v10;
	v10 =	vld [tilespmem:s4+$0x660];
	v2 =	vadd.f32 v3, v2;
	v3 =	vmul.f32 v4, v5  }
0x24a: {  	v4 =	vld [tilespmem:s4+$0x1F70]  }
0x24b: {  	v5 =	vmul.f32 v7, v11;
	v7 =	vsub.f32 $1.000000000e+00, v8;
	v8 =	vld [tilespmem:s4+$0x670];
	v2 =	vadd.f32 v3, v2  }
0x24c: {  	v3 =	vld [tilespmem:s4+$0x1F80]  }
0x24d: {  	v2 =	vadd.f32 v5, v2;
	v5 =	vmul.f32 v7, v9;
	v6 =	vsub.f32 $1.000000000e+00, v6;
	v9 =	vld [tilespmem:s4+$0x680]  }
0x24e: {  	v11 =	vld [tilespmem:s4+$0x1F90]  }
.Ltmp30:
0x24f: {  	v5 =	vadd.f32 v5, v2;
	v6 =	vmul.f32 v6, v10;
	v7 =	vsub.f32 $1.000000000e+00, v4;
	v2 =	vld [tilespmem:s4+$0x690];
	(pc) =	sbr.rel @p0 .LBB2_63-.Ltmp30, $4  }
0x250: {  	v4 =	vld [tilespmem:s4+$0x1FA0]  }
0x251: {  	v5 =	vadd.f32 v6, v5;
	v7 =	vmul.f32 v7, v8;
	v8 =	vsub.f32 $1.000000000e+00, v3;
	v3 =	vld [tilespmem:s4+$0x6A0]  }
0x252: {  	v6 =	vld [tilespmem:s4+$0x1FB0]  }
0x253: {  	v7 =	vadd.f32 v7, v5;
	v8 =	vmul.f32 v8, v9;
	v9 =	vsub.f32 $1.000000000e+00, v11;
	v5 =	vld [tilespmem:s4+$0x6B0];
	s4 =	sshra.s32 s1, $0x2;
	s1 =	sadd.s32 $0x200, s1  }
0x254: {  	v10 =	vld [tilespmem:s4+$0x1F40]  }
0x255: {  	v11 =	vld [tilespmem:s4+$0x640]  }
0x256: {  	v12 =	vld [tilespmem:s4+$0x1F50]  }
0x257: {  	v13 =	vld [tilespmem:s4+$0x650]  }
0x258: {  	v14 =	vld [tilespmem:s4+$0x1F60]  }
0x259: {  	v15 =	vld [tilespmem:s4+$0x660]  }
0x25a: {  	v16 =	vld [tilespmem:s4+$0x1F70];
	v7 =	vadd.f32 v8, v7;
	v2 =	vmul.f32 v9, v2;
	v4 =	vsub.f32 $1.000000000e+00, v4  }
0x25b: {  	v62 =	vld [tilespmem:s4+$0x1FB0]  }
0x25c: {  	v63 =	vld [tilespmem:s4+$0x6B0];
	v2 =	vadd.f32 v2, v7;
	v3 =	vmul.f32 v4, v3;
	v4 =	vsub.f32 $1.000000000e+00, v6  }
0x25d: {  	v8 =	vld [tilespmem:s4+$0x670]  }
0x25e: {  	v9 =	vld [tilespmem:s4+$0x1F80];
	v10 =	vsub.f32 $1.000000000e+00, v10;
	v2 =	vadd.f32 v3, v2;
	v3 =	vmul.f32 v4, v5  }
0x25f: {  	v6 =	vld [tilespmem:s4+$0x680]  }
0x260: {  	v7 =	vld [tilespmem:s4+$0x1F90];
	v10 =	vmul.f32 v10, v11;
	v11 =	vsub.f32 $1.000000000e+00, v12;
	v2 =	vadd.f32 v3, v2  }
0x261: {  	v4 =	vld [tilespmem:s4+$0x690]  }
0x262: {  	v5 =	vld [tilespmem:s4+$0x1FA0];
	v2 =	vadd.f32 v10, v2;
	v10 =	vmul.f32 v11, v13;
	v11 =	vsub.f32 $1.000000000e+00, v14  }
0x263: {  	v3 =	vld [tilespmem:s4+$0x6A0];
	_ =	swait.ge [sflag:s13], $0x1900  }
0x264: {  	[sflag:s13] =	ssyncset.done $0x0;
	v2 =	vadd.f32 v10, v2;
	v10 =	vmul.f32 v11, v15;
	v11 =	vsub.f32 $1.000000000e+00, v16  }
0x265: {  	[sflag:s13] =	ssyncadd.s32 $0xFFFFE700  }
0x266: {  	v9 =	vsub.f32 $1.000000000e+00, v9;
	_ =	swait.ge [sflag:s13], $0x1900;
	v2 =	vadd.f32 v10, v2;
	v8 =	vmul.f32 v11, v8  }
0x267: {  	[sflag:s13] =	ssyncset.done $0x0  }
0x268: {  	s8 =	simm.s32 $0x0;
	v6 =	vmul.f32 v9, v6;
	v7 =	vsub.f32 $1.000000000e+00, v7;
	[sflag:s13] =	ssyncadd.s32 $0xFFFFE700;
	v2 =	vadd.f32 v8, v2  }
0x269: {  	v8 =	vld [tilespmem:s8+$0x5140]  }
0x26a: {  	v4 =	vmul.f32 v7, v4;
	v5 =	vsub.f32 $1.000000000e+00, v5;
	v7 =	vld [tilespmem:s8+$0x5150];
	v2 =	vadd.f32 v6, v2  }
0x26b: {  	v6 =	vld [tilespmem:s8+$0x3840]  }
0x26c: {  	v3 =	vmul.f32 v5, v3;
	v5 =	vld [tilespmem:s8+$0x3850];
	v2 =	vadd.f32 v4, v2;
	v4 =	vsub.f32 $1.000000000e+00, v62  }
0x26d: {  	v9 =	vld [tilespmem:s8+$0x5160]  }
0x26e: {  	v10 =	vld [tilespmem:s8+$0x5170];
	v2 =	vadd.f32 v3, v2;
	v3 =	vmul.f32 v4, v63;
	v4 =	vsub.f32 $1.000000000e+00, v8  }
0x26f: {  	v8 =	vld [tilespmem:s8+$0x3860]  }
0x270: {  	v2 =	vadd.f32 v3, v2;
	v3 =	vmul.f32 v4, v6;
	v4 =	vsub.f32 $1.000000000e+00, v7;
	v6 =	vld [tilespmem:s8+$0x3870]  }
0x271: {  	v7 =	vld [tilespmem:s8+$0x5180]  }
0x272: {  	v11 =	vld [tilespmem:s8+$0x5190];
	v2 =	vadd.f32 v3, v2;
	v3 =	vmul.f32 v4, v5;
	v4 =	vsub.f32 $1.000000000e+00, v9  }
0x273: {  	v9 =	vld [tilespmem:s8+$0x3880]  }
0x274: {  	v5 =	vld [tilespmem:s8+$0x51A0];
	v3 =	vadd.f32 v3, v2;
	v4 =	vmul.f32 v4, v8;
	v8 =	vsub.f32 $1.000000000e+00, v10  }
0x275: {  	v2 =	vld [tilespmem:s8+$0x3890]  }
0x276: {  	v10 =	vsub.f32 $1.000000000e+00, v7;
	v4 =	vadd.f32 v4, v3;
	v8 =	vmul.f32 v8, v6;
	v3 =	vld [tilespmem:s8+$0x38A0]  }
0x277: {  	v6 =	vld [tilespmem:s8+$0x51B0]  }
0x278: {  	s1 =	simm.s32 $0x400;
	s4 =	simm.s32 $0x80;
	v7 =	vadd.f32 v8, v4;
	v8 =	vmul.f32 v10, v9;
	v9 =	vsub.f32 $1.000000000e+00, v11;
	v4 =	vld [tilespmem:s8+$0x38B0]  }
.LBB2_65:
0x279: {  	p0 =	sne.s32 s1, $0x6200;
	v10 =	vld [tilespmem:s4+$0x5140]  }
0x27a: {  	v11 =	vld [tilespmem:s4+$0x3840];
	v7 =	vadd.f32 v8, v7;
	v2 =	vmul.f32 v9, v2;
	v5 =	vsub.f32 $1.000000000e+00, v5  }
0x27b: {  	v8 =	vld [tilespmem:s4+$0x5150]  }
0x27c: {  	v9 =	vld [tilespmem:s4+$0x3850];
	v2 =	vadd.f32 v2, v7;
	v3 =	vmul.f32 v5, v3;
	v5 =	vsub.f32 $1.000000000e+00, v6  }
0x27d: {  	v6 =	vld [tilespmem:s4+$0x5160]  }
0x27e: {  	v7 =	vsub.f32 $1.000000000e+00, v10;
	v10 =	vld [tilespmem:s4+$0x3860];
	v2 =	vadd.f32 v3, v2;
	v3 =	vmul.f32 v5, v4  }
0x27f: {  	v4 =	vld [tilespmem:s4+$0x5170]  }
0x280: {  	v5 =	vmul.f32 v7, v11;
	v7 =	vsub.f32 $1.000000000e+00, v8;
	v8 =	vld [tilespmem:s4+$0x3870];
	v2 =	vadd.f32 v3, v2  }
0x281: {  	v3 =	vld [tilespmem:s4+$0x5180]  }
0x282: {  	v2 =	vadd.f32 v5, v2;
	v5 =	vmul.f32 v7, v9;
	v6 =	vsub.f32 $1.000000000e+00, v6;
	v9 =	vld [tilespmem:s4+$0x3880]  }
0x283: {  	v11 =	vld [tilespmem:s4+$0x5190]  }
.Ltmp31:
0x284: {  	v7 =	vadd.f32 v5, v2;
	v6 =	vmul.f32 v6, v10;
	v4 =	vsub.f32 $1.000000000e+00, v4;
	v2 =	vld [tilespmem:s4+$0x3890];
	(pc) =	sbr.rel @p0 .LBB2_65-.Ltmp31, $4  }
0x285: {  	v5 =	vld [tilespmem:s4+$0x51A0]  }
0x286: {  	v7 =	vadd.f32 v6, v7;
	v4 =	vmul.f32 v4, v8;
	v8 =	vsub.f32 $1.000000000e+00, v3;
	v3 =	vld [tilespmem:s4+$0x38A0]  }
0x287: {  	v6 =	vld [tilespmem:s4+$0x51B0]  }
0x288: {  	v7 =	vadd.f32 v4, v7;
	v8 =	vmul.f32 v8, v9;
	v9 =	vsub.f32 $1.000000000e+00, v11;
	v4 =	vld [tilespmem:s4+$0x38B0];
	s4 =	sshra.s32 s1, $0x2;
	s1 =	sadd.s32 $0x200, s1  }
0x289: {  	v10 =	vld [tilespmem:s4+$0x5140]  }
0x28a: {  	v11 =	vld [tilespmem:s4+$0x3840];
	v7 =	vadd.f32 v8, v7;
	v2 =	vmul.f32 v9, v2;
	v5 =	vsub.f32 $1.000000000e+00, v5  }
0x28b: {  	v37 =	vld [tilespmem:s4+$0x5150]  }
0x28c: {  	v38 =	vld [tilespmem:s4+$0x3850];
	v2 =	vadd.f32 v2, v7;
	v3 =	vmul.f32 v5, v3;
	v39 =	vsub.f32 $1.000000000e+00, v6  }
0x28d: {  	v40 =	vld [tilespmem:s4+$0x5160]  }
0x28e: {  	v42 =	vld [tilespmem:s4+$0x3860];
	v41 =	vsub.f32 $1.000000000e+00, v10;
	v2 =	vadd.f32 v3, v2;
	v43 =	vmul.f32 v39, v4  }
0x28f: {  	v44 =	vld [tilespmem:s4+$0x5170]  }
0x290: {  	v47 =	vld [tilespmem:s4+$0x3870];
	v46 =	vsub.f32 $1.000000000e+00, v37;
	v45 =	vmul.f32 v41, v11;
	v2 =	vadd.f32 v43, v2  }
0x291: {  	v48 =	vld [tilespmem:s4+$0x5180]  }
0x292: {  	v50 =	vld [tilespmem:s4+$0x3880];
	v6 =	vsub.f32 $1.000000000e+00, v40;
	v49 =	vmul.f32 v46, v38;
	v2 =	vadd.f32 v45, v2  }
0x293: {  	v51 =	vld [tilespmem:s4+$0x5190]  }
0x294: {  	v53 =	vld [tilespmem:s4+$0x3890];
	v4 =	vsub.f32 $1.000000000e+00, v44;
	v52 =	vmul.f32 v6, v42;
	v2 =	vadd.f32 v49, v2  }
0x295: {  	v54 =	vld [tilespmem:s4+$0x51A0]  }
0x296: {  	v55 =	vld [tilespmem:s4+$0x38A0];
	v3 =	vsub.f32 $1.000000000e+00, v48;
	v4 =	vmul.f32 v4, v47;
	v2 =	vadd.f32 v52, v2  }
0x297: {  	v56 =	vld [tilespmem:s4+$0x51B0]  }
0x298: {  	v57 =	vsub.f32 $1.000000000e+00, v51;
	v3 =	vmul.f32 v3, v50;
	v2 =	vadd.f32 v4, v2  }
0x299: {  	v58 =	vld [tilespmem:s4+$0x38B0]  }
0x29a: {  	v60 =	vsub.f32 $1.000000000e+00, v54;
	v59 =	vmul.f32 v57, v53;
	v2 =	vadd.f32 v3, v2;
	_ =	sdelay $0x1  }
0x29b: {  	v62 =	vsub.f32 $1.000000000e+00, v56;
	v61 =	vmul.f32 v60, v55;
	v2 =	vadd.f32 v59, v2;
	_ =	sdelay $0x1  }
0x29c: {  	v63 =	vmul.f32 v62, v58;
	v2 =	vadd.f32 v61, v2;
	_ =	sdelay $0x1  }
0x29d: {  	s25 =	sld [smem:$0x7F7];
	v2 =	vadd.f32 v63, v2;
	_ =	sdelay $0x1  }
0x29e: {  	s1 =	simm.s32 $0x0;
	s8 =	simm.s32 $0x6D60;
	[tilespmem:$0x6D60] =	vst v2  }
0x29f: {  	[hbm4b:s25+s1] =	stream.linear.scatter [tilespmem:s8], [sflag:$0x5], $0x10, $0x38;
	[tilespmem:$0x1F410] =	vst v63  }
0x2a0: {  	_ =	swait.ge [sflag:s19], $0x10  }
0x2a1: {  	[sflag:s19] =	ssyncset.done $0x0;
	s24 =	sld [smem:$0x7F8]  }
0x2a2: {  	[sflag:s19] =	ssyncadd.s32 $0xFFFFFFF0  }
0x2a3: {  	[tilespmem:$0x6D60] =	vst v1  }
0x2a4: {  	[hbm4b:s24+s1] =	stream.linear.scatter [tilespmem:s8], [sflag:$0x5], $0x10, $0x38;
	[tilespmem:$0x1F410] =	vst v63  }
0x2a5: {  	_ =	swait.ge [sflag:s19], $0x10  }
0x2a6: {  	[sflag:s19] =	ssyncset.done $0x0;
	s25 =	sld [smem:$0x7F9]  }
0x2a7: {  	[sflag:s19] =	ssyncadd.s32 $0xFFFFFFF0  }
0x2a8: {  	[tilespmem:$0x6D60] =	vst v0  }
0x2a9: {  	[hbm4b:s25+s1] =	stream.linear.scatter [tilespmem:s8], [sflag:$0x5], $0x10, $0x38;
	[tilespmem:$0x1F410] =	vst v63  }
0x2aa: {  	_ =	swait.ge [sflag:s19], $0x10  }
0x2ab: {  	s24 =	sld [smem:$0x7F5]  }
0x2ac: {  	s25 =	sld [smem:$0x7FA];
	_ =	sdelay $0x1  }
0x2ad: {  	s8 =	sadd.s32 $0x1, s24  }
0x2ae: {  	p0 =	sne.s32 s8, s25  }
.Ltmp32:
0x2af: {  	_ = 	snop;
	(pc) =	sbr.rel @p0 .LBB2_1-.Ltmp32, $3  }
0x2b0: {  	_ =	sdelay $0x1  }
0x2b1: {  	[sflag:s19] =	ssyncset.done $0x0  }
0x2b2: {  	[sflag:s19] =	ssyncadd.s32 $0xFFFFFFF0  }
0x2b3: {  	_ =	sfence.sel $0x180000  }
0x2b4: {  	[bflag:$0x0] =	sbarrier.arrive $0xFFFF  }
0x2b5: {  	_ =	strace $0x90000047  }
0x2b6: {  	s0 =	stileid.u32;
	[bflag:$0x2] =	sbarrier.arrive $0xFFFF  }
0x2b7: {  	p0 =	sne.s32 s0, $0x0;
	s0 =	rddreg [dreg:$0x4]  }
0x2b8: {  	s0 =	sadd.s32 @!p0 $0x100000, s0  }
0x2b9: {  	[sflag:s0] =	ssyncadd.tile.s32 @!p0 $0x1;
	_ =	shalt  }
.Lfunc_end2:
_tile_overlayer_lowered:
.L_overlay_start_2:
0x2ba: {  	(tag) =	ssettag $0x2  }
0x2bb: {  	s0 =	rddreg [dreg:$0x0];
	s2 =	stileid.u32  }
0x2bc: {  	s1 =	rddreg [dreg:$0x1];
	p0 =	sne.s32 s2, $0x0  }
0x2bd: {  	s3 =	rddreg [dreg:$0x2];
	[bflag:$0x3] =	sbarrier.arrive $0xFFFF;
	s2 =	simm.s32 @!p0 $0x1C05  }
0x2be: {  	[timem:s3], [sflag:s2] =	dma.local @!p0 [hbm:s0], s1  }
0x2bf: {  	s0 =	simm.s32 @!p0 $0x5  }
0x2c0: {  	_ =	swait.ge @!p0 [sflag:s0], s1  }
0x2c1: {  	s1 =	ssub.s32 @!p0 $0x0, s1;
	[sflag:s0] =	ssyncset.done @!p0 $0x0  }
0x2c2: {  	[sflag:s0] =	ssyncadd.s32 @!p0 s1  }
0x2c3: {  	[bflag:$0x3] =	sbarrier.arrive $0xFFFF  }
0x2c4: {  	_ =	shalt  }

</sc_bundles>
